<compile_context>
chip_gen: v7x
topology: tpu7x:2x2x1
jax: 0.10.2.dev20260603
libtpu: 0.0.44.dev20260713+nightly
codegen_flags: <defaults>
</compile_context>

<pallas_src>
import functools

import jax
import jax.numpy as jnp
from jax import lax
from jax.experimental import pallas as pl
from jax.experimental.pallas import tpu as pltpu
from jax.experimental.pallas import tpu_sc as plsc

B = 16
N = 20000
LANES = 16


def _prep_body(lt_ref, bt_ref, ts_ref, key_ref, meta_ref, w_ref):
    l0 = lt_ref[0]
    best = l0
    cls = jnp.zeros(l0.shape, jnp.int32)
    for c in (1, 2, 3):
        lc = lt_ref[c]
        gt = lc > best
        cls = jnp.where(gt, jnp.int32(c), cls)
        best = jnp.where(gt, lc, best)
    bg = cls == 0
    center = jnp.where(bg, jnp.float32(0.0), bt_ref[0])
    absw = jnp.where(bg, jnp.float32(0.0), jnp.abs(bt_ref[1]))
    s = jnp.sum(absw, axis=1, keepdims=True)
    wfrac = absw / (s + jnp.float32(1e-8))
    w_ref[...] = (wfrac * ts_ref[...]).astype(jnp.int32)
    bits = lax.bitcast_convert_type(center, jnp.int32)
    key_ref[...] = jnp.where(bits >= 0, bits | jnp.int32(-(2 ** 31)), ~bits)
    iota = lax.broadcasted_iota(jnp.int32, (B, N), 1)
    meta_ref[...] = (iota << 2) | cls


NU = 10
BLK = N // NU
NB16 = BLK // LANES
RBINS = 2048
PASSES = ((0, 2047), (11, 2047), (22, 1023))


def _sort_body(key_hbm, meta_hbm, w_hbm, cls_out, w_out, ka, ma, kb, mb, wv,
               *hs):
    c = lax.axis_index("c")
    s = lax.axis_index("s")

    @pl.when(s < 8)
    def _():
        row = c * 8 + s
        pltpu.sync_copy(key_hbm.at[row], ka)
        pltpu.sync_copy(meta_hbm.at[row], ma)
        pltpu.sync_copy(w_hbm.at[row], wv)
        ones = jnp.ones((LANES,), jnp.int32)
        zeros = jnp.zeros((LANES,), jnp.int32)

        for pno, (shift, dmask) in enumerate(PASSES):
            src_k, src_m = (ka, ma) if pno % 2 == 0 else (kb, mb)
            dst_k, dst_m = (kb, mb) if pno % 2 == 0 else (ka, ma)
            last = pno == len(PASSES) - 1

            def zbody(j, _):
                for u in range(NU):
                    hs[u][pl.ds(j * LANES, LANES)] = zeros
                return 0
            lax.fori_loop(0, RBINS // LANES, zbody, 0)

            def hbody(i, _, src_k=src_k, shift=shift, dmask=dmask):
                ds_ = []
                for u in range(NU):
                    k = src_k[pl.ds(u * BLK + i * LANES, LANES)]
                    ds_.append(lax.shift_right_logical(k, shift) & dmask)
                for u in range(NU):
                    plsc.addupdate_scatter(hs[u], [ds_[u]], ones)
                return 0
            lax.fori_loop(0, NB16, hbody, 0)

            def sbody(j, carry):
                sl = pl.ds(j * LANES, LANES)
                vs = [hs[u][sl] for u in range(NU)]
                t = vs[0]
                for u in range(1, NU):
                    t = t + vs[u]
                incl = plsc.cumsum(t)
                acc = (incl - t) + carry
                for u in range(NU):
                    hs[u][sl] = acc
                    acc = acc + vs[u]
                return carry + jnp.sum(t, axis=0)
            lax.fori_loop(0, RBINS // LANES, sbody, jnp.int32(0))

            def pbody(i, _, src_k=src_k, src_m=src_m, dst_k=dst_k,
                      dst_m=dst_m, shift=shift, dmask=dmask, last=last):
                ks, ms, ds_, poss, ws = [], [], [], [], []
                for u in range(NU):
                    sl = pl.ds(u * BLK + i * LANES, LANES)
                    k = src_k[sl]
                    m = src_m[sl]
                    d = lax.shift_right_logical(k, shift) & dmask
                    cnt, _lastm = plsc.scan_count(d)
                    base = plsc.load_gather(hs[u], [d])
                    ks.append(k)
                    ms.append(m)
                    ds_.append(d)
                    poss.append(base + cnt - 1)
                    if last:
                        ws.append(plsc.load_gather(
                            wv, [lax.shift_right_logical(m, 2)]))
                for u in range(NU):
                    plsc.addupdate_scatter(hs[u], [ds_[u]], ones)
                    if not last:
                        plsc.store_scatter(dst_k, [poss[u]], ks[u])
                        plsc.store_scatter(dst_m, [poss[u]], ms[u])
                    else:
                        plsc.store_scatter(kb, [poss[u]], ms[u] & 3)
                        plsc.store_scatter(mb, [poss[u]], ws[u])
                return 0
            lax.fori_loop(0, NB16, pbody, 0)

        pltpu.sync_copy(kb, cls_out.at[row])
        pltpu.sync_copy(mb, w_out.at[row])


@jax.jit
def kernel(pred_logits, pred_boxes, target_sizes):
    lt = jnp.transpose(pred_logits, (2, 0, 1))
    bt = jnp.transpose(pred_boxes, (2, 0, 1))
    ts = target_sizes.astype(jnp.float32)[:, None]

    key, meta, w = pl.pallas_call(
        _prep_body,
        out_shape=(
            jax.ShapeDtypeStruct((B, N), jnp.int32),
            jax.ShapeDtypeStruct((B, N), jnp.int32),
            jax.ShapeDtypeStruct((B, N), jnp.int32),
        ),
    )(lt, bt, ts)

    sort = pl.kernel(
        _sort_body,
        out_type=(
            jax.ShapeDtypeStruct((B, N), jnp.int32),
            jax.ShapeDtypeStruct((B, N), jnp.int32),
        ),
        mesh=plsc.VectorSubcoreMesh(core_axis_name="c", subcore_axis_name="s"),
        compiler_params=pltpu.CompilerParams(needs_layout_passes=False),
        scratch_types=(
            [pltpu.VMEM((N,), jnp.int32)] * 5
            + [pltpu.VMEM((RBINS,), jnp.int32)] * NU
        ),
    )
    return sort(key, meta, w)

# --- scband reference (transcript-rebuilt; emitter-appended) ---
"""Pipeline reference for scband-post-process-34316788695236 (READ-ONLY COPY).

The authoritative reference and input builder live on the scoring server;
editing this copy changes nothing except your own understanding.
"""

import jax, jax.numpy as jnp
import numpy as np


def setup_inputs(seed: int = 0) -> dict:
    key = jax.random.key(seed)
    k1, k2, k3 = jax.random.split(key, 3)
    pred_logits = jax.random.normal(k1, (16, 20000, 4), dtype=jnp.float32)
    pred_boxes = jax.random.normal(k2, (16, 20000, 2), dtype=jnp.float32)
    target_sizes = jax.random.randint(k3, (16,), 0, 4096, dtype=jnp.int32)
    return {"pred_logits": pred_logits, "pred_boxes": pred_boxes, "target_sizes": target_sizes}


def reference(pred_logits, pred_boxes, target_sizes):
    # softmax over classes, argmax to get per-query class prediction
    prob = jax.nn.softmax(pred_logits, axis=-1)
    query_cls_preds = jnp.argmax(prob, axis=-1)  # [B, N_q] int
    # zero out boxes whose predicted class == 0 (background / excluded queries)
    mask = (query_cls_preds == 0)
    out_bbox = jnp.where(mask[..., None], jnp.zeros((), dtype=pred_boxes.dtype), pred_boxes)
    centers = out_bbox[:, :, 0]
    widths_raw = out_bbox[:, :, 1]
    # sort by center ascending, gather widths in same order
    indices = jnp.argsort(centers, axis=-1)  # stable ascending, matches torch.sort order semantics
    widths = jnp.take_along_axis(widths_raw, indices, axis=-1)
    abs_w = jnp.abs(widths)
    abs_sum = jnp.sum(abs_w, axis=-1, keepdims=True)
    widths = abs_w / (abs_sum + 1e-08)
    widths = widths * target_sizes[:, None].astype(widths.dtype)
    sorted_cls = jnp.take_along_axis(query_cls_preds, indices, axis=-1)
    return (sorted_cls, widths.astype(jnp.int64))

if __name__ == "__main__":
    import jax
    _d = setup_inputs()
    print(jax.jit(kernel)(*tuple(_d.values())))

</pallas_src>

<mosaic_0001>
#map = affine_map<(d0, d1) -> (0, 0)>
module attributes {stable_mosaic.version = 14 : i64} {
  func.func @_sort_body(%arg0: i32, %arg1: i32, %arg2: memref<16x20000xi32, #tpu.memory_space<hbm>>, %arg3: memref<16x20000xi32, #tpu.memory_space<hbm>>, %arg4: memref<16x20000xi32, #tpu.memory_space<hbm>>, %arg5: memref<16x20000xi32, #tpu.memory_space<hbm>>, %arg6: memref<16x20000xi32, #tpu.memory_space<hbm>>, %arg7: memref<20000xi32, #tpu.memory_space<vmem>>, %arg8: memref<20000xi32, #tpu.memory_space<vmem>>, %arg9: memref<20000xi32, #tpu.memory_space<vmem>>, %arg10: memref<20000xi32, #tpu.memory_space<vmem>>, %arg11: memref<20000xi32, #tpu.memory_space<vmem>>, %arg12: memref<2048xi32, #tpu.memory_space<vmem>>, %arg13: memref<2048xi32, #tpu.memory_space<vmem>>, %arg14: memref<2048xi32, #tpu.memory_space<vmem>>, %arg15: memref<2048xi32, #tpu.memory_space<vmem>>, %arg16: memref<2048xi32, #tpu.memory_space<vmem>>, %arg17: memref<2048xi32, #tpu.memory_space<vmem>>, %arg18: memref<2048xi32, #tpu.memory_space<vmem>>, %arg19: memref<2048xi32, #tpu.memory_space<vmem>>, %arg20: memref<2048xi32, #tpu.memory_space<vmem>>, %arg21: memref<2048xi32, #tpu.memory_space<vmem>>) attributes {dimension_semantics = [#tpu.dimension_semantics<core_parallel>, #tpu.dimension_semantics<subcore_parallel>], iteration_bounds = array<i64: 2, 16>, scalar_prefetch = 0 : i64, scratch_operands = 15 : i64, tpu.core_type = #tpu.core_type<sc_vector_subcore>, window_params = [{transform_indices = #map}, {transform_indices = #map}, {transform_indices = #map}, {transform_indices = #map}, {transform_indices = #map}]} {
    %lt3A = arith.constant 8 : i32
    %lt3A_0 = arith.cmpi slt, %arg1, %lt3A : i32
    %convert_element_type3A = arith.extui %lt3A_0 : i1 to i32
    %cond3A = arith.constant 0 : i32
    %cond3A_1 = arith.cmpi ne, %convert_element_type3A, %cond3A : i32
    scf.if %cond3A_1 {
      %mul3A = arith.constant 8 : i32
      %mul3A_2 = arith.muli %arg0, %mul3A : i32
      %add3A = arith.addi %mul3A_2, %arg1 : i32
      "tpu.region"() ({
        %run_scoped3A = tpu.sem_alloc : memref<!tpu.dma_semaphore, #tpu.memory_space<semaphore_mem>>
        %dma_start3A = arith.constant 0 : i32
        %dma_start3A_89 = tpu.memref_slice %arg2[%add3A, %dma_start3A] : memref<16x20000xi32, #tpu.memory_space<hbm>> -> memref<1x20000xi32, #tpu.memory_space<hbm>>
        %dma_start3A_90 = tpu.memref_squeeze %dma_start3A_89 : memref<1x20000xi32, #tpu.memory_space<hbm>> -> memref<20000xi32, #tpu.memory_space<hbm>>
        %dma_start3A_91 = arith.constant 0 : i32
        %dma_start3A_92 = tpu.memref_slice %arg2[%add3A, %dma_start3A_91] : memref<16x20000xi32, #tpu.memory_space<hbm>> -> memref<1x20000xi32, #tpu.memory_space<hbm>>
        %dma_start3A_93 = tpu.memref_squeeze %dma_start3A_92 : memref<1x20000xi32, #tpu.memory_space<hbm>> -> memref<20000xi32, #tpu.memory_space<hbm>>
        tpu.enqueue_dma source(%dma_start3A_93 : memref<20000xi32, #tpu.memory_space<hbm>>) target(%arg7 : memref<20000xi32, #tpu.memory_space<vmem>>) target_semaphore(%run_scoped3A : memref<!tpu.dma_semaphore, #tpu.memory_space<semaphore_mem>>)
        %dma_wait3A = arith.constant 0 : i32
        %dma_wait3A_94 = tpu.memref_slice %arg2[%add3A, %dma_wait3A] : memref<16x20000xi32, #tpu.memory_space<hbm>> -> memref<1x20000xi32, #tpu.memory_space<hbm>>
        %dma_wait3A_95 = tpu.memref_squeeze %dma_wait3A_94 : memref<1x20000xi32, #tpu.memory_space<hbm>> -> memref<20000xi32, #tpu.memory_space<hbm>>
        %dma_wait3A_96 = arith.constant 0 : i32
        %dma_wait3A_97 = tpu.memref_slice %arg2[%add3A, %dma_wait3A_96] : memref<16x20000xi32, #tpu.memory_space<hbm>> -> memref<1x20000xi32, #tpu.memory_space<hbm>>
        %dma_wait3A_98 = tpu.memref_squeeze %dma_wait3A_97 : memref<1x20000xi32, #tpu.memory_space<hbm>> -> memref<20000xi32, #tpu.memory_space<hbm>>
        tpu.wait_dma2 semaphore(%run_scoped3A : memref<!tpu.dma_semaphore, #tpu.memory_space<semaphore_mem>>) src(%dma_wait3A_98 : memref<20000xi32, #tpu.memory_space<hbm>>) dst(%arg7 : memref<20000xi32, #tpu.memory_space<vmem>>)
        tpu.yield
      }) : () -> ()
      "tpu.region"() ({
        %run_scoped3A = tpu.sem_alloc : memref<!tpu.dma_semaphore, #tpu.memory_space<semaphore_mem>>
        %dma_start3A = arith.constant 0 : i32
        %dma_start3A_89 = tpu.memref_slice %arg3[%add3A, %dma_start3A] : memref<16x20000xi32, #tpu.memory_space<hbm>> -> memref<1x20000xi32, #tpu.memory_space<hbm>>
        %dma_start3A_90 = tpu.memref_squeeze %dma_start3A_89 : memref<1x20000xi32, #tpu.memory_space<hbm>> -> memref<20000xi32, #tpu.memory_space<hbm>>
        %dma_start3A_91 = arith.constant 0 : i32
        %dma_start3A_92 = tpu.memref_slice %arg3[%add3A, %dma_start3A_91] : memref<16x20000xi32, #tpu.memory_space<hbm>> -> memref<1x20000xi32, #tpu.memory_space<hbm>>
        %dma_start3A_93 = tpu.memref_squeeze %dma_start3A_92 : memref<1x20000xi32, #tpu.memory_space<hbm>> -> memref<20000xi32, #tpu.memory_space<hbm>>
        tpu.enqueue_dma source(%dma_start3A_93 : memref<20000xi32, #tpu.memory_space<hbm>>) target(%arg8 : memref<20000xi32, #tpu.memory_space<vmem>>) target_semaphore(%run_scoped3A : memref<!tpu.dma_semaphore, #tpu.memory_space<semaphore_mem>>)
        %dma_wait3A = arith.constant 0 : i32
        %dma_wait3A_94 = tpu.memref_slice %arg3[%add3A, %dma_wait3A] : memref<16x20000xi32, #tpu.memory_space<hbm>> -> memref<1x20000xi32, #tpu.memory_space<hbm>>
        %dma_wait3A_95 = tpu.memref_squeeze %dma_wait3A_94 : memref<1x20000xi32, #tpu.memory_space<hbm>> -> memref<20000xi32, #tpu.memory_space<hbm>>
        %dma_wait3A_96 = arith.constant 0 : i32
        %dma_wait3A_97 = tpu.memref_slice %arg3[%add3A, %dma_wait3A_96] : memref<16x20000xi32, #tpu.memory_space<hbm>> -> memref<1x20000xi32, #tpu.memory_space<hbm>>
        %dma_wait3A_98 = tpu.memref_squeeze %dma_wait3A_97 : memref<1x20000xi32, #tpu.memory_space<hbm>> -> memref<20000xi32, #tpu.memory_space<hbm>>
        tpu.wait_dma2 semaphore(%run_scoped3A : memref<!tpu.dma_semaphore, #tpu.memory_space<semaphore_mem>>) src(%dma_wait3A_98 : memref<20000xi32, #tpu.memory_space<hbm>>) dst(%arg8 : memref<20000xi32, #tpu.memory_space<vmem>>)
        tpu.yield
      }) : () -> ()
      "tpu.region"() ({
        %run_scoped3A = tpu.sem_alloc : memref<!tpu.dma_semaphore, #tpu.memory_space<semaphore_mem>>
        %dma_start3A = arith.constant 0 : i32
        %dma_start3A_89 = tpu.memref_slice %arg4[%add3A, %dma_start3A] : memref<16x20000xi32, #tpu.memory_space<hbm>> -> memref<1x20000xi32, #tpu.memory_space<hbm>>
        %dma_start3A_90 = tpu.memref_squeeze %dma_start3A_89 : memref<1x20000xi32, #tpu.memory_space<hbm>> -> memref<20000xi32, #tpu.memory_space<hbm>>
        %dma_start3A_91 = arith.constant 0 : i32
        %dma_start3A_92 = tpu.memref_slice %arg4[%add3A, %dma_start3A_91] : memref<16x20000xi32, #tpu.memory_space<hbm>> -> memref<1x20000xi32, #tpu.memory_space<hbm>>
        %dma_start3A_93 = tpu.memref_squeeze %dma_start3A_92 : memref<1x20000xi32, #tpu.memory_space<hbm>> -> memref<20000xi32, #tpu.memory_space<hbm>>
        tpu.enqueue_dma source(%dma_start3A_93 : memref<20000xi32, #tpu.memory_space<hbm>>) target(%arg11 : memref<20000xi32, #tpu.memory_space<vmem>>) target_semaphore(%run_scoped3A : memref<!tpu.dma_semaphore, #tpu.memory_space<semaphore_mem>>)
        %dma_wait3A = arith.constant 0 : i32
        %dma_wait3A_94 = tpu.memref_slice %arg4[%add3A, %dma_wait3A] : memref<16x20000xi32, #tpu.memory_space<hbm>> -> memref<1x20000xi32, #tpu.memory_space<hbm>>
        %dma_wait3A_95 = tpu.memref_squeeze %dma_wait3A_94 : memref<1x20000xi32, #tpu.memory_space<hbm>> -> memref<20000xi32, #tpu.memory_space<hbm>>
        %dma_wait3A_96 = arith.constant 0 : i32
        %dma_wait3A_97 = tpu.memref_slice %arg4[%add3A, %dma_wait3A_96] : memref<16x20000xi32, #tpu.memory_space<hbm>> -> memref<1x20000xi32, #tpu.memory_space<hbm>>
        %dma_wait3A_98 = tpu.memref_squeeze %dma_wait3A_97 : memref<1x20000xi32, #tpu.memory_space<hbm>> -> memref<20000xi32, #tpu.memory_space<hbm>>
        tpu.wait_dma2 semaphore(%run_scoped3A : memref<!tpu.dma_semaphore, #tpu.memory_space<semaphore_mem>>) src(%dma_wait3A_98 : memref<20000xi32, #tpu.memory_space<hbm>>) dst(%arg11 : memref<20000xi32, #tpu.memory_space<vmem>>)
        tpu.yield
      }) : () -> ()
      %broadcast_in_dim3A = arith.constant 1 : i32
      %broadcast_in_dim3A_3 = vector.broadcast %broadcast_in_dim3A : i32 to vector<16xi32>
      %broadcast_in_dim3A_4 = arith.constant 0 : i32
      %broadcast_in_dim3A_5 = vector.broadcast %broadcast_in_dim3A_4 : i32 to vector<16xi32>
      %scan3A = arith.constant 0 : i32
      %scan3A_6 = arith.constant 0 : i32
      %scan3A_7 = arith.constant 128 : i32
      %scan3A_8 = arith.addi %scan3A_6, %scan3A_7 : i32
      %scan3A_9 = arith.constant 1 : i32
      %scan3A_10 = scf.for %scan3A_89 = %scan3A_6 to %scan3A_8 step %scan3A_9 iter_args(%scan3A_90 = %scan3A) -> (i32)  : i32 {
        %mul3A_91 = arith.constant 16 : i32
        %mul3A_92 = arith.muli %scan3A_89, %mul3A_91 : i32
        %swap3A = arith.index_cast %mul3A_92 : i32 to index
        %swap3A_93 = tpu.vector_load %arg12[%swap3A] {strides = array<i32>} : memref<2048xi32, #tpu.memory_space<vmem>>, vector<16xi32>,
        tpu.vector_store %arg12[%swap3A], %broadcast_in_dim3A_5 {strides = array<i32>} : memref<2048xi32, #tpu.memory_space<vmem>>, vector<16xi32>,
        %mul3A_94 = arith.constant 16 : i32
        %mul3A_95 = arith.muli %scan3A_89, %mul3A_94 : i32
        %swap3A_96 = arith.index_cast %mul3A_95 : i32 to index
        %swap3A_97 = tpu.vector_load %arg13[%swap3A_96] {strides = array<i32>} : memref<2048xi32, #tpu.memory_space<vmem>>, vector<16xi32>,
        tpu.vector_store %arg13[%swap3A_96], %broadcast_in_dim3A_5 {strides = array<i32>} : memref<2048xi32, #tpu.memory_space<vmem>>, vector<16xi32>,
        %mul3A_98 = arith.constant 16 : i32
        %mul3A_99 = arith.muli %scan3A_89, %mul3A_98 : i32
        %swap3A_100 = arith.index_cast %mul3A_99 : i32 to index
        %swap3A_101 = tpu.vector_load %arg14[%swap3A_100] {strides = array<i32>} : memref<2048xi32, #tpu.memory_space<vmem>>, vector<16xi32>,
        tpu.vector_store %arg14[%swap3A_100], %broadcast_in_dim3A_5 {strides = array<i32>} : memref<2048xi32, #tpu.memory_space<vmem>>, vector<16xi32>,
        %mul3A_102 = arith.constant 16 : i32
        %mul3A_103 = arith.muli %scan3A_89, %mul3A_102 : i32
        %swap3A_104 = arith.index_cast %mul3A_103 : i32 to index
        %swap3A_105 = tpu.vector_load %arg15[%swap3A_104] {strides = array<i32>} : memref<2048xi32, #tpu.memory_space<vmem>>, vector<16xi32>,
        tpu.vector_store %arg15[%swap3A_104], %broadcast_in_dim3A_5 {strides = array<i32>} : memref<2048xi32, #tpu.memory_space<vmem>>, vector<16xi32>,
        %mul3A_106 = arith.constant 16 : i32
        %mul3A_107 = arith.muli %scan3A_89, %mul3A_106 : i32
        %swap3A_108 = arith.index_cast %mul3A_107 : i32 to index
        %swap3A_109 = tpu.vector_load %arg16[%swap3A_108] {strides = array<i32>} : memref<2048xi32, #tpu.memory_space<vmem>>, vector<16xi32>,
        tpu.vector_store %arg16[%swap3A_108], %broadcast_in_dim3A_5 {strides = array<i32>} : memref<2048xi32, #tpu.memory_space<vmem>>, vector<16xi32>,
        %mul3A_110 = arith.constant 16 : i32
        %mul3A_111 = arith.muli %scan3A_89, %mul3A_110 : i32
        %swap3A_112 = arith.index_cast %mul3A_111 : i32 to index
        %swap3A_113 = tpu.vector_load %arg17[%swap3A_112] {strides = array<i32>} : memref<2048xi32, #tpu.memory_space<vmem>>, vector<16xi32>,
        tpu.vector_store %arg17[%swap3A_112], %broadcast_in_dim3A_5 {strides = array<i32>} : memref<2048xi32, #tpu.memory_space<vmem>>, vector<16xi32>,
        %mul3A_114 = arith.constant 16 : i32
        %mul3A_115 = arith.muli %scan3A_89, %mul3A_114 : i32
        %swap3A_116 = arith.index_cast %mul3A_115 : i32 to index
        %swap3A_117 = tpu.vector_load %arg18[%swap3A_116] {strides = array<i32>} : memref<2048xi32, #tpu.memory_space<vmem>>, vector<16xi32>,
        tpu.vector_store %arg18[%swap3A_116], %broadcast_in_dim3A_5 {strides = array<i32>} : memref<2048xi32, #tpu.memory_space<vmem>>, vector<16xi32>,
        %mul3A_118 = arith.constant 16 : i32
        %mul3A_119 = arith.muli %scan3A_89, %mul3A_118 : i32
        %swap3A_120 = arith.index_cast %mul3A_119 : i32 to index
        %swap3A_121 = tpu.vector_load %arg19[%swap3A_120] {strides = array<i32>} : memref<2048xi32, #tpu.memory_space<vmem>>, vector<16xi32>,
        tpu.vector_store %arg19[%swap3A_120], %broadcast_in_dim3A_5 {strides = array<i32>} : memref<2048xi32, #tpu.memory_space<vmem>>, vector<16xi32>,
        %mul3A_122 = arith.constant 16 : i32
        %mul3A_123 = arith.muli %scan3A_89, %mul3A_122 : i32
        %swap3A_124 = arith.index_cast %mul3A_123 : i32 to index
        %swap3A_125 = tpu.vector_load %arg20[%swap3A_124] {strides = array<i32>} : memref<2048xi32, #tpu.memory_space<vmem>>, vector<16xi32>,
        tpu.vector_store %arg20[%swap3A_124], %broadcast_in_dim3A_5 {strides = array<i32>} : memref<2048xi32, #tpu.memory_space<vmem>>, vector<16xi32>,
        %mul3A_126 = arith.constant 16 : i32
        %mul3A_127 = arith.muli %scan3A_89, %mul3A_126 : i32
        %swap3A_128 = arith.index_cast %mul3A_127 : i32 to index
        %swap3A_129 = tpu.vector_load %arg21[%swap3A_128] {strides = array<i32>} : memref<2048xi32, #tpu.memory_space<vmem>>, vector<16xi32>,
        tpu.vector_store %arg21[%swap3A_128], %broadcast_in_dim3A_5 {strides = array<i32>} : memref<2048xi32, #tpu.memory_space<vmem>>, vector<16xi32>,
        %scan3A_130 = arith.constant 0 : i32
        scf.yield %scan3A_130 : i32
      }
      %scan3A_11 = arith.constant 128 : i32
      %scan3A_12 = arith.constant 0 : i32
      %scan3A_13 = arith.constant 0 : i32
      %scan3A_14 = arith.constant 125 : i32
      %scan3A_15 = arith.addi %scan3A_13, %scan3A_14 : i32
      %scan3A_16 = arith.constant 1 : i32
      %scan3A_17 = scf.for %scan3A_89 = %scan3A_13 to %scan3A_15 step %scan3A_16 iter_args(%scan3A_90 = %scan3A_12) -> (i32)  : i32 {
        %mul3A_91 = arith.constant 16 : i32
        %mul3A_92 = arith.muli %scan3A_89, %mul3A_91 : i32
        %add3A_93 = arith.constant 0 : i32
        %add3A_94 = arith.addi %add3A_93, %mul3A_92 : i32
        %get3A = arith.index_cast %add3A_94 : i32 to index
        %get3A_95 = tpu.vector_load %arg7[%get3A] {strides = array<i32>} : memref<20000xi32, #tpu.memory_space<vmem>>, vector<16xi32>,
        %shift_right_logical3A = arith.constant 0 : i32
        %shift_right_logical3A_96 = vector.broadcast %shift_right_logical3A : i32 to vector<16xi32>
        %shift_right_logical3A_97 = arith.shrui %get3A_95, %shift_right_logical3A_96 : vector<16xi32>
        %and3A = arith.constant 2047 : i32
        %and3A_98 = vector.broadcast %and3A : i32 to vector<16xi32>
        %and3A_99 = arith.andi %shift_right_logical3A_97, %and3A_98 : vector<16xi32>
        %mul3A_100 = arith.constant 16 : i32
        %mul3A_101 = arith.muli %scan3A_89, %mul3A_100 : i32
        %add3A_102 = arith.constant 2000 : i32
        %add3A_103 = arith.addi %add3A_102, %mul3A_101 : i32
        %get3A_104 = arith.index_cast %add3A_103 : i32 to index
        %get3A_105 = tpu.vector_load %arg7[%get3A_104] {strides = array<i32>} : memref<20000xi32, #tpu.memory_space<vmem>>, vector<16xi32>,
        %shift_right_logical3A_106 = arith.constant 0 : i32
        %shift_right_logical3A_107 = vector.broadcast %shift_right_logical3A_106 : i32 to vector<16xi32>
        %shift_right_logical3A_108 = arith.shrui %get3A_105, %shift_right_logical3A_107 : vector<16xi32>
        %and3A_109 = arith.constant 2047 : i32
        %and3A_110 = vector.broadcast %and3A_109 : i32 to vector<16xi32>
        %and3A_111 = arith.andi %shift_right_logical3A_108, %and3A_110 : vector<16xi32>
        %mul3A_112 = arith.constant 16 : i32
        %mul3A_113 = arith.muli %scan3A_89, %mul3A_112 : i32
        %add3A_114 = arith.constant 4000 : i32
        %add3A_115 = arith.addi %add3A_114, %mul3A_113 : i32
        %get3A_116 = arith.index_cast %add3A_115 : i32 to index
        %get3A_117 = tpu.vector_load %arg7[%get3A_116] {strides = array<i32>} : memref<20000xi32, #tpu.memory_space<vmem>>, vector<16xi32>,
        %shift_right_logical3A_118 = arith.constant 0 : i32
        %shift_right_logical3A_119 = vector.broadcast %shift_right_logical3A_118 : i32 to vector<16xi32>
        %shift_right_logical3A_120 = arith.shrui %get3A_117, %shift_right_logical3A_119 : vector<16xi32>
        %and3A_121 = arith.constant 2047 : i32
        %and3A_122 = vector.broadcast %and3A_121 : i32 to vector<16xi32>
        %and3A_123 = arith.andi %shift_right_logical3A_120, %and3A_122 : vector<16xi32>
        %mul3A_124 = arith.constant 16 : i32
        %mul3A_125 = arith.muli %scan3A_89, %mul3A_124 : i32
        %add3A_126 = arith.constant 6000 : i32
        %add3A_127 = arith.addi %add3A_126, %mul3A_125 : i32
        %get3A_128 = arith.index_cast %add3A_127 : i32 to index
        %get3A_129 = tpu.vector_load %arg7[%get3A_128] {strides = array<i32>} : memref<20000xi32, #tpu.memory_space<vmem>>, vector<16xi32>,
        %shift_right_logical3A_130 = arith.constant 0 : i32
        %shift_right_logical3A_131 = vector.broadcast %shift_right_logical3A_130 : i32 to vector<16xi32>
        %shift_right_logical3A_132 = arith.shrui %get3A_129, %shift_right_logical3A_131 : vector<16xi32>
        %and3A_133 = arith.constant 2047 : i32
        %and3A_134 = vector.broadcast %and3A_133 : i32 to vector<16xi32>
        %and3A_135 = arith.andi %shift_right_logical3A_132, %and3A_134 : vector<16xi32>
        %mul3A_136 = arith.constant 16 : i32
        %mul3A_137 = arith.muli %scan3A_89, %mul3A_136 : i32
        %add3A_138 = arith.constant 8000 : i32
        %add3A_139 = arith.addi %add3A_138, %mul3A_137 : i32
        %get3A_140 = arith.index_cast %add3A_139 : i32 to index
        %get3A_141 = tpu.vector_load %arg7[%get3A_140] {strides = array<i32>} : memref<20000xi32, #tpu.memory_space<vmem>>, vector<16xi32>,
        %shift_right_logical3A_142 = arith.constant 0 : i32
        %shift_right_logical3A_143 = vector.broadcast %shift_right_logical3A_142 : i32 to vector<16xi32>
        %shift_right_logical3A_144 = arith.shrui %get3A_141, %shift_right_logical3A_143 : vector<16xi32>
        %and3A_145 = arith.constant 2047 : i32
        %and3A_146 = vector.broadcast %and3A_145 : i32 to vector<16xi32>
        %and3A_147 = arith.andi %shift_right_logical3A_144, %and3A_146 : vector<16xi32>
        %mul3A_148 = arith.constant 16 : i32
        %mul3A_149 = arith.muli %scan3A_89, %mul3A_148 : i32
        %add3A_150 = arith.constant 10000 : i32
        %add3A_151 = arith.addi %add3A_150, %mul3A_149 : i32
        %get3A_152 = arith.index_cast %add3A_151 : i32 to index
        %get3A_153 = tpu.vector_load %arg7[%get3A_152] {strides = array<i32>} : memref<20000xi32, #tpu.memory_space<vmem>>, vector<16xi32>,
        %shift_right_logical3A_154 = arith.constant 0 : i32
        %shift_right_logical3A_155 = vector.broadcast %shift_right_logical3A_154 : i32 to vector<16xi32>
        %shift_right_logical3A_156 = arith.shrui %get3A_153, %shift_right_logical3A_155 : vector<16xi32>
        %and3A_157 = arith.constant 2047 : i32
        %and3A_158 = vector.broadcast %and3A_157 : i32 to vector<16xi32>
        %and3A_159 = arith.andi %shift_right_logical3A_156, %and3A_158 : vector<16xi32>
        %mul3A_160 = arith.constant 16 : i32
        %mul3A_161 = arith.muli %scan3A_89, %mul3A_160 : i32
        %add3A_162 = arith.constant 12000 : i32
        %add3A_163 = arith.addi %add3A_162, %mul3A_161 : i32
        %get3A_164 = arith.index_cast %add3A_163 : i32 to index
        %get3A_165 = tpu.vector_load %arg7[%get3A_164] {strides = array<i32>} : memref<20000xi32, #tpu.memory_space<vmem>>, vector<16xi32>,
        %shift_right_logical3A_166 = arith.constant 0 : i32
        %shift_right_logical3A_167 = vector.broadcast %shift_right_logical3A_166 : i32 to vector<16xi32>
        %shift_right_logical3A_168 = arith.shrui %get3A_165, %shift_right_logical3A_167 : vector<16xi32>
        %and3A_169 = arith.constant 2047 : i32
        %and3A_170 = vector.broadcast %and3A_169 : i32 to vector<16xi32>
        %and3A_171 = arith.andi %shift_right_logical3A_168, %and3A_170 : vector<16xi32>
        %mul3A_172 = arith.constant 16 : i32
        %mul3A_173 = arith.muli %scan3A_89, %mul3A_172 : i32
        %add3A_174 = arith.constant 14000 : i32
        %add3A_175 = arith.addi %add3A_174, %mul3A_173 : i32
        %get3A_176 = arith.index_cast %add3A_175 : i32 to index
        %get3A_177 = tpu.vector_load %arg7[%get3A_176] {strides = array<i32>} : memref<20000xi32, #tpu.memory_space<vmem>>, vector<16xi32>,
        %shift_right_logical3A_178 = arith.constant 0 : i32
        %shift_right_logical3A_179 = vector.broadcast %shift_right_logical3A_178 : i32 to vector<16xi32>
        %shift_right_logical3A_180 = arith.shrui %get3A_177, %shift_right_logical3A_179 : vector<16xi32>
        %and3A_181 = arith.constant 2047 : i32
        %and3A_182 = vector.broadcast %and3A_181 : i32 to vector<16xi32>
        %and3A_183 = arith.andi %shift_right_logical3A_180, %and3A_182 : vector<16xi32>
        %mul3A_184 = arith.constant 16 : i32
        %mul3A_185 = arith.muli %scan3A_89, %mul3A_184 : i32
        %add3A_186 = arith.constant 16000 : i32
        %add3A_187 = arith.addi %add3A_186, %mul3A_185 : i32
        %get3A_188 = arith.index_cast %add3A_187 : i32 to index
        %get3A_189 = tpu.vector_load %arg7[%get3A_188] {strides = array<i32>} : memref<20000xi32, #tpu.memory_space<vmem>>, vector<16xi32>,
        %shift_right_logical3A_190 = arith.constant 0 : i32
        %shift_right_logical3A_191 = vector.broadcast %shift_right_logical3A_190 : i32 to vector<16xi32>
        %shift_right_logical3A_192 = arith.shrui %get3A_189, %shift_right_logical3A_191 : vector<16xi32>
        %and3A_193 = arith.constant 2047 : i32
        %and3A_194 = vector.broadcast %and3A_193 : i32 to vector<16xi32>
        %and3A_195 = arith.andi %shift_right_logical3A_192, %and3A_194 : vector<16xi32>
        %mul3A_196 = arith.constant 16 : i32
        %mul3A_197 = arith.muli %scan3A_89, %mul3A_196 : i32
        %add3A_198 = arith.constant 18000 : i32
        %add3A_199 = arith.addi %add3A_198, %mul3A_197 : i32
        %get3A_200 = arith.index_cast %add3A_199 : i32 to index
        %get3A_201 = tpu.vector_load %arg7[%get3A_200] {strides = array<i32>} : memref<20000xi32, #tpu.memory_space<vmem>>, vector<16xi32>,
        %shift_right_logical3A_202 = arith.constant 0 : i32
        %shift_right_logical3A_203 = vector.broadcast %shift_right_logical3A_202 : i32 to vector<16xi32>
        %shift_right_logical3A_204 = arith.shrui %get3A_201, %shift_right_logical3A_203 : vector<16xi32>
        %and3A_205 = arith.constant 2047 : i32
        %and3A_206 = vector.broadcast %and3A_205 : i32 to vector<16xi32>
        %and3A_207 = arith.andi %shift_right_logical3A_204, %and3A_206 : vector<16xi32>
        tpu.vector_store_idx %arg12[%and3A_99], %broadcast_in_dim3A_3 {add = true} : memref<2048xi32, #tpu.memory_space<vmem>>[vector<16xi32>], vector<16xi32>,
        tpu.vector_store_idx %arg13[%and3A_111], %broadcast_in_dim3A_3 {add = true} : memref<2048xi32, #tpu.memory_space<vmem>>[vector<16xi32>], vector<16xi32>,
        tpu.vector_store_idx %arg14[%and3A_123], %broadcast_in_dim3A_3 {add = true} : memref<2048xi32, #tpu.memory_space<vmem>>[vector<16xi32>], vector<16xi32>,
        tpu.vector_store_idx %arg15[%and3A_135], %broadcast_in_dim3A_3 {add = true} : memref<2048xi32, #tpu.memory_space<vmem>>[vector<16xi32>], vector<16xi32>,
        tpu.vector_store_idx %arg16[%and3A_147], %broadcast_in_dim3A_3 {add = true} : memref<2048xi32, #tpu.memory_space<vmem>>[vector<16xi32>], vector<16xi32>,
        tpu.vector_store_idx %arg17[%and3A_159], %broadcast_in_dim3A_3 {add = true} : memref<2048xi32, #tpu.memory_space<vmem>>[vector<16xi32>], vector<16xi32>,
        tpu.vector_store_idx %arg18[%and3A_171], %broadcast_in_dim3A_3 {add = true} : memref<2048xi32, #tpu.memory_space<vmem>>[vector<16xi32>], vector<16xi32>,
        tpu.vector_store_idx %arg19[%and3A_183], %broadcast_in_dim3A_3 {add = true} : memref<2048xi32, #tpu.memory_space<vmem>>[vector<16xi32>], vector<16xi32>,
        tpu.vector_store_idx %arg20[%and3A_195], %broadcast_in_dim3A_3 {add = true} : memref<2048xi32, #tpu.memory_space<vmem>>[vector<16xi32>], vector<16xi32>,
        tpu.vector_store_idx %arg21[%and3A_207], %broadcast_in_dim3A_3 {add = true} : memref<2048xi32, #tpu.memory_space<vmem>>[vector<16xi32>], vector<16xi32>,
        %scan3A_208 = arith.constant 0 : i32
        scf.yield %scan3A_208 : i32
      }
      %scan3A_18 = arith.constant 125 : i32
      %scan3A_19 = arith.constant 0 : i32
      %scan3A_20 = arith.constant 0 : i32
      %scan3A_21 = arith.constant 128 : i32
      %scan3A_22 = arith.addi %scan3A_20, %scan3A_21 : i32
      %scan3A_23 = arith.constant 1 : i32
      %scan3A_24 = scf.for %scan3A_89 = %scan3A_20 to %scan3A_22 step %scan3A_23 iter_args(%scan3A_90 = %scan3A_19) -> (i32)  : i32 {
        %mul3A_91 = arith.constant 16 : i32
        %mul3A_92 = arith.muli %scan3A_89, %mul3A_91 : i32
        %get3A = arith.index_cast %mul3A_92 : i32 to index
        %get3A_93 = tpu.vector_load %arg12[%get3A] {strides = array<i32>} : memref<2048xi32, #tpu.memory_space<vmem>>, vector<16xi32>,
        %get3A_94 = arith.index_cast %mul3A_92 : i32 to index
        %get3A_95 = tpu.vector_load %arg13[%get3A_94] {strides = array<i32>} : memref<2048xi32, #tpu.memory_space<vmem>>, vector<16xi32>,
        %get3A_96 = arith.index_cast %mul3A_92 : i32 to index
        %get3A_97 = tpu.vector_load %arg14[%get3A_96] {strides = array<i32>} : memref<2048xi32, #tpu.memory_space<vmem>>, vector<16xi32>,
        %get3A_98 = arith.index_cast %mul3A_92 : i32 to index
        %get3A_99 = tpu.vector_load %arg15[%get3A_98] {strides = array<i32>} : memref<2048xi32, #tpu.memory_space<vmem>>, vector<16xi32>,
        %get3A_100 = arith.index_cast %mul3A_92 : i32 to index
        %get3A_101 = tpu.vector_load %arg16[%get3A_100] {strides = array<i32>} : memref<2048xi32, #tpu.memory_space<vmem>>, vector<16xi32>,
        %get3A_102 = arith.index_cast %mul3A_92 : i32 to index
        %get3A_103 = tpu.vector_load %arg17[%get3A_102] {strides = array<i32>} : memref<2048xi32, #tpu.memory_space<vmem>>, vector<16xi32>,
        %get3A_104 = arith.index_cast %mul3A_92 : i32 to index
        %get3A_105 = tpu.vector_load %arg18[%get3A_104] {strides = array<i32>} : memref<2048xi32, #tpu.memory_space<vmem>>, vector<16xi32>,
        %get3A_106 = arith.index_cast %mul3A_92 : i32 to index
        %get3A_107 = tpu.vector_load %arg19[%get3A_106] {strides = array<i32>} : memref<2048xi32, #tpu.memory_space<vmem>>, vector<16xi32>,
        %get3A_108 = arith.index_cast %mul3A_92 : i32 to index
        %get3A_109 = tpu.vector_load %arg20[%get3A_108] {strides = array<i32>} : memref<2048xi32, #tpu.memory_space<vmem>>, vector<16xi32>,
        %get3A_110 = arith.index_cast %mul3A_92 : i32 to index
        %get3A_111 = tpu.vector_load %arg21[%get3A_110] {strides = array<i32>} : memref<2048xi32, #tpu.memory_space<vmem>>, vector<16xi32>,
        %add3A_112 = arith.addi %get3A_93, %get3A_95 : vector<16xi32>
        %add3A_113 = arith.addi %add3A_112, %get3A_97 : vector<16xi32>
        %add3A_114 = arith.addi %add3A_113, %get3A_99 : vector<16xi32>
        %add3A_115 = arith.addi %add3A_114, %get3A_101 : vector<16xi32>
        %add3A_116 = arith.addi %add3A_115, %get3A_103 : vector<16xi32>
        %add3A_117 = arith.addi %add3A_116, %get3A_105 : vector<16xi32>
        %add3A_118 = arith.addi %add3A_117, %get3A_107 : vector<16xi32>
        %add3A_119 = arith.addi %add3A_118, %get3A_109 : vector<16xi32>
        %add3A_120 = arith.addi %add3A_119, %get3A_111 : vector<16xi32>
        %broadcast_in_dim3A_121 = arith.constant true
        %broadcast_in_dim3A_122 = vector.broadcast %broadcast_in_dim3A_121 : i1 to vector<16xi1>
        %masked_cumsum3A = tpu.scan <sum>, %add3A_120 masked %broadcast_in_dim3A_122 : vector<16xi32>, vector<16xi1> -> vector<16xi32>
        %sub3A = arith.subi %masked_cumsum3A, %add3A_120 : vector<16xi32>
        %add3A_123 = vector.broadcast %scan3A_90 : i32 to vector<16xi32>
        %add3A_124 = arith.addi %sub3A, %add3A_123 : vector<16xi32>
        %swap3A = arith.index_cast %mul3A_92 : i32 to index
        %swap3A_125 = tpu.vector_load %arg12[%swap3A] {strides = array<i32>} : memref<2048xi32, #tpu.memory_space<vmem>>, vector<16xi32>,
        tpu.vector_store %arg12[%swap3A], %add3A_124 {strides = array<i32>} : memref<2048xi32, #tpu.memory_space<vmem>>, vector<16xi32>,
        %add3A_126 = arith.addi %add3A_124, %get3A_93 : vector<16xi32>
        %swap3A_127 = arith.index_cast %mul3A_92 : i32 to index
        %swap3A_128 = tpu.vector_load %arg13[%swap3A_127] {strides = array<i32>} : memref<2048xi32, #tpu.memory_space<vmem>>, vector<16xi32>,
        tpu.vector_store %arg13[%swap3A_127], %add3A_126 {strides = array<i32>} : memref<2048xi32, #tpu.memory_space<vmem>>, vector<16xi32>,
        %add3A_129 = arith.addi %add3A_126, %get3A_95 : vector<16xi32>
        %swap3A_130 = arith.index_cast %mul3A_92 : i32 to index
        %swap3A_131 = tpu.vector_load %arg14[%swap3A_130] {strides = array<i32>} : memref<2048xi32, #tpu.memory_space<vmem>>, vector<16xi32>,
        tpu.vector_store %arg14[%swap3A_130], %add3A_129 {strides = array<i32>} : memref<2048xi32, #tpu.memory_space<vmem>>, vector<16xi32>,
        %add3A_132 = arith.addi %add3A_129, %get3A_97 : vector<16xi32>
        %swap3A_133 = arith.index_cast %mul3A_92 : i32 to index
        %swap3A_134 = tpu.vector_load %arg15[%swap3A_133] {strides = array<i32>} : memref<2048xi32, #tpu.memory_space<vmem>>, vector<16xi32>,
        tpu.vector_store %arg15[%swap3A_133], %add3A_132 {strides = array<i32>} : memref<2048xi32, #tpu.memory_space<vmem>>, vector<16xi32>,
        %add3A_135 = arith.addi %add3A_132, %get3A_99 : vector<16xi32>
        %swap3A_136 = arith.index_cast %mul3A_92 : i32 to index
        %swap3A_137 = tpu.vector_load %arg16[%swap3A_136] {strides = array<i32>} : memref<2048xi32, #tpu.memory_space<vmem>>, vector<16xi32>,
        tpu.vector_store %arg16[%swap3A_136], %add3A_135 {strides = array<i32>} : memref<2048xi32, #tpu.memory_space<vmem>>, vector<16xi32>,
        %add3A_138 = arith.addi %add3A_135, %get3A_101 : vector<16xi32>
        %swap3A_139 = arith.index_cast %mul3A_92 : i32 to index
        %swap3A_140 = tpu.vector_load %arg17[%swap3A_139] {strides = array<i32>} : memref<2048xi32, #tpu.memory_space<vmem>>, vector<16xi32>,
        tpu.vector_store %arg17[%swap3A_139], %add3A_138 {strides = array<i32>} : memref<2048xi32, #tpu.memory_space<vmem>>, vector<16xi32>,
        %add3A_141 = arith.addi %add3A_138, %get3A_103 : vector<16xi32>
        %swap3A_142 = arith.index_cast %mul3A_92 : i32 to index
        %swap3A_143 = tpu.vector_load %arg18[%swap3A_142] {strides = array<i32>} : memref<2048xi32, #tpu.memory_space<vmem>>, vector<16xi32>,
        tpu.vector_store %arg18[%swap3A_142], %add3A_141 {strides = array<i32>} : memref<2048xi32, #tpu.memory_space<vmem>>, vector<16xi32>,
        %add3A_144 = arith.addi %add3A_141, %get3A_105 : vector<16xi32>
        %swap3A_145 = arith.index_cast %mul3A_92 : i32 to index
        %swap3A_146 = tpu.vector_load %arg19[%swap3A_145] {strides = array<i32>} : memref<2048xi32, #tpu.memory_space<vmem>>, vector<16xi32>,
        tpu.vector_store %arg19[%swap3A_145], %add3A_144 {strides = array<i32>} : memref<2048xi32, #tpu.memory_space<vmem>>, vector<16xi32>,
        %add3A_147 = arith.addi %add3A_144, %get3A_107 : vector<16xi32>
        %swap3A_148 = arith.index_cast %mul3A_92 : i32 to index
        %swap3A_149 = tpu.vector_load %arg20[%swap3A_148] {strides = array<i32>} : memref<2048xi32, #tpu.memory_space<vmem>>, vector<16xi32>,
        tpu.vector_store %arg20[%swap3A_148], %add3A_147 {strides = array<i32>} : memref<2048xi32, #tpu.memory_space<vmem>>, vector<16xi32>,
        %add3A_150 = arith.addi %add3A_147, %get3A_109 : vector<16xi32>
        %swap3A_151 = arith.index_cast %mul3A_92 : i32 to index
        %swap3A_152 = tpu.vector_load %arg21[%swap3A_151] {strides = array<i32>} : memref<2048xi32, #tpu.memory_space<vmem>>, vector<16xi32>,
        tpu.vector_store %arg21[%swap3A_151], %add3A_150 {strides = array<i32>} : memref<2048xi32, #tpu.memory_space<vmem>>, vector<16xi32>,
        %add3A_153 = arith.addi %add3A_150, %get3A_111 : vector<16xi32>
        %reduce_sum3A = arith.constant true
        %reduce_sum3A_154 = vector.broadcast %reduce_sum3A : i1 to vector<16xi1>
        %reduce_sum3A_155 = tpu.scan <sum>, %add3A_120 masked %reduce_sum3A_154 : vector<16xi32>, vector<16xi1> -> vector<16xi32>
        %reduce_sum3A_156 = vector.extract %reduce_sum3A_155[15] : i32 from vector<16xi32>
        %add3A_157 = arith.addi %scan3A_90, %reduce_sum3A_156 : i32
        scf.yield %add3A_157 : i32
      }
      %scan3A_25 = arith.constant 128 : i32
      %scan3A_26 = arith.constant 0 : i32
      %scan3A_27 = arith.constant 0 : i32
      %scan3A_28 = arith.constant 125 : i32
      %scan3A_29 = arith.addi %scan3A_27, %scan3A_28 : i32
      %scan3A_30 = arith.constant 1 : i32
      %scan3A_31 = scf.for %scan3A_89 = %scan3A_27 to %scan3A_29 step %scan3A_30 iter_args(%scan3A_90 = %scan3A_26) -> (i32)  : i32 {
        %mul3A_91 = arith.constant 16 : i32
        %mul3A_92 = arith.muli %scan3A_89, %mul3A_91 : i32
        %add3A_93 = arith.constant 0 : i32
        %add3A_94 = arith.addi %add3A_93, %mul3A_92 : i32
        %get3A = arith.index_cast %add3A_94 : i32 to index
        %get3A_95 = tpu.vector_load %arg7[%get3A] {strides = array<i32>} : memref<20000xi32, #tpu.memory_space<vmem>>, vector<16xi32>,
        %get3A_96 = arith.index_cast %add3A_94 : i32 to index
        %get3A_97 = tpu.vector_load %arg8[%get3A_96] {strides = array<i32>} : memref<20000xi32, #tpu.memory_space<vmem>>, vector<16xi32>,
        %shift_right_logical3A = arith.constant 0 : i32
        %shift_right_logical3A_98 = vector.broadcast %shift_right_logical3A : i32 to vector<16xi32>
        %shift_right_logical3A_99 = arith.shrui %get3A_95, %shift_right_logical3A_98 : vector<16xi32>
        %and3A = arith.constant 2047 : i32
        %and3A_100 = vector.broadcast %and3A : i32 to vector<16xi32>
        %and3A_101 = arith.andi %shift_right_logical3A_99, %and3A_100 : vector<16xi32>
        %broadcast_in_dim3A_102 = arith.constant true
        %broadcast_in_dim3A_103 = vector.broadcast %broadcast_in_dim3A_102 : i1 to vector<16xi1>
        %unique3A, %unique3A_104 = tpu.scan_count mask(%broadcast_in_dim3A_103 : vector<16xi1>) value(%and3A_101 : vector<16xi32>) : vector<16xi1>, vector<16xi32>
        %gather3A = tpu.vector_load_idx %arg12[%and3A_101] : memref<2048xi32, #tpu.memory_space<vmem>>[vector<16xi32>], vector<16xi32>,
        %add3A_105 = arith.addi %gather3A, %unique3A_104 : vector<16xi32>
        %sub3A = arith.constant 1 : i32
        %sub3A_106 = vector.broadcast %sub3A : i32 to vector<16xi32>
        %sub3A_107 = arith.subi %add3A_105, %sub3A_106 : vector<16xi32>
        %mul3A_108 = arith.constant 16 : i32
        %mul3A_109 = arith.muli %scan3A_89, %mul3A_108 : i32
        %add3A_110 = arith.constant 2000 : i32
        %add3A_111 = arith.addi %add3A_110, %mul3A_109 : i32
        %get3A_112 = arith.index_cast %add3A_111 : i32 to index
        %get3A_113 = tpu.vector_load %arg7[%get3A_112] {strides = array<i32>} : memref<20000xi32, #tpu.memory_space<vmem>>, vector<16xi32>,
        %get3A_114 = arith.index_cast %add3A_111 : i32 to index
        %get3A_115 = tpu.vector_load %arg8[%get3A_114] {strides = array<i32>} : memref<20000xi32, #tpu.memory_space<vmem>>, vector<16xi32>,
        %shift_right_logical3A_116 = arith.constant 0 : i32
        %shift_right_logical3A_117 = vector.broadcast %shift_right_logical3A_116 : i32 to vector<16xi32>
        %shift_right_logical3A_118 = arith.shrui %get3A_113, %shift_right_logical3A_117 : vector<16xi32>
        %and3A_119 = arith.constant 2047 : i32
        %and3A_120 = vector.broadcast %and3A_119 : i32 to vector<16xi32>
        %and3A_121 = arith.andi %shift_right_logical3A_118, %and3A_120 : vector<16xi32>
        %broadcast_in_dim3A_122 = arith.constant true
        %broadcast_in_dim3A_123 = vector.broadcast %broadcast_in_dim3A_122 : i1 to vector<16xi1>
        %unique3A_124, %unique3A_125 = tpu.scan_count mask(%broadcast_in_dim3A_123 : vector<16xi1>) value(%and3A_121 : vector<16xi32>) : vector<16xi1>, vector<16xi32>
        %gather3A_126 = tpu.vector_load_idx %arg13[%and3A_121] : memref<2048xi32, #tpu.memory_space<vmem>>[vector<16xi32>], vector<16xi32>,
        %add3A_127 = arith.addi %gather3A_126, %unique3A_125 : vector<16xi32>
        %sub3A_128 = arith.constant 1 : i32
        %sub3A_129 = vector.broadcast %sub3A_128 : i32 to vector<16xi32>
        %sub3A_130 = arith.subi %add3A_127, %sub3A_129 : vector<16xi32>
        %mul3A_131 = arith.constant 16 : i32
        %mul3A_132 = arith.muli %scan3A_89, %mul3A_131 : i32
        %add3A_133 = arith.constant 4000 : i32
        %add3A_134 = arith.addi %add3A_133, %mul3A_132 : i32
        %get3A_135 = arith.index_cast %add3A_134 : i32 to index
        %get3A_136 = tpu.vector_load %arg7[%get3A_135] {strides = array<i32>} : memref<20000xi32, #tpu.memory_space<vmem>>, vector<16xi32>,
        %get3A_137 = arith.index_cast %add3A_134 : i32 to index
        %get3A_138 = tpu.vector_load %arg8[%get3A_137] {strides = array<i32>} : memref<20000xi32, #tpu.memory_space<vmem>>, vector<16xi32>,
        %shift_right_logical3A_139 = arith.constant 0 : i32
        %shift_right_logical3A_140 = vector.broadcast %shift_right_logical3A_139 : i32 to vector<16xi32>
        %shift_right_logical3A_141 = arith.shrui %get3A_136, %shift_right_logical3A_140 : vector<16xi32>
        %and3A_142 = arith.constant 2047 : i32
        %and3A_143 = vector.broadcast %and3A_142 : i32 to vector<16xi32>
        %and3A_144 = arith.andi %shift_right_logical3A_141, %and3A_143 : vector<16xi32>
        %broadcast_in_dim3A_145 = arith.constant true
        %broadcast_in_dim3A_146 = vector.broadcast %broadcast_in_dim3A_145 : i1 to vector<16xi1>
        %unique3A_147, %unique3A_148 = tpu.scan_count mask(%broadcast_in_dim3A_146 : vector<16xi1>) value(%and3A_144 : vector<16xi32>) : vector<16xi1>, vector<16xi32>
        %gather3A_149 = tpu.vector_load_idx %arg14[%and3A_144] : memref<2048xi32, #tpu.memory_space<vmem>>[vector<16xi32>], vector<16xi32>,
        %add3A_150 = arith.addi %gather3A_149, %unique3A_148 : vector<16xi32>
        %sub3A_151 = arith.constant 1 : i32
        %sub3A_152 = vector.broadcast %sub3A_151 : i32 to vector<16xi32>
        %sub3A_153 = arith.subi %add3A_150, %sub3A_152 : vector<16xi32>
        %mul3A_154 = arith.constant 16 : i32
        %mul3A_155 = arith.muli %scan3A_89, %mul3A_154 : i32
        %add3A_156 = arith.constant 6000 : i32
        %add3A_157 = arith.addi %add3A_156, %mul3A_155 : i32
        %get3A_158 = arith.index_cast %add3A_157 : i32 to index
        %get3A_159 = tpu.vector_load %arg7[%get3A_158] {strides = array<i32>} : memref<20000xi32, #tpu.memory_space<vmem>>, vector<16xi32>,
        %get3A_160 = arith.index_cast %add3A_157 : i32 to index
        %get3A_161 = tpu.vector_load %arg8[%get3A_160] {strides = array<i32>} : memref<20000xi32, #tpu.memory_space<vmem>>, vector<16xi32>,
        %shift_right_logical3A_162 = arith.constant 0 : i32
        %shift_right_logical3A_163 = vector.broadcast %shift_right_logical3A_162 : i32 to vector<16xi32>
        %shift_right_logical3A_164 = arith.shrui %get3A_159, %shift_right_logical3A_163 : vector<16xi32>
        %and3A_165 = arith.constant 2047 : i32
        %and3A_166 = vector.broadcast %and3A_165 : i32 to vector<16xi32>
        %and3A_167 = arith.andi %shift_right_logical3A_164, %and3A_166 : vector<16xi32>
        %broadcast_in_dim3A_168 = arith.constant true
        %broadcast_in_dim3A_169 = vector.broadcast %broadcast_in_dim3A_168 : i1 to vector<16xi1>
        %unique3A_170, %unique3A_171 = tpu.scan_count mask(%broadcast_in_dim3A_169 : vector<16xi1>) value(%and3A_167 : vector<16xi32>) : vector<16xi1>, vector<16xi32>
        %gather3A_172 = tpu.vector_load_idx %arg15[%and3A_167] : memref<2048xi32, #tpu.memory_space<vmem>>[vector<16xi32>], vector<16xi32>,
        %add3A_173 = arith.addi %gather3A_172, %unique3A_171 : vector<16xi32>
        %sub3A_174 = arith.constant 1 : i32
        %sub3A_175 = vector.broadcast %sub3A_174 : i32 to vector<16xi32>
        %sub3A_176 = arith.subi %add3A_173, %sub3A_175 : vector<16xi32>
        %mul3A_177 = arith.constant 16 : i32
        %mul3A_178 = arith.muli %scan3A_89, %mul3A_177 : i32
        %add3A_179 = arith.constant 8000 : i32
        %add3A_180 = arith.addi %add3A_179, %mul3A_178 : i32
        %get3A_181 = arith.index_cast %add3A_180 : i32 to index
        %get3A_182 = tpu.vector_load %arg7[%get3A_181] {strides = array<i32>} : memref<20000xi32, #tpu.memory_space<vmem>>, vector<16xi32>,
        %get3A_183 = arith.index_cast %add3A_180 : i32 to index
        %get3A_184 = tpu.vector_load %arg8[%get3A_183] {strides = array<i32>} : memref<20000xi32, #tpu.memory_space<vmem>>, vector<16xi32>,
        %shift_right_logical3A_185 = arith.constant 0 : i32
        %shift_right_logical3A_186 = vector.broadcast %shift_right_logical3A_185 : i32 to vector<16xi32>
        %shift_right_logical3A_187 = arith.shrui %get3A_182, %shift_right_logical3A_186 : vector<16xi32>
        %and3A_188 = arith.constant 2047 : i32
        %and3A_189 = vector.broadcast %and3A_188 : i32 to vector<16xi32>
        %and3A_190 = arith.andi %shift_right_logical3A_187, %and3A_189 : vector<16xi32>
        %broadcast_in_dim3A_191 = arith.constant true
        %broadcast_in_dim3A_192 = vector.broadcast %broadcast_in_dim3A_191 : i1 to vector<16xi1>
        %unique3A_193, %unique3A_194 = tpu.scan_count mask(%broadcast_in_dim3A_192 : vector<16xi1>) value(%and3A_190 : vector<16xi32>) : vector<16xi1>, vector<16xi32>
        %gather3A_195 = tpu.vector_load_idx %arg16[%and3A_190] : memref<2048xi32, #tpu.memory_space<vmem>>[vector<16xi32>], vector<16xi32>,
        %add3A_196 = arith.addi %gather3A_195, %unique3A_194 : vector<16xi32>
        %sub3A_197 = arith.constant 1 : i32
        %sub3A_198 = vector.broadcast %sub3A_197 : i32 to vector<16xi32>
        %sub3A_199 = arith.subi %add3A_196, %sub3A_198 : vector<16xi32>
        %mul3A_200 = arith.constant 16 : i32
        %mul3A_201 = arith.muli %scan3A_89, %mul3A_200 : i32
        %add3A_202 = arith.constant 10000 : i32
        %add3A_203 = arith.addi %add3A_202, %mul3A_201 : i32
        %get3A_204 = arith.index_cast %add3A_203 : i32 to index
        %get3A_205 = tpu.vector_load %arg7[%get3A_204] {strides = array<i32>} : memref<20000xi32, #tpu.memory_space<vmem>>, vector<16xi32>,
        %get3A_206 = arith.index_cast %add3A_203 : i32 to index
        %get3A_207 = tpu.vector_load %arg8[%get3A_206] {strides = array<i32>} : memref<20000xi32, #tpu.memory_space<vmem>>, vector<16xi32>,
        %shift_right_logical3A_208 = arith.constant 0 : i32
        %shift_right_logical3A_209 = vector.broadcast %shift_right_logical3A_208 : i32 to vector<16xi32>
        %shift_right_logical3A_210 = arith.shrui %get3A_205, %shift_right_logical3A_209 : vector<16xi32>
        %and3A_211 = arith.constant 2047 : i32
        %and3A_212 = vector.broadcast %and3A_211 : i32 to vector<16xi32>
        %and3A_213 = arith.andi %shift_right_logical3A_210, %and3A_212 : vector<16xi32>
        %broadcast_in_dim3A_214 = arith.constant true
        %broadcast_in_dim3A_215 = vector.broadcast %broadcast_in_dim3A_214 : i1 to vector<16xi1>
        %unique3A_216, %unique3A_217 = tpu.scan_count mask(%broadcast_in_dim3A_215 : vector<16xi1>) value(%and3A_213 : vector<16xi32>) : vector<16xi1>, vector<16xi32>
        %gather3A_218 = tpu.vector_load_idx %arg17[%and3A_213] : memref<2048xi32, #tpu.memory_space<vmem>>[vector<16xi32>], vector<16xi32>,
        %add3A_219 = arith.addi %gather3A_218, %unique3A_217 : vector<16xi32>
        %sub3A_220 = arith.constant 1 : i32
        %sub3A_221 = vector.broadcast %sub3A_220 : i32 to vector<16xi32>
        %sub3A_222 = arith.subi %add3A_219, %sub3A_221 : vector<16xi32>
        %mul3A_223 = arith.constant 16 : i32
        %mul3A_224 = arith.muli %scan3A_89, %mul3A_223 : i32
        %add3A_225 = arith.constant 12000 : i32
        %add3A_226 = arith.addi %add3A_225, %mul3A_224 : i32
        %get3A_227 = arith.index_cast %add3A_226 : i32 to index
        %get3A_228 = tpu.vector_load %arg7[%get3A_227] {strides = array<i32>} : memref<20000xi32, #tpu.memory_space<vmem>>, vector<16xi32>,
        %get3A_229 = arith.index_cast %add3A_226 : i32 to index
        %get3A_230 = tpu.vector_load %arg8[%get3A_229] {strides = array<i32>} : memref<20000xi32, #tpu.memory_space<vmem>>, vector<16xi32>,
        %shift_right_logical3A_231 = arith.constant 0 : i32
        %shift_right_logical3A_232 = vector.broadcast %shift_right_logical3A_231 : i32 to vector<16xi32>
        %shift_right_logical3A_233 = arith.shrui %get3A_228, %shift_right_logical3A_232 : vector<16xi32>
        %and3A_234 = arith.constant 2047 : i32
        %and3A_235 = vector.broadcast %and3A_234 : i32 to vector<16xi32>
        %and3A_236 = arith.andi %shift_right_logical3A_233, %and3A_235 : vector<16xi32>
        %broadcast_in_dim3A_237 = arith.constant true
        %broadcast_in_dim3A_238 = vector.broadcast %broadcast_in_dim3A_237 : i1 to vector<16xi1>
        %unique3A_239, %unique3A_240 = tpu.scan_count mask(%broadcast_in_dim3A_238 : vector<16xi1>) value(%and3A_236 : vector<16xi32>) : vector<16xi1>, vector<16xi32>
        %gather3A_241 = tpu.vector_load_idx %arg18[%and3A_236] : memref<2048xi32, #tpu.memory_space<vmem>>[vector<16xi32>], vector<16xi32>,
        %add3A_242 = arith.addi %gather3A_241, %unique3A_240 : vector<16xi32>
        %sub3A_243 = arith.constant 1 : i32
        %sub3A_244 = vector.broadcast %sub3A_243 : i32 to vector<16xi32>
        %sub3A_245 = arith.subi %add3A_242, %sub3A_244 : vector<16xi32>
        %mul3A_246 = arith.constant 16 : i32
        %mul3A_247 = arith.muli %scan3A_89, %mul3A_246 : i32
        %add3A_248 = arith.constant 14000 : i32
        %add3A_249 = arith.addi %add3A_248, %mul3A_247 : i32
        %get3A_250 = arith.index_cast %add3A_249 : i32 to index
        %get3A_251 = tpu.vector_load %arg7[%get3A_250] {strides = array<i32>} : memref<20000xi32, #tpu.memory_space<vmem>>, vector<16xi32>,
        %get3A_252 = arith.index_cast %add3A_249 : i32 to index
        %get3A_253 = tpu.vector_load %arg8[%get3A_252] {strides = array<i32>} : memref<20000xi32, #tpu.memory_space<vmem>>, vector<16xi32>,
        %shift_right_logical3A_254 = arith.constant 0 : i32
        %shift_right_logical3A_255 = vector.broadcast %shift_right_logical3A_254 : i32 to vector<16xi32>
        %shift_right_logical3A_256 = arith.shrui %get3A_251, %shift_right_logical3A_255 : vector<16xi32>
        %and3A_257 = arith.constant 2047 : i32
        %and3A_258 = vector.broadcast %and3A_257 : i32 to vector<16xi32>
        %and3A_259 = arith.andi %shift_right_logical3A_256, %and3A_258 : vector<16xi32>
        %broadcast_in_dim3A_260 = arith.constant true
        %broadcast_in_dim3A_261 = vector.broadcast %broadcast_in_dim3A_260 : i1 to vector<16xi1>
        %unique3A_262, %unique3A_263 = tpu.scan_count mask(%broadcast_in_dim3A_261 : vector<16xi1>) value(%and3A_259 : vector<16xi32>) : vector<16xi1>, vector<16xi32>
        %gather3A_264 = tpu.vector_load_idx %arg19[%and3A_259] : memref<2048xi32, #tpu.memory_space<vmem>>[vector<16xi32>], vector<16xi32>,
        %add3A_265 = arith.addi %gather3A_264, %unique3A_263 : vector<16xi32>
        %sub3A_266 = arith.constant 1 : i32
        %sub3A_267 = vector.broadcast %sub3A_266 : i32 to vector<16xi32>
        %sub3A_268 = arith.subi %add3A_265, %sub3A_267 : vector<16xi32>
        %mul3A_269 = arith.constant 16 : i32
        %mul3A_270 = arith.muli %scan3A_89, %mul3A_269 : i32
        %add3A_271 = arith.constant 16000 : i32
        %add3A_272 = arith.addi %add3A_271, %mul3A_270 : i32
        %get3A_273 = arith.index_cast %add3A_272 : i32 to index
        %get3A_274 = tpu.vector_load %arg7[%get3A_273] {strides = array<i32>} : memref<20000xi32, #tpu.memory_space<vmem>>, vector<16xi32>,
        %get3A_275 = arith.index_cast %add3A_272 : i32 to index
        %get3A_276 = tpu.vector_load %arg8[%get3A_275] {strides = array<i32>} : memref<20000xi32, #tpu.memory_space<vmem>>, vector<16xi32>,
        %shift_right_logical3A_277 = arith.constant 0 : i32
        %shift_right_logical3A_278 = vector.broadcast %shift_right_logical3A_277 : i32 to vector<16xi32>
        %shift_right_logical3A_279 = arith.shrui %get3A_274, %shift_right_logical3A_278 : vector<16xi32>
        %and3A_280 = arith.constant 2047 : i32
        %and3A_281 = vector.broadcast %and3A_280 : i32 to vector<16xi32>
        %and3A_282 = arith.andi %shift_right_logical3A_279, %and3A_281 : vector<16xi32>
        %broadcast_in_dim3A_283 = arith.constant true
        %broadcast_in_dim3A_284 = vector.broadcast %broadcast_in_dim3A_283 : i1 to vector<16xi1>
        %unique3A_285, %unique3A_286 = tpu.scan_count mask(%broadcast_in_dim3A_284 : vector<16xi1>) value(%and3A_282 : vector<16xi32>) : vector<16xi1>, vector<16xi32>
        %gather3A_287 = tpu.vector_load_idx %arg20[%and3A_282] : memref<2048xi32, #tpu.memory_space<vmem>>[vector<16xi32>], vector<16xi32>,
        %add3A_288 = arith.addi %gather3A_287, %unique3A_286 : vector<16xi32>
        %sub3A_289 = arith.constant 1 : i32
        %sub3A_290 = vector.broadcast %sub3A_289 : i32 to vector<16xi32>
        %sub3A_291 = arith.subi %add3A_288, %sub3A_290 : vector<16xi32>
        %mul3A_292 = arith.constant 16 : i32
        %mul3A_293 = arith.muli %scan3A_89, %mul3A_292 : i32
        %add3A_294 = arith.constant 18000 : i32
        %add3A_295 = arith.addi %add3A_294, %mul3A_293 : i32
        %get3A_296 = arith.index_cast %add3A_295 : i32 to index
        %get3A_297 = tpu.vector_load %arg7[%get3A_296] {strides = array<i32>} : memref<20000xi32, #tpu.memory_space<vmem>>, vector<16xi32>,
        %get3A_298 = arith.index_cast %add3A_295 : i32 to index
        %get3A_299 = tpu.vector_load %arg8[%get3A_298] {strides = array<i32>} : memref<20000xi32, #tpu.memory_space<vmem>>, vector<16xi32>,
        %shift_right_logical3A_300 = arith.constant 0 : i32
        %shift_right_logical3A_301 = vector.broadcast %shift_right_logical3A_300 : i32 to vector<16xi32>
        %shift_right_logical3A_302 = arith.shrui %get3A_297, %shift_right_logical3A_301 : vector<16xi32>
        %and3A_303 = arith.constant 2047 : i32
        %and3A_304 = vector.broadcast %and3A_303 : i32 to vector<16xi32>
        %and3A_305 = arith.andi %shift_right_logical3A_302, %and3A_304 : vector<16xi32>
        %broadcast_in_dim3A_306 = arith.constant true
        %broadcast_in_dim3A_307 = vector.broadcast %broadcast_in_dim3A_306 : i1 to vector<16xi1>
        %unique3A_308, %unique3A_309 = tpu.scan_count mask(%broadcast_in_dim3A_307 : vector<16xi1>) value(%and3A_305 : vector<16xi32>) : vector<16xi1>, vector<16xi32>
        %gather3A_310 = tpu.vector_load_idx %arg21[%and3A_305] : memref<2048xi32, #tpu.memory_space<vmem>>[vector<16xi32>], vector<16xi32>,
        %add3A_311 = arith.addi %gather3A_310, %unique3A_309 : vector<16xi32>
        %sub3A_312 = arith.constant 1 : i32
        %sub3A_313 = vector.broadcast %sub3A_312 : i32 to vector<16xi32>
        %sub3A_314 = arith.subi %add3A_311, %sub3A_313 : vector<16xi32>
        tpu.vector_store_idx %arg12[%and3A_101], %broadcast_in_dim3A_3 {add = true} : memref<2048xi32, #tpu.memory_space<vmem>>[vector<16xi32>], vector<16xi32>,
        tpu.vector_store_idx %arg9[%sub3A_107], %get3A_95 : memref<20000xi32, #tpu.memory_space<vmem>>[vector<16xi32>], vector<16xi32>,
        tpu.vector_store_idx %arg10[%sub3A_107], %get3A_97 : memref<20000xi32, #tpu.memory_space<vmem>>[vector<16xi32>], vector<16xi32>,
        tpu.vector_store_idx %arg13[%and3A_121], %broadcast_in_dim3A_3 {add = true} : memref<2048xi32, #tpu.memory_space<vmem>>[vector<16xi32>], vector<16xi32>,
        tpu.vector_store_idx %arg9[%sub3A_130], %get3A_113 : memref<20000xi32, #tpu.memory_space<vmem>>[vector<16xi32>], vector<16xi32>,
        tpu.vector_store_idx %arg10[%sub3A_130], %get3A_115 : memref<20000xi32, #tpu.memory_space<vmem>>[vector<16xi32>], vector<16xi32>,
        tpu.vector_store_idx %arg14[%and3A_144], %broadcast_in_dim3A_3 {add = true} : memref<2048xi32, #tpu.memory_space<vmem>>[vector<16xi32>], vector<16xi32>,
        tpu.vector_store_idx %arg9[%sub3A_153], %get3A_136 : memref<20000xi32, #tpu.memory_space<vmem>>[vector<16xi32>], vector<16xi32>,
        tpu.vector_store_idx %arg10[%sub3A_153], %get3A_138 : memref<20000xi32, #tpu.memory_space<vmem>>[vector<16xi32>], vector<16xi32>,
        tpu.vector_store_idx %arg15[%and3A_167], %broadcast_in_dim3A_3 {add = true} : memref<2048xi32, #tpu.memory_space<vmem>>[vector<16xi32>], vector<16xi32>,
        tpu.vector_store_idx %arg9[%sub3A_176], %get3A_159 : memref<20000xi32, #tpu.memory_space<vmem>>[vector<16xi32>], vector<16xi32>,
        tpu.vector_store_idx %arg10[%sub3A_176], %get3A_161 : memref<20000xi32, #tpu.memory_space<vmem>>[vector<16xi32>], vector<16xi32>,
        tpu.vector_store_idx %arg16[%and3A_190], %broadcast_in_dim3A_3 {add = true} : memref<2048xi32, #tpu.memory_space<vmem>>[vector<16xi32>], vector<16xi32>,
        tpu.vector_store_idx %arg9[%sub3A_199], %get3A_182 : memref<20000xi32, #tpu.memory_space<vmem>>[vector<16xi32>], vector<16xi32>,
        tpu.vector_store_idx %arg10[%sub3A_199], %get3A_184 : memref<20000xi32, #tpu.memory_space<vmem>>[vector<16xi32>], vector<16xi32>,
        tpu.vector_store_idx %arg17[%and3A_213], %broadcast_in_dim3A_3 {add = true} : memref<2048xi32, #tpu.memory_space<vmem>>[vector<16xi32>], vector<16xi32>,
        tpu.vector_store_idx %arg9[%sub3A_222], %get3A_205 : memref<20000xi32, #tpu.memory_space<vmem>>[vector<16xi32>], vector<16xi32>,
        tpu.vector_store_idx %arg10[%sub3A_222], %get3A_207 : memref<20000xi32, #tpu.memory_space<vmem>>[vector<16xi32>], vector<16xi32>,
        tpu.vector_store_idx %arg18[%and3A_236], %broadcast_in_dim3A_3 {add = true} : memref<2048xi32, #tpu.memory_space<vmem>>[vector<16xi32>], vector<16xi32>,
        tpu.vector_store_idx %arg9[%sub3A_245], %get3A_228 : memref<20000xi32, #tpu.memory_space<vmem>>[vector<16xi32>], vector<16xi32>,
        tpu.vector_store_idx %arg10[%sub3A_245], %get3A_230 : memref<20000xi32, #tpu.memory_space<vmem>>[vector<16xi32>], vector<16xi32>,
        tpu.vector_store_idx %arg19[%and3A_259], %broadcast_in_dim3A_3 {add = true} : memref<2048xi32, #tpu.memory_space<vmem>>[vector<16xi32>], vector<16xi32>,
        tpu.vector_store_idx %arg9[%sub3A_268], %get3A_251 : memref<20000xi32, #tpu.memory_space<vmem>>[vector<16xi32>], vector<16xi32>,
        tpu.vector_store_idx %arg10[%sub3A_268], %get3A_253 : memref<20000xi32, #tpu.memory_space<vmem>>[vector<16xi32>], vector<16xi32>,
        tpu.vector_store_idx %arg20[%and3A_282], %broadcast_in_dim3A_3 {add = true} : memref<2048xi32, #tpu.memory_space<vmem>>[vector<16xi32>], vector<16xi32>,
        tpu.vector_store_idx %arg9[%sub3A_291], %get3A_274 : memref<20000xi32, #tpu.memory_space<vmem>>[vector<16xi32>], vector<16xi32>,
        tpu.vector_store_idx %arg10[%sub3A_291], %get3A_276 : memref<20000xi32, #tpu.memory_space<vmem>>[vector<16xi32>], vector<16xi32>,
        tpu.vector_store_idx %arg21[%and3A_305], %broadcast_in_dim3A_3 {add = true} : memref<2048xi32, #tpu.memory_space<vmem>>[vector<16xi32>], vector<16xi32>,
        tpu.vector_store_idx %arg9[%sub3A_314], %get3A_297 : memref<20000xi32, #tpu.memory_space<vmem>>[vector<16xi32>], vector<16xi32>,
        tpu.vector_store_idx %arg10[%sub3A_314], %get3A_299 : memref<20000xi32, #tpu.memory_space<vmem>>[vector<16xi32>], vector<16xi32>,
        %scan3A_315 = arith.constant 0 : i32
        scf.yield %scan3A_315 : i32
      }
      %scan3A_32 = arith.constant 125 : i32
      %scan3A_33 = arith.constant 0 : i32
      %scan3A_34 = arith.constant 0 : i32
      %scan3A_35 = arith.constant 128 : i32
      %scan3A_36 = arith.addi %scan3A_34, %scan3A_35 : i32
      %scan3A_37 = arith.constant 1 : i32
      %scan3A_38 = scf.for %scan3A_89 = %scan3A_34 to %scan3A_36 step %scan3A_37 iter_args(%scan3A_90 = %scan3A_33) -> (i32)  : i32 {
        %mul3A_91 = arith.constant 16 : i32
        %mul3A_92 = arith.muli %scan3A_89, %mul3A_91 : i32
        %swap3A = arith.index_cast %mul3A_92 : i32 to index
        %swap3A_93 = tpu.vector_load %arg12[%swap3A] {strides = array<i32>} : memref<2048xi32, #tpu.memory_space<vmem>>, vector<16xi32>,
        tpu.vector_store %arg12[%swap3A], %broadcast_in_dim3A_5 {strides = array<i32>} : memref<2048xi32, #tpu.memory_space<vmem>>, vector<16xi32>,
        %mul3A_94 = arith.constant 16 : i32
        %mul3A_95 = arith.muli %scan3A_89, %mul3A_94 : i32
        %swap3A_96 = arith.index_cast %mul3A_95 : i32 to index
        %swap3A_97 = tpu.vector_load %arg13[%swap3A_96] {strides = array<i32>} : memref<2048xi32, #tpu.memory_space<vmem>>, vector<16xi32>,
        tpu.vector_store %arg13[%swap3A_96], %broadcast_in_dim3A_5 {strides = array<i32>} : memref<2048xi32, #tpu.memory_space<vmem>>, vector<16xi32>,
        %mul3A_98 = arith.constant 16 : i32
        %mul3A_99 = arith.muli %scan3A_89, %mul3A_98 : i32
        %swap3A_100 = arith.index_cast %mul3A_99 : i32 to index
        %swap3A_101 = tpu.vector_load %arg14[%swap3A_100] {strides = array<i32>} : memref<2048xi32, #tpu.memory_space<vmem>>, vector<16xi32>,
        tpu.vector_store %arg14[%swap3A_100], %broadcast_in_dim3A_5 {strides = array<i32>} : memref<2048xi32, #tpu.memory_space<vmem>>, vector<16xi32>,
        %mul3A_102 = arith.constant 16 : i32
        %mul3A_103 = arith.muli %scan3A_89, %mul3A_102 : i32
        %swap3A_104 = arith.index_cast %mul3A_103 : i32 to index
        %swap3A_105 = tpu.vector_load %arg15[%swap3A_104] {strides = array<i32>} : memref<2048xi32, #tpu.memory_space<vmem>>, vector<16xi32>,
        tpu.vector_store %arg15[%swap3A_104], %broadcast_in_dim3A_5 {strides = array<i32>} : memref<2048xi32, #tpu.memory_space<vmem>>, vector<16xi32>,
        %mul3A_106 = arith.constant 16 : i32
        %mul3A_107 = arith.muli %scan3A_89, %mul3A_106 : i32
        %swap3A_108 = arith.index_cast %mul3A_107 : i32 to index
        %swap3A_109 = tpu.vector_load %arg16[%swap3A_108] {strides = array<i32>} : memref<2048xi32, #tpu.memory_space<vmem>>, vector<16xi32>,
        tpu.vector_store %arg16[%swap3A_108], %broadcast_in_dim3A_5 {strides = array<i32>} : memref<2048xi32, #tpu.memory_space<vmem>>, vector<16xi32>,
        %mul3A_110 = arith.constant 16 : i32
        %mul3A_111 = arith.muli %scan3A_89, %mul3A_110 : i32
        %swap3A_112 = arith.index_cast %mul3A_111 : i32 to index
        %swap3A_113 = tpu.vector_load %arg17[%swap3A_112] {strides = array<i32>} : memref<2048xi32, #tpu.memory_space<vmem>>, vector<16xi32>,
        tpu.vector_store %arg17[%swap3A_112], %broadcast_in_dim3A_5 {strides = array<i32>} : memref<2048xi32, #tpu.memory_space<vmem>>, vector<16xi32>,
        %mul3A_114 = arith.constant 16 : i32
        %mul3A_115 = arith.muli %scan3A_89, %mul3A_114 : i32
        %swap3A_116 = arith.index_cast %mul3A_115 : i32 to index
        %swap3A_117 = tpu.vector_load %arg18[%swap3A_116] {strides = array<i32>} : memref<2048xi32, #tpu.memory_space<vmem>>, vector<16xi32>,
        tpu.vector_store %arg18[%swap3A_116], %broadcast_in_dim3A_5 {strides = array<i32>} : memref<2048xi32, #tpu.memory_space<vmem>>, vector<16xi32>,
        %mul3A_118 = arith.constant 16 : i32
        %mul3A_119 = arith.muli %scan3A_89, %mul3A_118 : i32
        %swap3A_120 = arith.index_cast %mul3A_119 : i32 to index
        %swap3A_121 = tpu.vector_load %arg19[%swap3A_120] {strides = array<i32>} : memref<2048xi32, #tpu.memory_space<vmem>>, vector<16xi32>,
        tpu.vector_store %arg19[%swap3A_120], %broadcast_in_dim3A_5 {strides = array<i32>} : memref<2048xi32, #tpu.memory_space<vmem>>, vector<16xi32>,
        %mul3A_122 = arith.constant 16 : i32
        %mul3A_123 = arith.muli %scan3A_89, %mul3A_122 : i32
        %swap3A_124 = arith.index_cast %mul3A_123 : i32 to index
        %swap3A_125 = tpu.vector_load %arg20[%swap3A_124] {strides = array<i32>} : memref<2048xi32, #tpu.memory_space<vmem>>, vector<16xi32>,
        tpu.vector_store %arg20[%swap3A_124], %broadcast_in_dim3A_5 {strides = array<i32>} : memref<2048xi32, #tpu.memory_space<vmem>>, vector<16xi32>,
        %mul3A_126 = arith.constant 16 : i32
        %mul3A_127 = arith.muli %scan3A_89, %mul3A_126 : i32
        %swap3A_128 = arith.index_cast %mul3A_127 : i32 to index
        %swap3A_129 = tpu.vector_load %arg21[%swap3A_128] {strides = array<i32>} : memref<2048xi32, #tpu.memory_space<vmem>>, vector<16xi32>,
        tpu.vector_store %arg21[%swap3A_128], %broadcast_in_dim3A_5 {strides = array<i32>} : memref<2048xi32, #tpu.memory_space<vmem>>, vector<16xi32>,
        %scan3A_130 = arith.constant 0 : i32
        scf.yield %scan3A_130 : i32
      }
      %scan3A_39 = arith.constant 128 : i32
      %scan3A_40 = arith.constant 0 : i32
      %scan3A_41 = arith.constant 0 : i32
      %scan3A_42 = arith.constant 125 : i32
      %scan3A_43 = arith.addi %scan3A_41, %scan3A_42 : i32
      %scan3A_44 = arith.constant 1 : i32
      %scan3A_45 = scf.for %scan3A_89 = %scan3A_41 to %scan3A_43 step %scan3A_44 iter_args(%scan3A_90 = %scan3A_40) -> (i32)  : i32 {
        %mul3A_91 = arith.constant 16 : i32
        %mul3A_92 = arith.muli %scan3A_89, %mul3A_91 : i32
        %add3A_93 = arith.constant 0 : i32
        %add3A_94 = arith.addi %add3A_93, %mul3A_92 : i32
        %get3A = arith.index_cast %add3A_94 : i32 to index
        %get3A_95 = tpu.vector_load %arg9[%get3A] {strides = array<i32>} : memref<20000xi32, #tpu.memory_space<vmem>>, vector<16xi32>,
        %shift_right_logical3A = arith.constant 11 : i32
        %shift_right_logical3A_96 = vector.broadcast %shift_right_logical3A : i32 to vector<16xi32>
        %shift_right_logical3A_97 = arith.shrui %get3A_95, %shift_right_logical3A_96 : vector<16xi32>
        %and3A = arith.constant 2047 : i32
        %and3A_98 = vector.broadcast %and3A : i32 to vector<16xi32>
        %and3A_99 = arith.andi %shift_right_logical3A_97, %and3A_98 : vector<16xi32>
        %mul3A_100 = arith.constant 16 : i32
        %mul3A_101 = arith.muli %scan3A_89, %mul3A_100 : i32
        %add3A_102 = arith.constant 2000 : i32
        %add3A_103 = arith.addi %add3A_102, %mul3A_101 : i32
        %get3A_104 = arith.index_cast %add3A_103 : i32 to index
        %get3A_105 = tpu.vector_load %arg9[%get3A_104] {strides = array<i32>} : memref<20000xi32, #tpu.memory_space<vmem>>, vector<16xi32>,
        %shift_right_logical3A_106 = arith.constant 11 : i32
        %shift_right_logical3A_107 = vector.broadcast %shift_right_logical3A_106 : i32 to vector<16xi32>
        %shift_right_logical3A_108 = arith.shrui %get3A_105, %shift_right_logical3A_107 : vector<16xi32>
        %and3A_109 = arith.constant 2047 : i32
        %and3A_110 = vector.broadcast %and3A_109 : i32 to vector<16xi32>
        %and3A_111 = arith.andi %shift_right_logical3A_108, %and3A_110 : vector<16xi32>
        %mul3A_112 = arith.constant 16 : i32
        %mul3A_113 = arith.muli %scan3A_89, %mul3A_112 : i32
        %add3A_114 = arith.constant 4000 : i32
        %add3A_115 = arith.addi %add3A_114, %mul3A_113 : i32
        %get3A_116 = arith.index_cast %add3A_115 : i32 to index
        %get3A_117 = tpu.vector_load %arg9[%get3A_116] {strides = array<i32>} : memref<20000xi32, #tpu.memory_space<vmem>>, vector<16xi32>,
        %shift_right_logical3A_118 = arith.constant 11 : i32
        %shift_right_logical3A_119 = vector.broadcast %shift_right_logical3A_118 : i32 to vector<16xi32>
        %shift_right_logical3A_120 = arith.shrui %get3A_117, %shift_right_logical3A_119 : vector<16xi32>
        %and3A_121 = arith.constant 2047 : i32
        %and3A_122 = vector.broadcast %and3A_121 : i32 to vector<16xi32>
        %and3A_123 = arith.andi %shift_right_logical3A_120, %and3A_122 : vector<16xi32>
        %mul3A_124 = arith.constant 16 : i32
        %mul3A_125 = arith.muli %scan3A_89, %mul3A_124 : i32
        %add3A_126 = arith.constant 6000 : i32
        %add3A_127 = arith.addi %add3A_126, %mul3A_125 : i32
        %get3A_128 = arith.index_cast %add3A_127 : i32 to index
        %get3A_129 = tpu.vector_load %arg9[%get3A_128] {strides = array<i32>} : memref<20000xi32, #tpu.memory_space<vmem>>, vector<16xi32>,
        %shift_right_logical3A_130 = arith.constant 11 : i32
        %shift_right_logical3A_131 = vector.broadcast %shift_right_logical3A_130 : i32 to vector<16xi32>
        %shift_right_logical3A_132 = arith.shrui %get3A_129, %shift_right_logical3A_131 : vector<16xi32>
        %and3A_133 = arith.constant 2047 : i32
        %and3A_134 = vector.broadcast %and3A_133 : i32 to vector<16xi32>
        %and3A_135 = arith.andi %shift_right_logical3A_132, %and3A_134 : vector<16xi32>
        %mul3A_136 = arith.constant 16 : i32
        %mul3A_137 = arith.muli %scan3A_89, %mul3A_136 : i32
        %add3A_138 = arith.constant 8000 : i32
        %add3A_139 = arith.addi %add3A_138, %mul3A_137 : i32
        %get3A_140 = arith.index_cast %add3A_139 : i32 to index
        %get3A_141 = tpu.vector_load %arg9[%get3A_140] {strides = array<i32>} : memref<20000xi32, #tpu.memory_space<vmem>>, vector<16xi32>,
        %shift_right_logical3A_142 = arith.constant 11 : i32
        %shift_right_logical3A_143 = vector.broadcast %shift_right_logical3A_142 : i32 to vector<16xi32>
        %shift_right_logical3A_144 = arith.shrui %get3A_141, %shift_right_logical3A_143 : vector<16xi32>
        %and3A_145 = arith.constant 2047 : i32
        %and3A_146 = vector.broadcast %and3A_145 : i32 to vector<16xi32>
        %and3A_147 = arith.andi %shift_right_logical3A_144, %and3A_146 : vector<16xi32>
        %mul3A_148 = arith.constant 16 : i32
        %mul3A_149 = arith.muli %scan3A_89, %mul3A_148 : i32
        %add3A_150 = arith.constant 10000 : i32
        %add3A_151 = arith.addi %add3A_150, %mul3A_149 : i32
        %get3A_152 = arith.index_cast %add3A_151 : i32 to index
        %get3A_153 = tpu.vector_load %arg9[%get3A_152] {strides = array<i32>} : memref<20000xi32, #tpu.memory_space<vmem>>, vector<16xi32>,
        %shift_right_logical3A_154 = arith.constant 11 : i32
        %shift_right_logical3A_155 = vector.broadcast %shift_right_logical3A_154 : i32 to vector<16xi32>
        %shift_right_logical3A_156 = arith.shrui %get3A_153, %shift_right_logical3A_155 : vector<16xi32>
        %and3A_157 = arith.constant 2047 : i32
        %and3A_158 = vector.broadcast %and3A_157 : i32 to vector<16xi32>
        %and3A_159 = arith.andi %shift_right_logical3A_156, %and3A_158 : vector<16xi32>
        %mul3A_160 = arith.constant 16 : i32
        %mul3A_161 = arith.muli %scan3A_89, %mul3A_160 : i32
        %add3A_162 = arith.constant 12000 : i32
        %add3A_163 = arith.addi %add3A_162, %mul3A_161 : i32
        %get3A_164 = arith.index_cast %add3A_163 : i32 to index
        %get3A_165 = tpu.vector_load %arg9[%get3A_164] {strides = array<i32>} : memref<20000xi32, #tpu.memory_space<vmem>>, vector<16xi32>,
        %shift_right_logical3A_166 = arith.constant 11 : i32
        %shift_right_logical3A_167 = vector.broadcast %shift_right_logical3A_166 : i32 to vector<16xi32>
        %shift_right_logical3A_168 = arith.shrui %get3A_165, %shift_right_logical3A_167 : vector<16xi32>
        %and3A_169 = arith.constant 2047 : i32
        %and3A_170 = vector.broadcast %and3A_169 : i32 to vector<16xi32>
        %and3A_171 = arith.andi %shift_right_logical3A_168, %and3A_170 : vector<16xi32>
        %mul3A_172 = arith.constant 16 : i32
        %mul3A_173 = arith.muli %scan3A_89, %mul3A_172 : i32
        %add3A_174 = arith.constant 14000 : i32
        %add3A_175 = arith.addi %add3A_174, %mul3A_173 : i32
        %get3A_176 = arith.index_cast %add3A_175 : i32 to index
        %get3A_177 = tpu.vector_load %arg9[%get3A_176] {strides = array<i32>} : memref<20000xi32, #tpu.memory_space<vmem>>, vector<16xi32>,
        %shift_right_logical3A_178 = arith.constant 11 : i32
        %shift_right_logical3A_179 = vector.broadcast %shift_right_logical3A_178 : i32 to vector<16xi32>
        %shift_right_logical3A_180 = arith.shrui %get3A_177, %shift_right_logical3A_179 : vector<16xi32>
        %and3A_181 = arith.constant 2047 : i32
        %and3A_182 = vector.broadcast %and3A_181 : i32 to vector<16xi32>
        %and3A_183 = arith.andi %shift_right_logical3A_180, %and3A_182 : vector<16xi32>
        %mul3A_184 = arith.constant 16 : i32
        %mul3A_185 = arith.muli %scan3A_89, %mul3A_184 : i32
        %add3A_186 = arith.constant 16000 : i32
        %add3A_187 = arith.addi %add3A_186, %mul3A_185 : i32
        %get3A_188 = arith.index_cast %add3A_187 : i32 to index
        %get3A_189 = tpu.vector_load %arg9[%get3A_188] {strides = array<i32>} : memref<20000xi32, #tpu.memory_space<vmem>>, vector<16xi32>,
        %shift_right_logical3A_190 = arith.constant 11 : i32
        %shift_right_logical3A_191 = vector.broadcast %shift_right_logical3A_190 : i32 to vector<16xi32>
        %shift_right_logical3A_192 = arith.shrui %get3A_189, %shift_right_logical3A_191 : vector<16xi32>
        %and3A_193 = arith.constant 2047 : i32
        %and3A_194 = vector.broadcast %and3A_193 : i32 to vector<16xi32>
        %and3A_195 = arith.andi %shift_right_logical3A_192, %and3A_194 : vector<16xi32>
        %mul3A_196 = arith.constant 16 : i32
        %mul3A_197 = arith.muli %scan3A_89, %mul3A_196 : i32
        %add3A_198 = arith.constant 18000 : i32
        %add3A_199 = arith.addi %add3A_198, %mul3A_197 : i32
        %get3A_200 = arith.index_cast %add3A_199 : i32 to index
        %get3A_201 = tpu.vector_load %arg9[%get3A_200] {strides = array<i32>} : memref<20000xi32, #tpu.memory_space<vmem>>, vector<16xi32>,
        %shift_right_logical3A_202 = arith.constant 11 : i32
        %shift_right_logical3A_203 = vector.broadcast %shift_right_logical3A_202 : i32 to vector<16xi32>
        %shift_right_logical3A_204 = arith.shrui %get3A_201, %shift_right_logical3A_203 : vector<16xi32>
        %and3A_205 = arith.constant 2047 : i32
        %and3A_206 = vector.broadcast %and3A_205 : i32 to vector<16xi32>
        %and3A_207 = arith.andi %shift_right_logical3A_204, %and3A_206 : vector<16xi32>
        tpu.vector_store_idx %arg12[%and3A_99], %broadcast_in_dim3A_3 {add = true} : memref<2048xi32, #tpu.memory_space<vmem>>[vector<16xi32>], vector<16xi32>,
        tpu.vector_store_idx %arg13[%and3A_111], %broadcast_in_dim3A_3 {add = true} : memref<2048xi32, #tpu.memory_space<vmem>>[vector<16xi32>], vector<16xi32>,
        tpu.vector_store_idx %arg14[%and3A_123], %broadcast_in_dim3A_3 {add = true} : memref<2048xi32, #tpu.memory_space<vmem>>[vector<16xi32>], vector<16xi32>,
        tpu.vector_store_idx %arg15[%and3A_135], %broadcast_in_dim3A_3 {add = true} : memref<2048xi32, #tpu.memory_space<vmem>>[vector<16xi32>], vector<16xi32>,
        tpu.vector_store_idx %arg16[%and3A_147], %broadcast_in_dim3A_3 {add = true} : memref<2048xi32, #tpu.memory_space<vmem>>[vector<16xi32>], vector<16xi32>,
        tpu.vector_store_idx %arg17[%and3A_159], %broadcast_in_dim3A_3 {add = true} : memref<2048xi32, #tpu.memory_space<vmem>>[vector<16xi32>], vector<16xi32>,
        tpu.vector_store_idx %arg18[%and3A_171], %broadcast_in_dim3A_3 {add = true} : memref<2048xi32, #tpu.memory_space<vmem>>[vector<16xi32>], vector<16xi32>,
        tpu.vector_store_idx %arg19[%and3A_183], %broadcast_in_dim3A_3 {add = true} : memref<2048xi32, #tpu.memory_space<vmem>>[vector<16xi32>], vector<16xi32>,
        tpu.vector_store_idx %arg20[%and3A_195], %broadcast_in_dim3A_3 {add = true} : memref<2048xi32, #tpu.memory_space<vmem>>[vector<16xi32>], vector<16xi32>,
        tpu.vector_store_idx %arg21[%and3A_207], %broadcast_in_dim3A_3 {add = true} : memref<2048xi32, #tpu.memory_space<vmem>>[vector<16xi32>], vector<16xi32>,
        %scan3A_208 = arith.constant 0 : i32
        scf.yield %scan3A_208 : i32
      }
      %scan3A_46 = arith.constant 125 : i32
      %scan3A_47 = arith.constant 0 : i32
      %scan3A_48 = arith.constant 0 : i32
      %scan3A_49 = arith.constant 128 : i32
      %scan3A_50 = arith.addi %scan3A_48, %scan3A_49 : i32
      %scan3A_51 = arith.constant 1 : i32
      %scan3A_52 = scf.for %scan3A_89 = %scan3A_48 to %scan3A_50 step %scan3A_51 iter_args(%scan3A_90 = %scan3A_47) -> (i32)  : i32 {
        %mul3A_91 = arith.constant 16 : i32
        %mul3A_92 = arith.muli %scan3A_89, %mul3A_91 : i32
        %get3A = arith.index_cast %mul3A_92 : i32 to index
        %get3A_93 = tpu.vector_load %arg12[%get3A] {strides = array<i32>} : memref<2048xi32, #tpu.memory_space<vmem>>, vector<16xi32>,
        %get3A_94 = arith.index_cast %mul3A_92 : i32 to index
        %get3A_95 = tpu.vector_load %arg13[%get3A_94] {strides = array<i32>} : memref<2048xi32, #tpu.memory_space<vmem>>, vector<16xi32>,
        %get3A_96 = arith.index_cast %mul3A_92 : i32 to index
        %get3A_97 = tpu.vector_load %arg14[%get3A_96] {strides = array<i32>} : memref<2048xi32, #tpu.memory_space<vmem>>, vector<16xi32>,
        %get3A_98 = arith.index_cast %mul3A_92 : i32 to index
        %get3A_99 = tpu.vector_load %arg15[%get3A_98] {strides = array<i32>} : memref<2048xi32, #tpu.memory_space<vmem>>, vector<16xi32>,
        %get3A_100 = arith.index_cast %mul3A_92 : i32 to index
        %get3A_101 = tpu.vector_load %arg16[%get3A_100] {strides = array<i32>} : memref<2048xi32, #tpu.memory_space<vmem>>, vector<16xi32>,
        %get3A_102 = arith.index_cast %mul3A_92 : i32 to index
        %get3A_103 = tpu.vector_load %arg17[%get3A_102] {strides = array<i32>} : memref<2048xi32, #tpu.memory_space<vmem>>, vector<16xi32>,
        %get3A_104 = arith.index_cast %mul3A_92 : i32 to index
        %get3A_105 = tpu.vector_load %arg18[%get3A_104] {strides = array<i32>} : memref<2048xi32, #tpu.memory_space<vmem>>, vector<16xi32>,
        %get3A_106 = arith.index_cast %mul3A_92 : i32 to index
        %get3A_107 = tpu.vector_load %arg19[%get3A_106] {strides = array<i32>} : memref<2048xi32, #tpu.memory_space<vmem>>, vector<16xi32>,
        %get3A_108 = arith.index_cast %mul3A_92 : i32 to index
        %get3A_109 = tpu.vector_load %arg20[%get3A_108] {strides = array<i32>} : memref<2048xi32, #tpu.memory_space<vmem>>, vector<16xi32>,
        %get3A_110 = arith.index_cast %mul3A_92 : i32 to index
        %get3A_111 = tpu.vector_load %arg21[%get3A_110] {strides = array<i32>} : memref<2048xi32, #tpu.memory_space<vmem>>, vector<16xi32>,
        %add3A_112 = arith.addi %get3A_93, %get3A_95 : vector<16xi32>
        %add3A_113 = arith.addi %add3A_112, %get3A_97 : vector<16xi32>
        %add3A_114 = arith.addi %add3A_113, %get3A_99 : vector<16xi32>
        %add3A_115 = arith.addi %add3A_114, %get3A_101 : vector<16xi32>
        %add3A_116 = arith.addi %add3A_115, %get3A_103 : vector<16xi32>
        %add3A_117 = arith.addi %add3A_116, %get3A_105 : vector<16xi32>
        %add3A_118 = arith.addi %add3A_117, %get3A_107 : vector<16xi32>
        %add3A_119 = arith.addi %add3A_118, %get3A_109 : vector<16xi32>
        %add3A_120 = arith.addi %add3A_119, %get3A_111 : vector<16xi32>
        %broadcast_in_dim3A_121 = arith.constant true
        %broadcast_in_dim3A_122 = vector.broadcast %broadcast_in_dim3A_121 : i1 to vector<16xi1>
        %masked_cumsum3A = tpu.scan <sum>, %add3A_120 masked %broadcast_in_dim3A_122 : vector<16xi32>, vector<16xi1> -> vector<16xi32>
        %sub3A = arith.subi %masked_cumsum3A, %add3A_120 : vector<16xi32>
        %add3A_123 = vector.broadcast %scan3A_90 : i32 to vector<16xi32>
        %add3A_124 = arith.addi %sub3A, %add3A_123 : vector<16xi32>
        %swap3A = arith.index_cast %mul3A_92 : i32 to index
        %swap3A_125 = tpu.vector_load %arg12[%swap3A] {strides = array<i32>} : memref<2048xi32, #tpu.memory_space<vmem>>, vector<16xi32>,
        tpu.vector_store %arg12[%swap3A], %add3A_124 {strides = array<i32>} : memref<2048xi32, #tpu.memory_space<vmem>>, vector<16xi32>,
        %add3A_126 = arith.addi %add3A_124, %get3A_93 : vector<16xi32>
        %swap3A_127 = arith.index_cast %mul3A_92 : i32 to index
        %swap3A_128 = tpu.vector_load %arg13[%swap3A_127] {strides = array<i32>} : memref<2048xi32, #tpu.memory_space<vmem>>, vector<16xi32>,
        tpu.vector_store %arg13[%swap3A_127], %add3A_126 {strides = array<i32>} : memref<2048xi32, #tpu.memory_space<vmem>>, vector<16xi32>,
        %add3A_129 = arith.addi %add3A_126, %get3A_95 : vector<16xi32>
        %swap3A_130 = arith.index_cast %mul3A_92 : i32 to index
        %swap3A_131 = tpu.vector_load %arg14[%swap3A_130] {strides = array<i32>} : memref<2048xi32, #tpu.memory_space<vmem>>, vector<16xi32>,
        tpu.vector_store %arg14[%swap3A_130], %add3A_129 {strides = array<i32>} : memref<2048xi32, #tpu.memory_space<vmem>>, vector<16xi32>,
        %add3A_132 = arith.addi %add3A_129, %get3A_97 : vector<16xi32>
        %swap3A_133 = arith.index_cast %mul3A_92 : i32 to index
        %swap3A_134 = tpu.vector_load %arg15[%swap3A_133] {strides = array<i32>} : memref<2048xi32, #tpu.memory_space<vmem>>, vector<16xi32>,
        tpu.vector_store %arg15[%swap3A_133], %add3A_132 {strides = array<i32>} : memref<2048xi32, #tpu.memory_space<vmem>>, vector<16xi32>,
        %add3A_135 = arith.addi %add3A_132, %get3A_99 : vector<16xi32>
        %swap3A_136 = arith.index_cast %mul3A_92 : i32 to index
        %swap3A_137 = tpu.vector_load %arg16[%swap3A_136] {strides = array<i32>} : memref<2048xi32, #tpu.memory_space<vmem>>, vector<16xi32>,
        tpu.vector_store %arg16[%swap3A_136], %add3A_135 {strides = array<i32>} : memref<2048xi32, #tpu.memory_space<vmem>>, vector<16xi32>,
        %add3A_138 = arith.addi %add3A_135, %get3A_101 : vector<16xi32>
        %swap3A_139 = arith.index_cast %mul3A_92 : i32 to index
        %swap3A_140 = tpu.vector_load %arg17[%swap3A_139] {strides = array<i32>} : memref<2048xi32, #tpu.memory_space<vmem>>, vector<16xi32>,
        tpu.vector_store %arg17[%swap3A_139], %add3A_138 {strides = array<i32>} : memref<2048xi32, #tpu.memory_space<vmem>>, vector<16xi32>,
        %add3A_141 = arith.addi %add3A_138, %get3A_103 : vector<16xi32>
        %swap3A_142 = arith.index_cast %mul3A_92 : i32 to index
        %swap3A_143 = tpu.vector_load %arg18[%swap3A_142] {strides = array<i32>} : memref<2048xi32, #tpu.memory_space<vmem>>, vector<16xi32>,
        tpu.vector_store %arg18[%swap3A_142], %add3A_141 {strides = array<i32>} : memref<2048xi32, #tpu.memory_space<vmem>>, vector<16xi32>,
        %add3A_144 = arith.addi %add3A_141, %get3A_105 : vector<16xi32>
        %swap3A_145 = arith.index_cast %mul3A_92 : i32 to index
        %swap3A_146 = tpu.vector_load %arg19[%swap3A_145] {strides = array<i32>} : memref<2048xi32, #tpu.memory_space<vmem>>, vector<16xi32>,
        tpu.vector_store %arg19[%swap3A_145], %add3A_144 {strides = array<i32>} : memref<2048xi32, #tpu.memory_space<vmem>>, vector<16xi32>,
        %add3A_147 = arith.addi %add3A_144, %get3A_107 : vector<16xi32>
        %swap3A_148 = arith.index_cast %mul3A_92 : i32 to index
        %swap3A_149 = tpu.vector_load %arg20[%swap3A_148] {strides = array<i32>} : memref<2048xi32, #tpu.memory_space<vmem>>, vector<16xi32>,
        tpu.vector_store %arg20[%swap3A_148], %add3A_147 {strides = array<i32>} : memref<2048xi32, #tpu.memory_space<vmem>>, vector<16xi32>,
        %add3A_150 = arith.addi %add3A_147, %get3A_109 : vector<16xi32>
        %swap3A_151 = arith.index_cast %mul3A_92 : i32 to index
        %swap3A_152 = tpu.vector_load %arg21[%swap3A_151] {strides = array<i32>} : memref<2048xi32, #tpu.memory_space<vmem>>, vector<16xi32>,
        tpu.vector_store %arg21[%swap3A_151], %add3A_150 {strides = array<i32>} : memref<2048xi32, #tpu.memory_space<vmem>>, vector<16xi32>,
        %add3A_153 = arith.addi %add3A_150, %get3A_111 : vector<16xi32>
        %reduce_sum3A = arith.constant true
        %reduce_sum3A_154 = vector.broadcast %reduce_sum3A : i1 to vector<16xi1>
        %reduce_sum3A_155 = tpu.scan <sum>, %add3A_120 masked %reduce_sum3A_154 : vector<16xi32>, vector<16xi1> -> vector<16xi32>
        %reduce_sum3A_156 = vector.extract %reduce_sum3A_155[15] : i32 from vector<16xi32>
        %add3A_157 = arith.addi %scan3A_90, %reduce_sum3A_156 : i32
        scf.yield %add3A_157 : i32
      }
      %scan3A_53 = arith.constant 128 : i32
      %scan3A_54 = arith.constant 0 : i32
      %scan3A_55 = arith.constant 0 : i32
      %scan3A_56 = arith.constant 125 : i32
      %scan3A_57 = arith.addi %scan3A_55, %scan3A_56 : i32
      %scan3A_58 = arith.constant 1 : i32
      %scan3A_59 = scf.for %scan3A_89 = %scan3A_55 to %scan3A_57 step %scan3A_58 iter_args(%scan3A_90 = %scan3A_54) -> (i32)  : i32 {
        %mul3A_91 = arith.constant 16 : i32
        %mul3A_92 = arith.muli %scan3A_89, %mul3A_91 : i32
        %add3A_93 = arith.constant 0 : i32
        %add3A_94 = arith.addi %add3A_93, %mul3A_92 : i32
        %get3A = arith.index_cast %add3A_94 : i32 to index
        %get3A_95 = tpu.vector_load %arg9[%get3A] {strides = array<i32>} : memref<20000xi32, #tpu.memory_space<vmem>>, vector<16xi32>,
        %get3A_96 = arith.index_cast %add3A_94 : i32 to index
        %get3A_97 = tpu.vector_load %arg10[%get3A_96] {strides = array<i32>} : memref<20000xi32, #tpu.memory_space<vmem>>, vector<16xi32>,
        %shift_right_logical3A = arith.constant 11 : i32
        %shift_right_logical3A_98 = vector.broadcast %shift_right_logical3A : i32 to vector<16xi32>
        %shift_right_logical3A_99 = arith.shrui %get3A_95, %shift_right_logical3A_98 : vector<16xi32>
        %and3A = arith.constant 2047 : i32
        %and3A_100 = vector.broadcast %and3A : i32 to vector<16xi32>
        %and3A_101 = arith.andi %shift_right_logical3A_99, %and3A_100 : vector<16xi32>
        %broadcast_in_dim3A_102 = arith.constant true
        %broadcast_in_dim3A_103 = vector.broadcast %broadcast_in_dim3A_102 : i1 to vector<16xi1>
        %unique3A, %unique3A_104 = tpu.scan_count mask(%broadcast_in_dim3A_103 : vector<16xi1>) value(%and3A_101 : vector<16xi32>) : vector<16xi1>, vector<16xi32>
        %gather3A = tpu.vector_load_idx %arg12[%and3A_101] : memref<2048xi32, #tpu.memory_space<vmem>>[vector<16xi32>], vector<16xi32>,
        %add3A_105 = arith.addi %gather3A, %unique3A_104 : vector<16xi32>
        %sub3A = arith.constant 1 : i32
        %sub3A_106 = vector.broadcast %sub3A : i32 to vector<16xi32>
        %sub3A_107 = arith.subi %add3A_105, %sub3A_106 : vector<16xi32>
        %mul3A_108 = arith.constant 16 : i32
        %mul3A_109 = arith.muli %scan3A_89, %mul3A_108 : i32
        %add3A_110 = arith.constant 2000 : i32
        %add3A_111 = arith.addi %add3A_110, %mul3A_109 : i32
        %get3A_112 = arith.index_cast %add3A_111 : i32 to index
        %get3A_113 = tpu.vector_load %arg9[%get3A_112] {strides = array<i32>} : memref<20000xi32, #tpu.memory_space<vmem>>, vector<16xi32>,
        %get3A_114 = arith.index_cast %add3A_111 : i32 to index
        %get3A_115 = tpu.vector_load %arg10[%get3A_114] {strides = array<i32>} : memref<20000xi32, #tpu.memory_space<vmem>>, vector<16xi32>,
        %shift_right_logical3A_116 = arith.constant 11 : i32
        %shift_right_logical3A_117 = vector.broadcast %shift_right_logical3A_116 : i32 to vector<16xi32>
        %shift_right_logical3A_118 = arith.shrui %get3A_113, %shift_right_logical3A_117 : vector<16xi32>
        %and3A_119 = arith.constant 2047 : i32
        %and3A_120 = vector.broadcast %and3A_119 : i32 to vector<16xi32>
        %and3A_121 = arith.andi %shift_right_logical3A_118, %and3A_120 : vector<16xi32>
        %broadcast_in_dim3A_122 = arith.constant true
        %broadcast_in_dim3A_123 = vector.broadcast %broadcast_in_dim3A_122 : i1 to vector<16xi1>
        %unique3A_124, %unique3A_125 = tpu.scan_count mask(%broadcast_in_dim3A_123 : vector<16xi1>) value(%and3A_121 : vector<16xi32>) : vector<16xi1>, vector<16xi32>
        %gather3A_126 = tpu.vector_load_idx %arg13[%and3A_121] : memref<2048xi32, #tpu.memory_space<vmem>>[vector<16xi32>], vector<16xi32>,
        %add3A_127 = arith.addi %gather3A_126, %unique3A_125 : vector<16xi32>
        %sub3A_128 = arith.constant 1 : i32
        %sub3A_129 = vector.broadcast %sub3A_128 : i32 to vector<16xi32>
        %sub3A_130 = arith.subi %add3A_127, %sub3A_129 : vector<16xi32>
        %mul3A_131 = arith.constant 16 : i32
        %mul3A_132 = arith.muli %scan3A_89, %mul3A_131 : i32
        %add3A_133 = arith.constant 4000 : i32
        %add3A_134 = arith.addi %add3A_133, %mul3A_132 : i32
        %get3A_135 = arith.index_cast %add3A_134 : i32 to index
        %get3A_136 = tpu.vector_load %arg9[%get3A_135] {strides = array<i32>} : memref<20000xi32, #tpu.memory_space<vmem>>, vector<16xi32>,
        %get3A_137 = arith.index_cast %add3A_134 : i32 to index
        %get3A_138 = tpu.vector_load %arg10[%get3A_137] {strides = array<i32>} : memref<20000xi32, #tpu.memory_space<vmem>>, vector<16xi32>,
        %shift_right_logical3A_139 = arith.constant 11 : i32
        %shift_right_logical3A_140 = vector.broadcast %shift_right_logical3A_139 : i32 to vector<16xi32>
        %shift_right_logical3A_141 = arith.shrui %get3A_136, %shift_right_logical3A_140 : vector<16xi32>
        %and3A_142 = arith.constant 2047 : i32
        %and3A_143 = vector.broadcast %and3A_142 : i32 to vector<16xi32>
        %and3A_144 = arith.andi %shift_right_logical3A_141, %and3A_143 : vector<16xi32>
        %broadcast_in_dim3A_145 = arith.constant true
        %broadcast_in_dim3A_146 = vector.broadcast %broadcast_in_dim3A_145 : i1 to vector<16xi1>
        %unique3A_147, %unique3A_148 = tpu.scan_count mask(%broadcast_in_dim3A_146 : vector<16xi1>) value(%and3A_144 : vector<16xi32>) : vector<16xi1>, vector<16xi32>
        %gather3A_149 = tpu.vector_load_idx %arg14[%and3A_144] : memref<2048xi32, #tpu.memory_space<vmem>>[vector<16xi32>], vector<16xi32>,
        %add3A_150 = arith.addi %gather3A_149, %unique3A_148 : vector<16xi32>
        %sub3A_151 = arith.constant 1 : i32
        %sub3A_152 = vector.broadcast %sub3A_151 : i32 to vector<16xi32>
        %sub3A_153 = arith.subi %add3A_150, %sub3A_152 : vector<16xi32>
        %mul3A_154 = arith.constant 16 : i32
        %mul3A_155 = arith.muli %scan3A_89, %mul3A_154 : i32
        %add3A_156 = arith.constant 6000 : i32
        %add3A_157 = arith.addi %add3A_156, %mul3A_155 : i32
        %get3A_158 = arith.index_cast %add3A_157 : i32 to index
        %get3A_159 = tpu.vector_load %arg9[%get3A_158] {strides = array<i32>} : memref<20000xi32, #tpu.memory_space<vmem>>, vector<16xi32>,
        %get3A_160 = arith.index_cast %add3A_157 : i32 to index
        %get3A_161 = tpu.vector_load %arg10[%get3A_160] {strides = array<i32>} : memref<20000xi32, #tpu.memory_space<vmem>>, vector<16xi32>,
        %shift_right_logical3A_162 = arith.constant 11 : i32
        %shift_right_logical3A_163 = vector.broadcast %shift_right_logical3A_162 : i32 to vector<16xi32>
        %shift_right_logical3A_164 = arith.shrui %get3A_159, %shift_right_logical3A_163 : vector<16xi32>
        %and3A_165 = arith.constant 2047 : i32
        %and3A_166 = vector.broadcast %and3A_165 : i32 to vector<16xi32>
        %and3A_167 = arith.andi %shift_right_logical3A_164, %and3A_166 : vector<16xi32>
        %broadcast_in_dim3A_168 = arith.constant true
        %broadcast_in_dim3A_169 = vector.broadcast %broadcast_in_dim3A_168 : i1 to vector<16xi1>
        %unique3A_170, %unique3A_171 = tpu.scan_count mask(%broadcast_in_dim3A_169 : vector<16xi1>) value(%and3A_167 : vector<16xi32>) : vector<16xi1>, vector<16xi32>
        %gather3A_172 = tpu.vector_load_idx %arg15[%and3A_167] : memref<2048xi32, #tpu.memory_space<vmem>>[vector<16xi32>], vector<16xi32>,
        %add3A_173 = arith.addi %gather3A_172, %unique3A_171 : vector<16xi32>
        %sub3A_174 = arith.constant 1 : i32
        %sub3A_175 = vector.broadcast %sub3A_174 : i32 to vector<16xi32>
        %sub3A_176 = arith.subi %add3A_173, %sub3A_175 : vector<16xi32>
        %mul3A_177 = arith.constant 16 : i32
        %mul3A_178 = arith.muli %scan3A_89, %mul3A_177 : i32
        %add3A_179 = arith.constant 8000 : i32
        %add3A_180 = arith.addi %add3A_179, %mul3A_178 : i32
        %get3A_181 = arith.index_cast %add3A_180 : i32 to index
        %get3A_182 = tpu.vector_load %arg9[%get3A_181] {strides = array<i32>} : memref<20000xi32, #tpu.memory_space<vmem>>, vector<16xi32>,
        %get3A_183 = arith.index_cast %add3A_180 : i32 to index
        %get3A_184 = tpu.vector_load %arg10[%get3A_183] {strides = array<i32>} : memref<20000xi32, #tpu.memory_space<vmem>>, vector<16xi32>,
        %shift_right_logical3A_185 = arith.constant 11 : i32
        %shift_right_logical3A_186 = vector.broadcast %shift_right_logical3A_185 : i32 to vector<16xi32>
        %shift_right_logical3A_187 = arith.shrui %get3A_182, %shift_right_logical3A_186 : vector<16xi32>
        %and3A_188 = arith.constant 2047 : i32
        %and3A_189 = vector.broadcast %and3A_188 : i32 to vector<16xi32>
        %and3A_190 = arith.andi %shift_right_logical3A_187, %and3A_189 : vector<16xi32>
        %broadcast_in_dim3A_191 = arith.constant true
        %broadcast_in_dim3A_192 = vector.broadcast %broadcast_in_dim3A_191 : i1 to vector<16xi1>
        %unique3A_193, %unique3A_194 = tpu.scan_count mask(%broadcast_in_dim3A_192 : vector<16xi1>) value(%and3A_190 : vector<16xi32>) : vector<16xi1>, vector<16xi32>
        %gather3A_195 = tpu.vector_load_idx %arg16[%and3A_190] : memref<2048xi32, #tpu.memory_space<vmem>>[vector<16xi32>], vector<16xi32>,
        %add3A_196 = arith.addi %gather3A_195, %unique3A_194 : vector<16xi32>
        %sub3A_197 = arith.constant 1 : i32
        %sub3A_198 = vector.broadcast %sub3A_197 : i32 to vector<16xi32>
        %sub3A_199 = arith.subi %add3A_196, %sub3A_198 : vector<16xi32>
        %mul3A_200 = arith.constant 16 : i32
        %mul3A_201 = arith.muli %scan3A_89, %mul3A_200 : i32
        %add3A_202 = arith.constant 10000 : i32
        %add3A_203 = arith.addi %add3A_202, %mul3A_201 : i32
        %get3A_204 = arith.index_cast %add3A_203 : i32 to index
        %get3A_205 = tpu.vector_load %arg9[%get3A_204] {strides = array<i32>} : memref<20000xi32, #tpu.memory_space<vmem>>, vector<16xi32>,
        %get3A_206 = arith.index_cast %add3A_203 : i32 to index
        %get3A_207 = tpu.vector_load %arg10[%get3A_206] {strides = array<i32>} : memref<20000xi32, #tpu.memory_space<vmem>>, vector<16xi32>,
        %shift_right_logical3A_208 = arith.constant 11 : i32
        %shift_right_logical3A_209 = vector.broadcast %shift_right_logical3A_208 : i32 to vector<16xi32>
        %shift_right_logical3A_210 = arith.shrui %get3A_205, %shift_right_logical3A_209 : vector<16xi32>
        %and3A_211 = arith.constant 2047 : i32
        %and3A_212 = vector.broadcast %and3A_211 : i32 to vector<16xi32>
        %and3A_213 = arith.andi %shift_right_logical3A_210, %and3A_212 : vector<16xi32>
        %broadcast_in_dim3A_214 = arith.constant true
        %broadcast_in_dim3A_215 = vector.broadcast %broadcast_in_dim3A_214 : i1 to vector<16xi1>
        %unique3A_216, %unique3A_217 = tpu.scan_count mask(%broadcast_in_dim3A_215 : vector<16xi1>) value(%and3A_213 : vector<16xi32>) : vector<16xi1>, vector<16xi32>
        %gather3A_218 = tpu.vector_load_idx %arg17[%and3A_213] : memref<2048xi32, #tpu.memory_space<vmem>>[vector<16xi32>], vector<16xi32>,
        %add3A_219 = arith.addi %gather3A_218, %unique3A_217 : vector<16xi32>
        %sub3A_220 = arith.constant 1 : i32
        %sub3A_221 = vector.broadcast %sub3A_220 : i32 to vector<16xi32>
        %sub3A_222 = arith.subi %add3A_219, %sub3A_221 : vector<16xi32>
        %mul3A_223 = arith.constant 16 : i32
        %mul3A_224 = arith.muli %scan3A_89, %mul3A_223 : i32
        %add3A_225 = arith.constant 12000 : i32
        %add3A_226 = arith.addi %add3A_225, %mul3A_224 : i32
        %get3A_227 = arith.index_cast %add3A_226 : i32 to index
        %get3A_228 = tpu.vector_load %arg9[%get3A_227] {strides = array<i32>} : memref<20000xi32, #tpu.memory_space<vmem>>, vector<16xi32>,
        %get3A_229 = arith.index_cast %add3A_226 : i32 to index
        %get3A_230 = tpu.vector_load %arg10[%get3A_229] {strides = array<i32>} : memref<20000xi32, #tpu.memory_space<vmem>>, vector<16xi32>,
        %shift_right_logical3A_231 = arith.constant 11 : i32
        %shift_right_logical3A_232 = vector.broadcast %shift_right_logical3A_231 : i32 to vector<16xi32>
        %shift_right_logical3A_233 = arith.shrui %get3A_228, %shift_right_logical3A_232 : vector<16xi32>
        %and3A_234 = arith.constant 2047 : i32
        %and3A_235 = vector.broadcast %and3A_234 : i32 to vector<16xi32>
        %and3A_236 = arith.andi %shift_right_logical3A_233, %and3A_235 : vector<16xi32>
        %broadcast_in_dim3A_237 = arith.constant true
        %broadcast_in_dim3A_238 = vector.broadcast %broadcast_in_dim3A_237 : i1 to vector<16xi1>
        %unique3A_239, %unique3A_240 = tpu.scan_count mask(%broadcast_in_dim3A_238 : vector<16xi1>) value(%and3A_236 : vector<16xi32>) : vector<16xi1>, vector<16xi32>
        %gather3A_241 = tpu.vector_load_idx %arg18[%and3A_236] : memref<2048xi32, #tpu.memory_space<vmem>>[vector<16xi32>], vector<16xi32>,
        %add3A_242 = arith.addi %gather3A_241, %unique3A_240 : vector<16xi32>
        %sub3A_243 = arith.constant 1 : i32
        %sub3A_244 = vector.broadcast %sub3A_243 : i32 to vector<16xi32>
        %sub3A_245 = arith.subi %add3A_242, %sub3A_244 : vector<16xi32>
        %mul3A_246 = arith.constant 16 : i32
        %mul3A_247 = arith.muli %scan3A_89, %mul3A_246 : i32
        %add3A_248 = arith.constant 14000 : i32
        %add3A_249 = arith.addi %add3A_248, %mul3A_247 : i32
        %get3A_250 = arith.index_cast %add3A_249 : i32 to index
        %get3A_251 = tpu.vector_load %arg9[%get3A_250] {strides = array<i32>} : memref<20000xi32, #tpu.memory_space<vmem>>, vector<16xi32>,
        %get3A_252 = arith.index_cast %add3A_249 : i32 to index
        %get3A_253 = tpu.vector_load %arg10[%get3A_252] {strides = array<i32>} : memref<20000xi32, #tpu.memory_space<vmem>>, vector<16xi32>,
        %shift_right_logical3A_254 = arith.constant 11 : i32
        %shift_right_logical3A_255 = vector.broadcast %shift_right_logical3A_254 : i32 to vector<16xi32>
        %shift_right_logical3A_256 = arith.shrui %get3A_251, %shift_right_logical3A_255 : vector<16xi32>
        %and3A_257 = arith.constant 2047 : i32
        %and3A_258 = vector.broadcast %and3A_257 : i32 to vector<16xi32>
        %and3A_259 = arith.andi %shift_right_logical3A_256, %and3A_258 : vector<16xi32>
        %broadcast_in_dim3A_260 = arith.constant true
        %broadcast_in_dim3A_261 = vector.broadcast %broadcast_in_dim3A_260 : i1 to vector<16xi1>
        %unique3A_262, %unique3A_263 = tpu.scan_count mask(%broadcast_in_dim3A_261 : vector<16xi1>) value(%and3A_259 : vector<16xi32>) : vector<16xi1>, vector<16xi32>
        %gather3A_264 = tpu.vector_load_idx %arg19[%and3A_259] : memref<2048xi32, #tpu.memory_space<vmem>>[vector<16xi32>], vector<16xi32>,
        %add3A_265 = arith.addi %gather3A_264, %unique3A_263 : vector<16xi32>
        %sub3A_266 = arith.constant 1 : i32
        %sub3A_267 = vector.broadcast %sub3A_266 : i32 to vector<16xi32>
        %sub3A_268 = arith.subi %add3A_265, %sub3A_267 : vector<16xi32>
        %mul3A_269 = arith.constant 16 : i32
        %mul3A_270 = arith.muli %scan3A_89, %mul3A_269 : i32
        %add3A_271 = arith.constant 16000 : i32
        %add3A_272 = arith.addi %add3A_271, %mul3A_270 : i32
        %get3A_273 = arith.index_cast %add3A_272 : i32 to index
        %get3A_274 = tpu.vector_load %arg9[%get3A_273] {strides = array<i32>} : memref<20000xi32, #tpu.memory_space<vmem>>, vector<16xi32>,
        %get3A_275 = arith.index_cast %add3A_272 : i32 to index
        %get3A_276 = tpu.vector_load %arg10[%get3A_275] {strides = array<i32>} : memref<20000xi32, #tpu.memory_space<vmem>>, vector<16xi32>,
        %shift_right_logical3A_277 = arith.constant 11 : i32
        %shift_right_logical3A_278 = vector.broadcast %shift_right_logical3A_277 : i32 to vector<16xi32>
        %shift_right_logical3A_279 = arith.shrui %get3A_274, %shift_right_logical3A_278 : vector<16xi32>
        %and3A_280 = arith.constant 2047 : i32
        %and3A_281 = vector.broadcast %and3A_280 : i32 to vector<16xi32>
        %and3A_282 = arith.andi %shift_right_logical3A_279, %and3A_281 : vector<16xi32>
        %broadcast_in_dim3A_283 = arith.constant true
        %broadcast_in_dim3A_284 = vector.broadcast %broadcast_in_dim3A_283 : i1 to vector<16xi1>
        %unique3A_285, %unique3A_286 = tpu.scan_count mask(%broadcast_in_dim3A_284 : vector<16xi1>) value(%and3A_282 : vector<16xi32>) : vector<16xi1>, vector<16xi32>
        %gather3A_287 = tpu.vector_load_idx %arg20[%and3A_282] : memref<2048xi32, #tpu.memory_space<vmem>>[vector<16xi32>], vector<16xi32>,
        %add3A_288 = arith.addi %gather3A_287, %unique3A_286 : vector<16xi32>
        %sub3A_289 = arith.constant 1 : i32
        %sub3A_290 = vector.broadcast %sub3A_289 : i32 to vector<16xi32>
        %sub3A_291 = arith.subi %add3A_288, %sub3A_290 : vector<16xi32>
        %mul3A_292 = arith.constant 16 : i32
        %mul3A_293 = arith.muli %scan3A_89, %mul3A_292 : i32
        %add3A_294 = arith.constant 18000 : i32
        %add3A_295 = arith.addi %add3A_294, %mul3A_293 : i32
        %get3A_296 = arith.index_cast %add3A_295 : i32 to index
        %get3A_297 = tpu.vector_load %arg9[%get3A_296] {strides = array<i32>} : memref<20000xi32, #tpu.memory_space<vmem>>, vector<16xi32>,
        %get3A_298 = arith.index_cast %add3A_295 : i32 to index
        %get3A_299 = tpu.vector_load %arg10[%get3A_298] {strides = array<i32>} : memref<20000xi32, #tpu.memory_space<vmem>>, vector<16xi32>,
        %shift_right_logical3A_300 = arith.constant 11 : i32
        %shift_right_logical3A_301 = vector.broadcast %shift_right_logical3A_300 : i32 to vector<16xi32>
        %shift_right_logical3A_302 = arith.shrui %get3A_297, %shift_right_logical3A_301 : vector<16xi32>
        %and3A_303 = arith.constant 2047 : i32
        %and3A_304 = vector.broadcast %and3A_303 : i32 to vector<16xi32>
        %and3A_305 = arith.andi %shift_right_logical3A_302, %and3A_304 : vector<16xi32>
        %broadcast_in_dim3A_306 = arith.constant true
        %broadcast_in_dim3A_307 = vector.broadcast %broadcast_in_dim3A_306 : i1 to vector<16xi1>
        %unique3A_308, %unique3A_309 = tpu.scan_count mask(%broadcast_in_dim3A_307 : vector<16xi1>) value(%and3A_305 : vector<16xi32>) : vector<16xi1>, vector<16xi32>
        %gather3A_310 = tpu.vector_load_idx %arg21[%and3A_305] : memref<2048xi32, #tpu.memory_space<vmem>>[vector<16xi32>], vector<16xi32>,
        %add3A_311 = arith.addi %gather3A_310, %unique3A_309 : vector<16xi32>
        %sub3A_312 = arith.constant 1 : i32
        %sub3A_313 = vector.broadcast %sub3A_312 : i32 to vector<16xi32>
        %sub3A_314 = arith.subi %add3A_311, %sub3A_313 : vector<16xi32>
        tpu.vector_store_idx %arg12[%and3A_101], %broadcast_in_dim3A_3 {add = true} : memref<2048xi32, #tpu.memory_space<vmem>>[vector<16xi32>], vector<16xi32>,
        tpu.vector_store_idx %arg7[%sub3A_107], %get3A_95 : memref<20000xi32, #tpu.memory_space<vmem>>[vector<16xi32>], vector<16xi32>,
        tpu.vector_store_idx %arg8[%sub3A_107], %get3A_97 : memref<20000xi32, #tpu.memory_space<vmem>>[vector<16xi32>], vector<16xi32>,
        tpu.vector_store_idx %arg13[%and3A_121], %broadcast_in_dim3A_3 {add = true} : memref<2048xi32, #tpu.memory_space<vmem>>[vector<16xi32>], vector<16xi32>,
        tpu.vector_store_idx %arg7[%sub3A_130], %get3A_113 : memref<20000xi32, #tpu.memory_space<vmem>>[vector<16xi32>], vector<16xi32>,
        tpu.vector_store_idx %arg8[%sub3A_130], %get3A_115 : memref<20000xi32, #tpu.memory_space<vmem>>[vector<16xi32>], vector<16xi32>,
        tpu.vector_store_idx %arg14[%and3A_144], %broadcast_in_dim3A_3 {add = true} : memref<2048xi32, #tpu.memory_space<vmem>>[vector<16xi32>], vector<16xi32>,
        tpu.vector_store_idx %arg7[%sub3A_153], %get3A_136 : memref<20000xi32, #tpu.memory_space<vmem>>[vector<16xi32>], vector<16xi32>,
        tpu.vector_store_idx %arg8[%sub3A_153], %get3A_138 : memref<20000xi32, #tpu.memory_space<vmem>>[vector<16xi32>], vector<16xi32>,
        tpu.vector_store_idx %arg15[%and3A_167], %broadcast_in_dim3A_3 {add = true} : memref<2048xi32, #tpu.memory_space<vmem>>[vector<16xi32>], vector<16xi32>,
        tpu.vector_store_idx %arg7[%sub3A_176], %get3A_159 : memref<20000xi32, #tpu.memory_space<vmem>>[vector<16xi32>], vector<16xi32>,
        tpu.vector_store_idx %arg8[%sub3A_176], %get3A_161 : memref<20000xi32, #tpu.memory_space<vmem>>[vector<16xi32>], vector<16xi32>,
        tpu.vector_store_idx %arg16[%and3A_190], %broadcast_in_dim3A_3 {add = true} : memref<2048xi32, #tpu.memory_space<vmem>>[vector<16xi32>], vector<16xi32>,
        tpu.vector_store_idx %arg7[%sub3A_199], %get3A_182 : memref<20000xi32, #tpu.memory_space<vmem>>[vector<16xi32>], vector<16xi32>,
        tpu.vector_store_idx %arg8[%sub3A_199], %get3A_184 : memref<20000xi32, #tpu.memory_space<vmem>>[vector<16xi32>], vector<16xi32>,
        tpu.vector_store_idx %arg17[%and3A_213], %broadcast_in_dim3A_3 {add = true} : memref<2048xi32, #tpu.memory_space<vmem>>[vector<16xi32>], vector<16xi32>,
        tpu.vector_store_idx %arg7[%sub3A_222], %get3A_205 : memref<20000xi32, #tpu.memory_space<vmem>>[vector<16xi32>], vector<16xi32>,
        tpu.vector_store_idx %arg8[%sub3A_222], %get3A_207 : memref<20000xi32, #tpu.memory_space<vmem>>[vector<16xi32>], vector<16xi32>,
        tpu.vector_store_idx %arg18[%and3A_236], %broadcast_in_dim3A_3 {add = true} : memref<2048xi32, #tpu.memory_space<vmem>>[vector<16xi32>], vector<16xi32>,
        tpu.vector_store_idx %arg7[%sub3A_245], %get3A_228 : memref<20000xi32, #tpu.memory_space<vmem>>[vector<16xi32>], vector<16xi32>,
        tpu.vector_store_idx %arg8[%sub3A_245], %get3A_230 : memref<20000xi32, #tpu.memory_space<vmem>>[vector<16xi32>], vector<16xi32>,
        tpu.vector_store_idx %arg19[%and3A_259], %broadcast_in_dim3A_3 {add = true} : memref<2048xi32, #tpu.memory_space<vmem>>[vector<16xi32>], vector<16xi32>,
        tpu.vector_store_idx %arg7[%sub3A_268], %get3A_251 : memref<20000xi32, #tpu.memory_space<vmem>>[vector<16xi32>], vector<16xi32>,
        tpu.vector_store_idx %arg8[%sub3A_268], %get3A_253 : memref<20000xi32, #tpu.memory_space<vmem>>[vector<16xi32>], vector<16xi32>,
        tpu.vector_store_idx %arg20[%and3A_282], %broadcast_in_dim3A_3 {add = true} : memref<2048xi32, #tpu.memory_space<vmem>>[vector<16xi32>], vector<16xi32>,
        tpu.vector_store_idx %arg7[%sub3A_291], %get3A_274 : memref<20000xi32, #tpu.memory_space<vmem>>[vector<16xi32>], vector<16xi32>,
        tpu.vector_store_idx %arg8[%sub3A_291], %get3A_276 : memref<20000xi32, #tpu.memory_space<vmem>>[vector<16xi32>], vector<16xi32>,
        tpu.vector_store_idx %arg21[%and3A_305], %broadcast_in_dim3A_3 {add = true} : memref<2048xi32, #tpu.memory_space<vmem>>[vector<16xi32>], vector<16xi32>,
        tpu.vector_store_idx %arg7[%sub3A_314], %get3A_297 : memref<20000xi32, #tpu.memory_space<vmem>>[vector<16xi32>], vector<16xi32>,
        tpu.vector_store_idx %arg8[%sub3A_314], %get3A_299 : memref<20000xi32, #tpu.memory_space<vmem>>[vector<16xi32>], vector<16xi32>,
        %scan3A_315 = arith.constant 0 : i32
        scf.yield %scan3A_315 : i32
      }
      %scan3A_60 = arith.constant 125 : i32
      %scan3A_61 = arith.constant 0 : i32
      %scan3A_62 = arith.constant 0 : i32
      %scan3A_63 = arith.constant 128 : i32
      %scan3A_64 = arith.addi %scan3A_62, %scan3A_63 : i32
      %scan3A_65 = arith.constant 1 : i32
      %scan3A_66 = scf.for %scan3A_89 = %scan3A_62 to %scan3A_64 step %scan3A_65 iter_args(%scan3A_90 = %scan3A_61) -> (i32)  : i32 {
        %mul3A_91 = arith.constant 16 : i32
        %mul3A_92 = arith.muli %scan3A_89, %mul3A_91 : i32
        %swap3A = arith.index_cast %mul3A_92 : i32 to index
        %swap3A_93 = tpu.vector_load %arg12[%swap3A] {strides = array<i32>} : memref<2048xi32, #tpu.memory_space<vmem>>, vector<16xi32>,
        tpu.vector_store %arg12[%swap3A], %broadcast_in_dim3A_5 {strides = array<i32>} : memref<2048xi32, #tpu.memory_space<vmem>>, vector<16xi32>,
        %mul3A_94 = arith.constant 16 : i32
        %mul3A_95 = arith.muli %scan3A_89, %mul3A_94 : i32
        %swap3A_96 = arith.index_cast %mul3A_95 : i32 to index
        %swap3A_97 = tpu.vector_load %arg13[%swap3A_96] {strides = array<i32>} : memref<2048xi32, #tpu.memory_space<vmem>>, vector<16xi32>,
        tpu.vector_store %arg13[%swap3A_96], %broadcast_in_dim3A_5 {strides = array<i32>} : memref<2048xi32, #tpu.memory_space<vmem>>, vector<16xi32>,
        %mul3A_98 = arith.constant 16 : i32
        %mul3A_99 = arith.muli %scan3A_89, %mul3A_98 : i32
        %swap3A_100 = arith.index_cast %mul3A_99 : i32 to index
        %swap3A_101 = tpu.vector_load %arg14[%swap3A_100] {strides = array<i32>} : memref<2048xi32, #tpu.memory_space<vmem>>, vector<16xi32>,
        tpu.vector_store %arg14[%swap3A_100], %broadcast_in_dim3A_5 {strides = array<i32>} : memref<2048xi32, #tpu.memory_space<vmem>>, vector<16xi32>,
        %mul3A_102 = arith.constant 16 : i32
        %mul3A_103 = arith.muli %scan3A_89, %mul3A_102 : i32
        %swap3A_104 = arith.index_cast %mul3A_103 : i32 to index
        %swap3A_105 = tpu.vector_load %arg15[%swap3A_104] {strides = array<i32>} : memref<2048xi32, #tpu.memory_space<vmem>>, vector<16xi32>,
        tpu.vector_store %arg15[%swap3A_104], %broadcast_in_dim3A_5 {strides = array<i32>} : memref<2048xi32, #tpu.memory_space<vmem>>, vector<16xi32>,
        %mul3A_106 = arith.constant 16 : i32
        %mul3A_107 = arith.muli %scan3A_89, %mul3A_106 : i32
        %swap3A_108 = arith.index_cast %mul3A_107 : i32 to index
        %swap3A_109 = tpu.vector_load %arg16[%swap3A_108] {strides = array<i32>} : memref<2048xi32, #tpu.memory_space<vmem>>, vector<16xi32>,
        tpu.vector_store %arg16[%swap3A_108], %broadcast_in_dim3A_5 {strides = array<i32>} : memref<2048xi32, #tpu.memory_space<vmem>>, vector<16xi32>,
        %mul3A_110 = arith.constant 16 : i32
        %mul3A_111 = arith.muli %scan3A_89, %mul3A_110 : i32
        %swap3A_112 = arith.index_cast %mul3A_111 : i32 to index
        %swap3A_113 = tpu.vector_load %arg17[%swap3A_112] {strides = array<i32>} : memref<2048xi32, #tpu.memory_space<vmem>>, vector<16xi32>,
        tpu.vector_store %arg17[%swap3A_112], %broadcast_in_dim3A_5 {strides = array<i32>} : memref<2048xi32, #tpu.memory_space<vmem>>, vector<16xi32>,
        %mul3A_114 = arith.constant 16 : i32
        %mul3A_115 = arith.muli %scan3A_89, %mul3A_114 : i32
        %swap3A_116 = arith.index_cast %mul3A_115 : i32 to index
        %swap3A_117 = tpu.vector_load %arg18[%swap3A_116] {strides = array<i32>} : memref<2048xi32, #tpu.memory_space<vmem>>, vector<16xi32>,
        tpu.vector_store %arg18[%swap3A_116], %broadcast_in_dim3A_5 {strides = array<i32>} : memref<2048xi32, #tpu.memory_space<vmem>>, vector<16xi32>,
        %mul3A_118 = arith.constant 16 : i32
        %mul3A_119 = arith.muli %scan3A_89, %mul3A_118 : i32
        %swap3A_120 = arith.index_cast %mul3A_119 : i32 to index
        %swap3A_121 = tpu.vector_load %arg19[%swap3A_120] {strides = array<i32>} : memref<2048xi32, #tpu.memory_space<vmem>>, vector<16xi32>,
        tpu.vector_store %arg19[%swap3A_120], %broadcast_in_dim3A_5 {strides = array<i32>} : memref<2048xi32, #tpu.memory_space<vmem>>, vector<16xi32>,
        %mul3A_122 = arith.constant 16 : i32
        %mul3A_123 = arith.muli %scan3A_89, %mul3A_122 : i32
        %swap3A_124 = arith.index_cast %mul3A_123 : i32 to index
        %swap3A_125 = tpu.vector_load %arg20[%swap3A_124] {strides = array<i32>} : memref<2048xi32, #tpu.memory_space<vmem>>, vector<16xi32>,
        tpu.vector_store %arg20[%swap3A_124], %broadcast_in_dim3A_5 {strides = array<i32>} : memref<2048xi32, #tpu.memory_space<vmem>>, vector<16xi32>,
        %mul3A_126 = arith.constant 16 : i32
        %mul3A_127 = arith.muli %scan3A_89, %mul3A_126 : i32
        %swap3A_128 = arith.index_cast %mul3A_127 : i32 to index
        %swap3A_129 = tpu.vector_load %arg21[%swap3A_128] {strides = array<i32>} : memref<2048xi32, #tpu.memory_space<vmem>>, vector<16xi32>,
        tpu.vector_store %arg21[%swap3A_128], %broadcast_in_dim3A_5 {strides = array<i32>} : memref<2048xi32, #tpu.memory_space<vmem>>, vector<16xi32>,
        %scan3A_130 = arith.constant 0 : i32
        scf.yield %scan3A_130 : i32
      }
      %scan3A_67 = arith.constant 128 : i32
      %scan3A_68 = arith.constant 0 : i32
      %scan3A_69 = arith.constant 0 : i32
      %scan3A_70 = arith.constant 125 : i32
      %scan3A_71 = arith.addi %scan3A_69, %scan3A_70 : i32
      %scan3A_72 = arith.constant 1 : i32
      %scan3A_73 = scf.for %scan3A_89 = %scan3A_69 to %scan3A_71 step %scan3A_72 iter_args(%scan3A_90 = %scan3A_68) -> (i32)  : i32 {
        %mul3A_91 = arith.constant 16 : i32
        %mul3A_92 = arith.muli %scan3A_89, %mul3A_91 : i32
        %add3A_93 = arith.constant 0 : i32
        %add3A_94 = arith.addi %add3A_93, %mul3A_92 : i32
        %get3A = arith.index_cast %add3A_94 : i32 to index
        %get3A_95 = tpu.vector_load %arg7[%get3A] {strides = array<i32>} : memref<20000xi32, #tpu.memory_space<vmem>>, vector<16xi32>,
        %shift_right_logical3A = arith.constant 22 : i32
        %shift_right_logical3A_96 = vector.broadcast %shift_right_logical3A : i32 to vector<16xi32>
        %shift_right_logical3A_97 = arith.shrui %get3A_95, %shift_right_logical3A_96 : vector<16xi32>
        %and3A = arith.constant 1023 : i32
        %and3A_98 = vector.broadcast %and3A : i32 to vector<16xi32>
        %and3A_99 = arith.andi %shift_right_logical3A_97, %and3A_98 : vector<16xi32>
        %mul3A_100 = arith.constant 16 : i32
        %mul3A_101 = arith.muli %scan3A_89, %mul3A_100 : i32
        %add3A_102 = arith.constant 2000 : i32
        %add3A_103 = arith.addi %add3A_102, %mul3A_101 : i32
        %get3A_104 = arith.index_cast %add3A_103 : i32 to index
        %get3A_105 = tpu.vector_load %arg7[%get3A_104] {strides = array<i32>} : memref<20000xi32, #tpu.memory_space<vmem>>, vector<16xi32>,
        %shift_right_logical3A_106 = arith.constant 22 : i32
        %shift_right_logical3A_107 = vector.broadcast %shift_right_logical3A_106 : i32 to vector<16xi32>
        %shift_right_logical3A_108 = arith.shrui %get3A_105, %shift_right_logical3A_107 : vector<16xi32>
        %and3A_109 = arith.constant 1023 : i32
        %and3A_110 = vector.broadcast %and3A_109 : i32 to vector<16xi32>
        %and3A_111 = arith.andi %shift_right_logical3A_108, %and3A_110 : vector<16xi32>
        %mul3A_112 = arith.constant 16 : i32
        %mul3A_113 = arith.muli %scan3A_89, %mul3A_112 : i32
        %add3A_114 = arith.constant 4000 : i32
        %add3A_115 = arith.addi %add3A_114, %mul3A_113 : i32
        %get3A_116 = arith.index_cast %add3A_115 : i32 to index
        %get3A_117 = tpu.vector_load %arg7[%get3A_116] {strides = array<i32>} : memref<20000xi32, #tpu.memory_space<vmem>>, vector<16xi32>,
        %shift_right_logical3A_118 = arith.constant 22 : i32
        %shift_right_logical3A_119 = vector.broadcast %shift_right_logical3A_118 : i32 to vector<16xi32>
        %shift_right_logical3A_120 = arith.shrui %get3A_117, %shift_right_logical3A_119 : vector<16xi32>
        %and3A_121 = arith.constant 1023 : i32
        %and3A_122 = vector.broadcast %and3A_121 : i32 to vector<16xi32>
        %and3A_123 = arith.andi %shift_right_logical3A_120, %and3A_122 : vector<16xi32>
        %mul3A_124 = arith.constant 16 : i32
        %mul3A_125 = arith.muli %scan3A_89, %mul3A_124 : i32
        %add3A_126 = arith.constant 6000 : i32
        %add3A_127 = arith.addi %add3A_126, %mul3A_125 : i32
        %get3A_128 = arith.index_cast %add3A_127 : i32 to index
        %get3A_129 = tpu.vector_load %arg7[%get3A_128] {strides = array<i32>} : memref<20000xi32, #tpu.memory_space<vmem>>, vector<16xi32>,
        %shift_right_logical3A_130 = arith.constant 22 : i32
        %shift_right_logical3A_131 = vector.broadcast %shift_right_logical3A_130 : i32 to vector<16xi32>
        %shift_right_logical3A_132 = arith.shrui %get3A_129, %shift_right_logical3A_131 : vector<16xi32>
        %and3A_133 = arith.constant 1023 : i32
        %and3A_134 = vector.broadcast %and3A_133 : i32 to vector<16xi32>
        %and3A_135 = arith.andi %shift_right_logical3A_132, %and3A_134 : vector<16xi32>
        %mul3A_136 = arith.constant 16 : i32
        %mul3A_137 = arith.muli %scan3A_89, %mul3A_136 : i32
        %add3A_138 = arith.constant 8000 : i32
        %add3A_139 = arith.addi %add3A_138, %mul3A_137 : i32
        %get3A_140 = arith.index_cast %add3A_139 : i32 to index
        %get3A_141 = tpu.vector_load %arg7[%get3A_140] {strides = array<i32>} : memref<20000xi32, #tpu.memory_space<vmem>>, vector<16xi32>,
        %shift_right_logical3A_142 = arith.constant 22 : i32
        %shift_right_logical3A_143 = vector.broadcast %shift_right_logical3A_142 : i32 to vector<16xi32>
        %shift_right_logical3A_144 = arith.shrui %get3A_141, %shift_right_logical3A_143 : vector<16xi32>
        %and3A_145 = arith.constant 1023 : i32
        %and3A_146 = vector.broadcast %and3A_145 : i32 to vector<16xi32>
        %and3A_147 = arith.andi %shift_right_logical3A_144, %and3A_146 : vector<16xi32>
        %mul3A_148 = arith.constant 16 : i32
        %mul3A_149 = arith.muli %scan3A_89, %mul3A_148 : i32
        %add3A_150 = arith.constant 10000 : i32
        %add3A_151 = arith.addi %add3A_150, %mul3A_149 : i32
        %get3A_152 = arith.index_cast %add3A_151 : i32 to index
        %get3A_153 = tpu.vector_load %arg7[%get3A_152] {strides = array<i32>} : memref<20000xi32, #tpu.memory_space<vmem>>, vector<16xi32>,
        %shift_right_logical3A_154 = arith.constant 22 : i32
        %shift_right_logical3A_155 = vector.broadcast %shift_right_logical3A_154 : i32 to vector<16xi32>
        %shift_right_logical3A_156 = arith.shrui %get3A_153, %shift_right_logical3A_155 : vector<16xi32>
        %and3A_157 = arith.constant 1023 : i32
        %and3A_158 = vector.broadcast %and3A_157 : i32 to vector<16xi32>
        %and3A_159 = arith.andi %shift_right_logical3A_156, %and3A_158 : vector<16xi32>
        %mul3A_160 = arith.constant 16 : i32
        %mul3A_161 = arith.muli %scan3A_89, %mul3A_160 : i32
        %add3A_162 = arith.constant 12000 : i32
        %add3A_163 = arith.addi %add3A_162, %mul3A_161 : i32
        %get3A_164 = arith.index_cast %add3A_163 : i32 to index
        %get3A_165 = tpu.vector_load %arg7[%get3A_164] {strides = array<i32>} : memref<20000xi32, #tpu.memory_space<vmem>>, vector<16xi32>,
        %shift_right_logical3A_166 = arith.constant 22 : i32
        %shift_right_logical3A_167 = vector.broadcast %shift_right_logical3A_166 : i32 to vector<16xi32>
        %shift_right_logical3A_168 = arith.shrui %get3A_165, %shift_right_logical3A_167 : vector<16xi32>
        %and3A_169 = arith.constant 1023 : i32
        %and3A_170 = vector.broadcast %and3A_169 : i32 to vector<16xi32>
        %and3A_171 = arith.andi %shift_right_logical3A_168, %and3A_170 : vector<16xi32>
        %mul3A_172 = arith.constant 16 : i32
        %mul3A_173 = arith.muli %scan3A_89, %mul3A_172 : i32
        %add3A_174 = arith.constant 14000 : i32
        %add3A_175 = arith.addi %add3A_174, %mul3A_173 : i32
        %get3A_176 = arith.index_cast %add3A_175 : i32 to index
        %get3A_177 = tpu.vector_load %arg7[%get3A_176] {strides = array<i32>} : memref<20000xi32, #tpu.memory_space<vmem>>, vector<16xi32>,
        %shift_right_logical3A_178 = arith.constant 22 : i32
        %shift_right_logical3A_179 = vector.broadcast %shift_right_logical3A_178 : i32 to vector<16xi32>
        %shift_right_logical3A_180 = arith.shrui %get3A_177, %shift_right_logical3A_179 : vector<16xi32>
        %and3A_181 = arith.constant 1023 : i32
        %and3A_182 = vector.broadcast %and3A_181 : i32 to vector<16xi32>
        %and3A_183 = arith.andi %shift_right_logical3A_180, %and3A_182 : vector<16xi32>
        %mul3A_184 = arith.constant 16 : i32
        %mul3A_185 = arith.muli %scan3A_89, %mul3A_184 : i32
        %add3A_186 = arith.constant 16000 : i32
        %add3A_187 = arith.addi %add3A_186, %mul3A_185 : i32
        %get3A_188 = arith.index_cast %add3A_187 : i32 to index
        %get3A_189 = tpu.vector_load %arg7[%get3A_188] {strides = array<i32>} : memref<20000xi32, #tpu.memory_space<vmem>>, vector<16xi32>,
        %shift_right_logical3A_190 = arith.constant 22 : i32
        %shift_right_logical3A_191 = vector.broadcast %shift_right_logical3A_190 : i32 to vector<16xi32>
        %shift_right_logical3A_192 = arith.shrui %get3A_189, %shift_right_logical3A_191 : vector<16xi32>
        %and3A_193 = arith.constant 1023 : i32
        %and3A_194 = vector.broadcast %and3A_193 : i32 to vector<16xi32>
        %and3A_195 = arith.andi %shift_right_logical3A_192, %and3A_194 : vector<16xi32>
        %mul3A_196 = arith.constant 16 : i32
        %mul3A_197 = arith.muli %scan3A_89, %mul3A_196 : i32
        %add3A_198 = arith.constant 18000 : i32
        %add3A_199 = arith.addi %add3A_198, %mul3A_197 : i32
        %get3A_200 = arith.index_cast %add3A_199 : i32 to index
        %get3A_201 = tpu.vector_load %arg7[%get3A_200] {strides = array<i32>} : memref<20000xi32, #tpu.memory_space<vmem>>, vector<16xi32>,
        %shift_right_logical3A_202 = arith.constant 22 : i32
        %shift_right_logical3A_203 = vector.broadcast %shift_right_logical3A_202 : i32 to vector<16xi32>
        %shift_right_logical3A_204 = arith.shrui %get3A_201, %shift_right_logical3A_203 : vector<16xi32>
        %and3A_205 = arith.constant 1023 : i32
        %and3A_206 = vector.broadcast %and3A_205 : i32 to vector<16xi32>
        %and3A_207 = arith.andi %shift_right_logical3A_204, %and3A_206 : vector<16xi32>
        tpu.vector_store_idx %arg12[%and3A_99], %broadcast_in_dim3A_3 {add = true} : memref<2048xi32, #tpu.memory_space<vmem>>[vector<16xi32>], vector<16xi32>,
        tpu.vector_store_idx %arg13[%and3A_111], %broadcast_in_dim3A_3 {add = true} : memref<2048xi32, #tpu.memory_space<vmem>>[vector<16xi32>], vector<16xi32>,
        tpu.vector_store_idx %arg14[%and3A_123], %broadcast_in_dim3A_3 {add = true} : memref<2048xi32, #tpu.memory_space<vmem>>[vector<16xi32>], vector<16xi32>,
        tpu.vector_store_idx %arg15[%and3A_135], %broadcast_in_dim3A_3 {add = true} : memref<2048xi32, #tpu.memory_space<vmem>>[vector<16xi32>], vector<16xi32>,
        tpu.vector_store_idx %arg16[%and3A_147], %broadcast_in_dim3A_3 {add = true} : memref<2048xi32, #tpu.memory_space<vmem>>[vector<16xi32>], vector<16xi32>,
        tpu.vector_store_idx %arg17[%and3A_159], %broadcast_in_dim3A_3 {add = true} : memref<2048xi32, #tpu.memory_space<vmem>>[vector<16xi32>], vector<16xi32>,
        tpu.vector_store_idx %arg18[%and3A_171], %broadcast_in_dim3A_3 {add = true} : memref<2048xi32, #tpu.memory_space<vmem>>[vector<16xi32>], vector<16xi32>,
        tpu.vector_store_idx %arg19[%and3A_183], %broadcast_in_dim3A_3 {add = true} : memref<2048xi32, #tpu.memory_space<vmem>>[vector<16xi32>], vector<16xi32>,
        tpu.vector_store_idx %arg20[%and3A_195], %broadcast_in_dim3A_3 {add = true} : memref<2048xi32, #tpu.memory_space<vmem>>[vector<16xi32>], vector<16xi32>,
        tpu.vector_store_idx %arg21[%and3A_207], %broadcast_in_dim3A_3 {add = true} : memref<2048xi32, #tpu.memory_space<vmem>>[vector<16xi32>], vector<16xi32>,
        %scan3A_208 = arith.constant 0 : i32
        scf.yield %scan3A_208 : i32
      }
      %scan3A_74 = arith.constant 125 : i32
      %scan3A_75 = arith.constant 0 : i32
      %scan3A_76 = arith.constant 0 : i32
      %scan3A_77 = arith.constant 128 : i32
      %scan3A_78 = arith.addi %scan3A_76, %scan3A_77 : i32
      %scan3A_79 = arith.constant 1 : i32
      %scan3A_80 = scf.for %scan3A_89 = %scan3A_76 to %scan3A_78 step %scan3A_79 iter_args(%scan3A_90 = %scan3A_75) -> (i32)  : i32 {
        %mul3A_91 = arith.constant 16 : i32
        %mul3A_92 = arith.muli %scan3A_89, %mul3A_91 : i32
        %get3A = arith.index_cast %mul3A_92 : i32 to index
        %get3A_93 = tpu.vector_load %arg12[%get3A] {strides = array<i32>} : memref<2048xi32, #tpu.memory_space<vmem>>, vector<16xi32>,
        %get3A_94 = arith.index_cast %mul3A_92 : i32 to index
        %get3A_95 = tpu.vector_load %arg13[%get3A_94] {strides = array<i32>} : memref<2048xi32, #tpu.memory_space<vmem>>, vector<16xi32>,
        %get3A_96 = arith.index_cast %mul3A_92 : i32 to index
        %get3A_97 = tpu.vector_load %arg14[%get3A_96] {strides = array<i32>} : memref<2048xi32, #tpu.memory_space<vmem>>, vector<16xi32>,
        %get3A_98 = arith.index_cast %mul3A_92 : i32 to index
        %get3A_99 = tpu.vector_load %arg15[%get3A_98] {strides = array<i32>} : memref<2048xi32, #tpu.memory_space<vmem>>, vector<16xi32>,
        %get3A_100 = arith.index_cast %mul3A_92 : i32 to index
        %get3A_101 = tpu.vector_load %arg16[%get3A_100] {strides = array<i32>} : memref<2048xi32, #tpu.memory_space<vmem>>, vector<16xi32>,
        %get3A_102 = arith.index_cast %mul3A_92 : i32 to index
        %get3A_103 = tpu.vector_load %arg17[%get3A_102] {strides = array<i32>} : memref<2048xi32, #tpu.memory_space<vmem>>, vector<16xi32>,
        %get3A_104 = arith.index_cast %mul3A_92 : i32 to index
        %get3A_105 = tpu.vector_load %arg18[%get3A_104] {strides = array<i32>} : memref<2048xi32, #tpu.memory_space<vmem>>, vector<16xi32>,
        %get3A_106 = arith.index_cast %mul3A_92 : i32 to index
        %get3A_107 = tpu.vector_load %arg19[%get3A_106] {strides = array<i32>} : memref<2048xi32, #tpu.memory_space<vmem>>, vector<16xi32>,
        %get3A_108 = arith.index_cast %mul3A_92 : i32 to index
        %get3A_109 = tpu.vector_load %arg20[%get3A_108] {strides = array<i32>} : memref<2048xi32, #tpu.memory_space<vmem>>, vector<16xi32>,
        %get3A_110 = arith.index_cast %mul3A_92 : i32 to index
        %get3A_111 = tpu.vector_load %arg21[%get3A_110] {strides = array<i32>} : memref<2048xi32, #tpu.memory_space<vmem>>, vector<16xi32>,
        %add3A_112 = arith.addi %get3A_93, %get3A_95 : vector<16xi32>
        %add3A_113 = arith.addi %add3A_112, %get3A_97 : vector<16xi32>
        %add3A_114 = arith.addi %add3A_113, %get3A_99 : vector<16xi32>
        %add3A_115 = arith.addi %add3A_114, %get3A_101 : vector<16xi32>
        %add3A_116 = arith.addi %add3A_115, %get3A_103 : vector<16xi32>
        %add3A_117 = arith.addi %add3A_116, %get3A_105 : vector<16xi32>
        %add3A_118 = arith.addi %add3A_117, %get3A_107 : vector<16xi32>
        %add3A_119 = arith.addi %add3A_118, %get3A_109 : vector<16xi32>
        %add3A_120 = arith.addi %add3A_119, %get3A_111 : vector<16xi32>
        %broadcast_in_dim3A_121 = arith.constant true
        %broadcast_in_dim3A_122 = vector.broadcast %broadcast_in_dim3A_121 : i1 to vector<16xi1>
        %masked_cumsum3A = tpu.scan <sum>, %add3A_120 masked %broadcast_in_dim3A_122 : vector<16xi32>, vector<16xi1> -> vector<16xi32>
        %sub3A = arith.subi %masked_cumsum3A, %add3A_120 : vector<16xi32>
        %add3A_123 = vector.broadcast %scan3A_90 : i32 to vector<16xi32>
        %add3A_124 = arith.addi %sub3A, %add3A_123 : vector<16xi32>
        %swap3A = arith.index_cast %mul3A_92 : i32 to index
        %swap3A_125 = tpu.vector_load %arg12[%swap3A] {strides = array<i32>} : memref<2048xi32, #tpu.memory_space<vmem>>, vector<16xi32>,
        tpu.vector_store %arg12[%swap3A], %add3A_124 {strides = array<i32>} : memref<2048xi32, #tpu.memory_space<vmem>>, vector<16xi32>,
        %add3A_126 = arith.addi %add3A_124, %get3A_93 : vector<16xi32>
        %swap3A_127 = arith.index_cast %mul3A_92 : i32 to index
        %swap3A_128 = tpu.vector_load %arg13[%swap3A_127] {strides = array<i32>} : memref<2048xi32, #tpu.memory_space<vmem>>, vector<16xi32>,
        tpu.vector_store %arg13[%swap3A_127], %add3A_126 {strides = array<i32>} : memref<2048xi32, #tpu.memory_space<vmem>>, vector<16xi32>,
        %add3A_129 = arith.addi %add3A_126, %get3A_95 : vector<16xi32>
        %swap3A_130 = arith.index_cast %mul3A_92 : i32 to index
        %swap3A_131 = tpu.vector_load %arg14[%swap3A_130] {strides = array<i32>} : memref<2048xi32, #tpu.memory_space<vmem>>, vector<16xi32>,
        tpu.vector_store %arg14[%swap3A_130], %add3A_129 {strides = array<i32>} : memref<2048xi32, #tpu.memory_space<vmem>>, vector<16xi32>,
        %add3A_132 = arith.addi %add3A_129, %get3A_97 : vector<16xi32>
        %swap3A_133 = arith.index_cast %mul3A_92 : i32 to index
        %swap3A_134 = tpu.vector_load %arg15[%swap3A_133] {strides = array<i32>} : memref<2048xi32, #tpu.memory_space<vmem>>, vector<16xi32>,
        tpu.vector_store %arg15[%swap3A_133], %add3A_132 {strides = array<i32>} : memref<2048xi32, #tpu.memory_space<vmem>>, vector<16xi32>,
        %add3A_135 = arith.addi %add3A_132, %get3A_99 : vector<16xi32>
        %swap3A_136 = arith.index_cast %mul3A_92 : i32 to index
        %swap3A_137 = tpu.vector_load %arg16[%swap3A_136] {strides = array<i32>} : memref<2048xi32, #tpu.memory_space<vmem>>, vector<16xi32>,
        tpu.vector_store %arg16[%swap3A_136], %add3A_135 {strides = array<i32>} : memref<2048xi32, #tpu.memory_space<vmem>>, vector<16xi32>,
        %add3A_138 = arith.addi %add3A_135, %get3A_101 : vector<16xi32>
        %swap3A_139 = arith.index_cast %mul3A_92 : i32 to index
        %swap3A_140 = tpu.vector_load %arg17[%swap3A_139] {strides = array<i32>} : memref<2048xi32, #tpu.memory_space<vmem>>, vector<16xi32>,
        tpu.vector_store %arg17[%swap3A_139], %add3A_138 {strides = array<i32>} : memref<2048xi32, #tpu.memory_space<vmem>>, vector<16xi32>,
        %add3A_141 = arith.addi %add3A_138, %get3A_103 : vector<16xi32>
        %swap3A_142 = arith.index_cast %mul3A_92 : i32 to index
        %swap3A_143 = tpu.vector_load %arg18[%swap3A_142] {strides = array<i32>} : memref<2048xi32, #tpu.memory_space<vmem>>, vector<16xi32>,
        tpu.vector_store %arg18[%swap3A_142], %add3A_141 {strides = array<i32>} : memref<2048xi32, #tpu.memory_space<vmem>>, vector<16xi32>,
        %add3A_144 = arith.addi %add3A_141, %get3A_105 : vector<16xi32>
        %swap3A_145 = arith.index_cast %mul3A_92 : i32 to index
        %swap3A_146 = tpu.vector_load %arg19[%swap3A_145] {strides = array<i32>} : memref<2048xi32, #tpu.memory_space<vmem>>, vector<16xi32>,
        tpu.vector_store %arg19[%swap3A_145], %add3A_144 {strides = array<i32>} : memref<2048xi32, #tpu.memory_space<vmem>>, vector<16xi32>,
        %add3A_147 = arith.addi %add3A_144, %get3A_107 : vector<16xi32>
        %swap3A_148 = arith.index_cast %mul3A_92 : i32 to index
        %swap3A_149 = tpu.vector_load %arg20[%swap3A_148] {strides = array<i32>} : memref<2048xi32, #tpu.memory_space<vmem>>, vector<16xi32>,
        tpu.vector_store %arg20[%swap3A_148], %add3A_147 {strides = array<i32>} : memref<2048xi32, #tpu.memory_space<vmem>>, vector<16xi32>,
        %add3A_150 = arith.addi %add3A_147, %get3A_109 : vector<16xi32>
        %swap3A_151 = arith.index_cast %mul3A_92 : i32 to index
        %swap3A_152 = tpu.vector_load %arg21[%swap3A_151] {strides = array<i32>} : memref<2048xi32, #tpu.memory_space<vmem>>, vector<16xi32>,
        tpu.vector_store %arg21[%swap3A_151], %add3A_150 {strides = array<i32>} : memref<2048xi32, #tpu.memory_space<vmem>>, vector<16xi32>,
        %add3A_153 = arith.addi %add3A_150, %get3A_111 : vector<16xi32>
        %reduce_sum3A = arith.constant true
        %reduce_sum3A_154 = vector.broadcast %reduce_sum3A : i1 to vector<16xi1>
        %reduce_sum3A_155 = tpu.scan <sum>, %add3A_120 masked %reduce_sum3A_154 : vector<16xi32>, vector<16xi1> -> vector<16xi32>
        %reduce_sum3A_156 = vector.extract %reduce_sum3A_155[15] : i32 from vector<16xi32>
        %add3A_157 = arith.addi %scan3A_90, %reduce_sum3A_156 : i32
        scf.yield %add3A_157 : i32
      }
      %scan3A_81 = arith.constant 128 : i32
      %scan3A_82 = arith.constant 0 : i32
      %scan3A_83 = arith.constant 0 : i32
      %scan3A_84 = arith.constant 125 : i32
      %scan3A_85 = arith.addi %scan3A_83, %scan3A_84 : i32
      %scan3A_86 = arith.constant 1 : i32
      %scan3A_87 = scf.for %scan3A_89 = %scan3A_83 to %scan3A_85 step %scan3A_86 iter_args(%scan3A_90 = %scan3A_82) -> (i32)  : i32 {
        %mul3A_91 = arith.constant 16 : i32
        %mul3A_92 = arith.muli %scan3A_89, %mul3A_91 : i32
        %add3A_93 = arith.constant 0 : i32
        %add3A_94 = arith.addi %add3A_93, %mul3A_92 : i32
        %get3A = arith.index_cast %add3A_94 : i32 to index
        %get3A_95 = tpu.vector_load %arg7[%get3A] {strides = array<i32>} : memref<20000xi32, #tpu.memory_space<vmem>>, vector<16xi32>,
        %get3A_96 = arith.index_cast %add3A_94 : i32 to index
        %get3A_97 = tpu.vector_load %arg8[%get3A_96] {strides = array<i32>} : memref<20000xi32, #tpu.memory_space<vmem>>, vector<16xi32>,
        %shift_right_logical3A = arith.constant 22 : i32
        %shift_right_logical3A_98 = vector.broadcast %shift_right_logical3A : i32 to vector<16xi32>
        %shift_right_logical3A_99 = arith.shrui %get3A_95, %shift_right_logical3A_98 : vector<16xi32>
        %and3A = arith.constant 1023 : i32
        %and3A_100 = vector.broadcast %and3A : i32 to vector<16xi32>
        %and3A_101 = arith.andi %shift_right_logical3A_99, %and3A_100 : vector<16xi32>
        %broadcast_in_dim3A_102 = arith.constant true
        %broadcast_in_dim3A_103 = vector.broadcast %broadcast_in_dim3A_102 : i1 to vector<16xi1>
        %unique3A, %unique3A_104 = tpu.scan_count mask(%broadcast_in_dim3A_103 : vector<16xi1>) value(%and3A_101 : vector<16xi32>) : vector<16xi1>, vector<16xi32>
        %gather3A = tpu.vector_load_idx %arg12[%and3A_101] : memref<2048xi32, #tpu.memory_space<vmem>>[vector<16xi32>], vector<16xi32>,
        %add3A_105 = arith.addi %gather3A, %unique3A_104 : vector<16xi32>
        %sub3A = arith.constant 1 : i32
        %sub3A_106 = vector.broadcast %sub3A : i32 to vector<16xi32>
        %sub3A_107 = arith.subi %add3A_105, %sub3A_106 : vector<16xi32>
        %shift_right_logical3A_108 = arith.constant 2 : i32
        %shift_right_logical3A_109 = vector.broadcast %shift_right_logical3A_108 : i32 to vector<16xi32>
        %shift_right_logical3A_110 = arith.shrui %get3A_97, %shift_right_logical3A_109 : vector<16xi32>
        %gather3A_111 = tpu.vector_load_idx %arg11[%shift_right_logical3A_110] : memref<20000xi32, #tpu.memory_space<vmem>>[vector<16xi32>], vector<16xi32>,
        %mul3A_112 = arith.constant 16 : i32
        %mul3A_113 = arith.muli %scan3A_89, %mul3A_112 : i32
        %add3A_114 = arith.constant 2000 : i32
        %add3A_115 = arith.addi %add3A_114, %mul3A_113 : i32
        %get3A_116 = arith.index_cast %add3A_115 : i32 to index
        %get3A_117 = tpu.vector_load %arg7[%get3A_116] {strides = array<i32>} : memref<20000xi32, #tpu.memory_space<vmem>>, vector<16xi32>,
        %get3A_118 = arith.index_cast %add3A_115 : i32 to index
        %get3A_119 = tpu.vector_load %arg8[%get3A_118] {strides = array<i32>} : memref<20000xi32, #tpu.memory_space<vmem>>, vector<16xi32>,
        %shift_right_logical3A_120 = arith.constant 22 : i32
        %shift_right_logical3A_121 = vector.broadcast %shift_right_logical3A_120 : i32 to vector<16xi32>
        %shift_right_logical3A_122 = arith.shrui %get3A_117, %shift_right_logical3A_121 : vector<16xi32>
        %and3A_123 = arith.constant 1023 : i32
        %and3A_124 = vector.broadcast %and3A_123 : i32 to vector<16xi32>
        %and3A_125 = arith.andi %shift_right_logical3A_122, %and3A_124 : vector<16xi32>
        %broadcast_in_dim3A_126 = arith.constant true
        %broadcast_in_dim3A_127 = vector.broadcast %broadcast_in_dim3A_126 : i1 to vector<16xi1>
        %unique3A_128, %unique3A_129 = tpu.scan_count mask(%broadcast_in_dim3A_127 : vector<16xi1>) value(%and3A_125 : vector<16xi32>) : vector<16xi1>, vector<16xi32>
        %gather3A_130 = tpu.vector_load_idx %arg13[%and3A_125] : memref<2048xi32, #tpu.memory_space<vmem>>[vector<16xi32>], vector<16xi32>,
        %add3A_131 = arith.addi %gather3A_130, %unique3A_129 : vector<16xi32>
        %sub3A_132 = arith.constant 1 : i32
        %sub3A_133 = vector.broadcast %sub3A_132 : i32 to vector<16xi32>
        %sub3A_134 = arith.subi %add3A_131, %sub3A_133 : vector<16xi32>
        %shift_right_logical3A_135 = arith.constant 2 : i32
        %shift_right_logical3A_136 = vector.broadcast %shift_right_logical3A_135 : i32 to vector<16xi32>
        %shift_right_logical3A_137 = arith.shrui %get3A_119, %shift_right_logical3A_136 : vector<16xi32>
        %gather3A_138 = tpu.vector_load_idx %arg11[%shift_right_logical3A_137] : memref<20000xi32, #tpu.memory_space<vmem>>[vector<16xi32>], vector<16xi32>,
        %mul3A_139 = arith.constant 16 : i32
        %mul3A_140 = arith.muli %scan3A_89, %mul3A_139 : i32
        %add3A_141 = arith.constant 4000 : i32
        %add3A_142 = arith.addi %add3A_141, %mul3A_140 : i32
        %get3A_143 = arith.index_cast %add3A_142 : i32 to index
        %get3A_144 = tpu.vector_load %arg7[%get3A_143] {strides = array<i32>} : memref<20000xi32, #tpu.memory_space<vmem>>, vector<16xi32>,
        %get3A_145 = arith.index_cast %add3A_142 : i32 to index
        %get3A_146 = tpu.vector_load %arg8[%get3A_145] {strides = array<i32>} : memref<20000xi32, #tpu.memory_space<vmem>>, vector<16xi32>,
        %shift_right_logical3A_147 = arith.constant 22 : i32
        %shift_right_logical3A_148 = vector.broadcast %shift_right_logical3A_147 : i32 to vector<16xi32>
        %shift_right_logical3A_149 = arith.shrui %get3A_144, %shift_right_logical3A_148 : vector<16xi32>
        %and3A_150 = arith.constant 1023 : i32
        %and3A_151 = vector.broadcast %and3A_150 : i32 to vector<16xi32>
        %and3A_152 = arith.andi %shift_right_logical3A_149, %and3A_151 : vector<16xi32>
        %broadcast_in_dim3A_153 = arith.constant true
        %broadcast_in_dim3A_154 = vector.broadcast %broadcast_in_dim3A_153 : i1 to vector<16xi1>
        %unique3A_155, %unique3A_156 = tpu.scan_count mask(%broadcast_in_dim3A_154 : vector<16xi1>) value(%and3A_152 : vector<16xi32>) : vector<16xi1>, vector<16xi32>
        %gather3A_157 = tpu.vector_load_idx %arg14[%and3A_152] : memref<2048xi32, #tpu.memory_space<vmem>>[vector<16xi32>], vector<16xi32>,
        %add3A_158 = arith.addi %gather3A_157, %unique3A_156 : vector<16xi32>
        %sub3A_159 = arith.constant 1 : i32
        %sub3A_160 = vector.broadcast %sub3A_159 : i32 to vector<16xi32>
        %sub3A_161 = arith.subi %add3A_158, %sub3A_160 : vector<16xi32>
        %shift_right_logical3A_162 = arith.constant 2 : i32
        %shift_right_logical3A_163 = vector.broadcast %shift_right_logical3A_162 : i32 to vector<16xi32>
        %shift_right_logical3A_164 = arith.shrui %get3A_146, %shift_right_logical3A_163 : vector<16xi32>
        %gather3A_165 = tpu.vector_load_idx %arg11[%shift_right_logical3A_164] : memref<20000xi32, #tpu.memory_space<vmem>>[vector<16xi32>], vector<16xi32>,
        %mul3A_166 = arith.constant 16 : i32
        %mul3A_167 = arith.muli %scan3A_89, %mul3A_166 : i32
        %add3A_168 = arith.constant 6000 : i32
        %add3A_169 = arith.addi %add3A_168, %mul3A_167 : i32
        %get3A_170 = arith.index_cast %add3A_169 : i32 to index
        %get3A_171 = tpu.vector_load %arg7[%get3A_170] {strides = array<i32>} : memref<20000xi32, #tpu.memory_space<vmem>>, vector<16xi32>,
        %get3A_172 = arith.index_cast %add3A_169 : i32 to index
        %get3A_173 = tpu.vector_load %arg8[%get3A_172] {strides = array<i32>} : memref<20000xi32, #tpu.memory_space<vmem>>, vector<16xi32>,
        %shift_right_logical3A_174 = arith.constant 22 : i32
        %shift_right_logical3A_175 = vector.broadcast %shift_right_logical3A_174 : i32 to vector<16xi32>
        %shift_right_logical3A_176 = arith.shrui %get3A_171, %shift_right_logical3A_175 : vector<16xi32>
        %and3A_177 = arith.constant 1023 : i32
        %and3A_178 = vector.broadcast %and3A_177 : i32 to vector<16xi32>
        %and3A_179 = arith.andi %shift_right_logical3A_176, %and3A_178 : vector<16xi32>
        %broadcast_in_dim3A_180 = arith.constant true
        %broadcast_in_dim3A_181 = vector.broadcast %broadcast_in_dim3A_180 : i1 to vector<16xi1>
        %unique3A_182, %unique3A_183 = tpu.scan_count mask(%broadcast_in_dim3A_181 : vector<16xi1>) value(%and3A_179 : vector<16xi32>) : vector<16xi1>, vector<16xi32>
        %gather3A_184 = tpu.vector_load_idx %arg15[%and3A_179] : memref<2048xi32, #tpu.memory_space<vmem>>[vector<16xi32>], vector<16xi32>,
        %add3A_185 = arith.addi %gather3A_184, %unique3A_183 : vector<16xi32>
        %sub3A_186 = arith.constant 1 : i32
        %sub3A_187 = vector.broadcast %sub3A_186 : i32 to vector<16xi32>
        %sub3A_188 = arith.subi %add3A_185, %sub3A_187 : vector<16xi32>
        %shift_right_logical3A_189 = arith.constant 2 : i32
        %shift_right_logical3A_190 = vector.broadcast %shift_right_logical3A_189 : i32 to vector<16xi32>
        %shift_right_logical3A_191 = arith.shrui %get3A_173, %shift_right_logical3A_190 : vector<16xi32>
        %gather3A_192 = tpu.vector_load_idx %arg11[%shift_right_logical3A_191] : memref<20000xi32, #tpu.memory_space<vmem>>[vector<16xi32>], vector<16xi32>,
        %mul3A_193 = arith.constant 16 : i32
        %mul3A_194 = arith.muli %scan3A_89, %mul3A_193 : i32
        %add3A_195 = arith.constant 8000 : i32
        %add3A_196 = arith.addi %add3A_195, %mul3A_194 : i32
        %get3A_197 = arith.index_cast %add3A_196 : i32 to index
        %get3A_198 = tpu.vector_load %arg7[%get3A_197] {strides = array<i32>} : memref<20000xi32, #tpu.memory_space<vmem>>, vector<16xi32>,
        %get3A_199 = arith.index_cast %add3A_196 : i32 to index
        %get3A_200 = tpu.vector_load %arg8[%get3A_199] {strides = array<i32>} : memref<20000xi32, #tpu.memory_space<vmem>>, vector<16xi32>,
        %shift_right_logical3A_201 = arith.constant 22 : i32
        %shift_right_logical3A_202 = vector.broadcast %shift_right_logical3A_201 : i32 to vector<16xi32>
        %shift_right_logical3A_203 = arith.shrui %get3A_198, %shift_right_logical3A_202 : vector<16xi32>
        %and3A_204 = arith.constant 1023 : i32
        %and3A_205 = vector.broadcast %and3A_204 : i32 to vector<16xi32>
        %and3A_206 = arith.andi %shift_right_logical3A_203, %and3A_205 : vector<16xi32>
        %broadcast_in_dim3A_207 = arith.constant true
        %broadcast_in_dim3A_208 = vector.broadcast %broadcast_in_dim3A_207 : i1 to vector<16xi1>
        %unique3A_209, %unique3A_210 = tpu.scan_count mask(%broadcast_in_dim3A_208 : vector<16xi1>) value(%and3A_206 : vector<16xi32>) : vector<16xi1>, vector<16xi32>
        %gather3A_211 = tpu.vector_load_idx %arg16[%and3A_206] : memref<2048xi32, #tpu.memory_space<vmem>>[vector<16xi32>], vector<16xi32>,
        %add3A_212 = arith.addi %gather3A_211, %unique3A_210 : vector<16xi32>
        %sub3A_213 = arith.constant 1 : i32
        %sub3A_214 = vector.broadcast %sub3A_213 : i32 to vector<16xi32>
        %sub3A_215 = arith.subi %add3A_212, %sub3A_214 : vector<16xi32>
        %shift_right_logical3A_216 = arith.constant 2 : i32
        %shift_right_logical3A_217 = vector.broadcast %shift_right_logical3A_216 : i32 to vector<16xi32>
        %shift_right_logical3A_218 = arith.shrui %get3A_200, %shift_right_logical3A_217 : vector<16xi32>
        %gather3A_219 = tpu.vector_load_idx %arg11[%shift_right_logical3A_218] : memref<20000xi32, #tpu.memory_space<vmem>>[vector<16xi32>], vector<16xi32>,
        %mul3A_220 = arith.constant 16 : i32
        %mul3A_221 = arith.muli %scan3A_89, %mul3A_220 : i32
        %add3A_222 = arith.constant 10000 : i32
        %add3A_223 = arith.addi %add3A_222, %mul3A_221 : i32
        %get3A_224 = arith.index_cast %add3A_223 : i32 to index
        %get3A_225 = tpu.vector_load %arg7[%get3A_224] {strides = array<i32>} : memref<20000xi32, #tpu.memory_space<vmem>>, vector<16xi32>,
        %get3A_226 = arith.index_cast %add3A_223 : i32 to index
        %get3A_227 = tpu.vector_load %arg8[%get3A_226] {strides = array<i32>} : memref<20000xi32, #tpu.memory_space<vmem>>, vector<16xi32>,
        %shift_right_logical3A_228 = arith.constant 22 : i32
        %shift_right_logical3A_229 = vector.broadcast %shift_right_logical3A_228 : i32 to vector<16xi32>
        %shift_right_logical3A_230 = arith.shrui %get3A_225, %shift_right_logical3A_229 : vector<16xi32>
        %and3A_231 = arith.constant 1023 : i32
        %and3A_232 = vector.broadcast %and3A_231 : i32 to vector<16xi32>
        %and3A_233 = arith.andi %shift_right_logical3A_230, %and3A_232 : vector<16xi32>
        %broadcast_in_dim3A_234 = arith.constant true
        %broadcast_in_dim3A_235 = vector.broadcast %broadcast_in_dim3A_234 : i1 to vector<16xi1>
        %unique3A_236, %unique3A_237 = tpu.scan_count mask(%broadcast_in_dim3A_235 : vector<16xi1>) value(%and3A_233 : vector<16xi32>) : vector<16xi1>, vector<16xi32>
        %gather3A_238 = tpu.vector_load_idx %arg17[%and3A_233] : memref<2048xi32, #tpu.memory_space<vmem>>[vector<16xi32>], vector<16xi32>,
        %add3A_239 = arith.addi %gather3A_238, %unique3A_237 : vector<16xi32>
        %sub3A_240 = arith.constant 1 : i32
        %sub3A_241 = vector.broadcast %sub3A_240 : i32 to vector<16xi32>
        %sub3A_242 = arith.subi %add3A_239, %sub3A_241 : vector<16xi32>
        %shift_right_logical3A_243 = arith.constant 2 : i32
        %shift_right_logical3A_244 = vector.broadcast %shift_right_logical3A_243 : i32 to vector<16xi32>
        %shift_right_logical3A_245 = arith.shrui %get3A_227, %shift_right_logical3A_244 : vector<16xi32>
        %gather3A_246 = tpu.vector_load_idx %arg11[%shift_right_logical3A_245] : memref<20000xi32, #tpu.memory_space<vmem>>[vector<16xi32>], vector<16xi32>,
        %mul3A_247 = arith.constant 16 : i32
        %mul3A_248 = arith.muli %scan3A_89, %mul3A_247 : i32
        %add3A_249 = arith.constant 12000 : i32
        %add3A_250 = arith.addi %add3A_249, %mul3A_248 : i32
        %get3A_251 = arith.index_cast %add3A_250 : i32 to index
        %get3A_252 = tpu.vector_load %arg7[%get3A_251] {strides = array<i32>} : memref<20000xi32, #tpu.memory_space<vmem>>, vector<16xi32>,
        %get3A_253 = arith.index_cast %add3A_250 : i32 to index
        %get3A_254 = tpu.vector_load %arg8[%get3A_253] {strides = array<i32>} : memref<20000xi32, #tpu.memory_space<vmem>>, vector<16xi32>,
        %shift_right_logical3A_255 = arith.constant 22 : i32
        %shift_right_logical3A_256 = vector.broadcast %shift_right_logical3A_255 : i32 to vector<16xi32>
        %shift_right_logical3A_257 = arith.shrui %get3A_252, %shift_right_logical3A_256 : vector<16xi32>
        %and3A_258 = arith.constant 1023 : i32
        %and3A_259 = vector.broadcast %and3A_258 : i32 to vector<16xi32>
        %and3A_260 = arith.andi %shift_right_logical3A_257, %and3A_259 : vector<16xi32>
        %broadcast_in_dim3A_261 = arith.constant true
        %broadcast_in_dim3A_262 = vector.broadcast %broadcast_in_dim3A_261 : i1 to vector<16xi1>
        %unique3A_263, %unique3A_264 = tpu.scan_count mask(%broadcast_in_dim3A_262 : vector<16xi1>) value(%and3A_260 : vector<16xi32>) : vector<16xi1>, vector<16xi32>
        %gather3A_265 = tpu.vector_load_idx %arg18[%and3A_260] : memref<2048xi32, #tpu.memory_space<vmem>>[vector<16xi32>], vector<16xi32>,
        %add3A_266 = arith.addi %gather3A_265, %unique3A_264 : vector<16xi32>
        %sub3A_267 = arith.constant 1 : i32
        %sub3A_268 = vector.broadcast %sub3A_267 : i32 to vector<16xi32>
        %sub3A_269 = arith.subi %add3A_266, %sub3A_268 : vector<16xi32>
        %shift_right_logical3A_270 = arith.constant 2 : i32
        %shift_right_logical3A_271 = vector.broadcast %shift_right_logical3A_270 : i32 to vector<16xi32>
        %shift_right_logical3A_272 = arith.shrui %get3A_254, %shift_right_logical3A_271 : vector<16xi32>
        %gather3A_273 = tpu.vector_load_idx %arg11[%shift_right_logical3A_272] : memref<20000xi32, #tpu.memory_space<vmem>>[vector<16xi32>], vector<16xi32>,
        %mul3A_274 = arith.constant 16 : i32
        %mul3A_275 = arith.muli %scan3A_89, %mul3A_274 : i32
        %add3A_276 = arith.constant 14000 : i32
        %add3A_277 = arith.addi %add3A_276, %mul3A_275 : i32
        %get3A_278 = arith.index_cast %add3A_277 : i32 to index
        %get3A_279 = tpu.vector_load %arg7[%get3A_278] {strides = array<i32>} : memref<20000xi32, #tpu.memory_space<vmem>>, vector<16xi32>,
        %get3A_280 = arith.index_cast %add3A_277 : i32 to index
        %get3A_281 = tpu.vector_load %arg8[%get3A_280] {strides = array<i32>} : memref<20000xi32, #tpu.memory_space<vmem>>, vector<16xi32>,
        %shift_right_logical3A_282 = arith.constant 22 : i32
        %shift_right_logical3A_283 = vector.broadcast %shift_right_logical3A_282 : i32 to vector<16xi32>
        %shift_right_logical3A_284 = arith.shrui %get3A_279, %shift_right_logical3A_283 : vector<16xi32>
        %and3A_285 = arith.constant 1023 : i32
        %and3A_286 = vector.broadcast %and3A_285 : i32 to vector<16xi32>
        %and3A_287 = arith.andi %shift_right_logical3A_284, %and3A_286 : vector<16xi32>
        %broadcast_in_dim3A_288 = arith.constant true
        %broadcast_in_dim3A_289 = vector.broadcast %broadcast_in_dim3A_288 : i1 to vector<16xi1>
        %unique3A_290, %unique3A_291 = tpu.scan_count mask(%broadcast_in_dim3A_289 : vector<16xi1>) value(%and3A_287 : vector<16xi32>) : vector<16xi1>, vector<16xi32>
        %gather3A_292 = tpu.vector_load_idx %arg19[%and3A_287] : memref<2048xi32, #tpu.memory_space<vmem>>[vector<16xi32>], vector<16xi32>,
        %add3A_293 = arith.addi %gather3A_292, %unique3A_291 : vector<16xi32>
        %sub3A_294 = arith.constant 1 : i32
        %sub3A_295 = vector.broadcast %sub3A_294 : i32 to vector<16xi32>
        %sub3A_296 = arith.subi %add3A_293, %sub3A_295 : vector<16xi32>
        %shift_right_logical3A_297 = arith.constant 2 : i32
        %shift_right_logical3A_298 = vector.broadcast %shift_right_logical3A_297 : i32 to vector<16xi32>
        %shift_right_logical3A_299 = arith.shrui %get3A_281, %shift_right_logical3A_298 : vector<16xi32>
        %gather3A_300 = tpu.vector_load_idx %arg11[%shift_right_logical3A_299] : memref<20000xi32, #tpu.memory_space<vmem>>[vector<16xi32>], vector<16xi32>,
        %mul3A_301 = arith.constant 16 : i32
        %mul3A_302 = arith.muli %scan3A_89, %mul3A_301 : i32
        %add3A_303 = arith.constant 16000 : i32
        %add3A_304 = arith.addi %add3A_303, %mul3A_302 : i32
        %get3A_305 = arith.index_cast %add3A_304 : i32 to index
        %get3A_306 = tpu.vector_load %arg7[%get3A_305] {strides = array<i32>} : memref<20000xi32, #tpu.memory_space<vmem>>, vector<16xi32>,
        %get3A_307 = arith.index_cast %add3A_304 : i32 to index
        %get3A_308 = tpu.vector_load %arg8[%get3A_307] {strides = array<i32>} : memref<20000xi32, #tpu.memory_space<vmem>>, vector<16xi32>,
        %shift_right_logical3A_309 = arith.constant 22 : i32
        %shift_right_logical3A_310 = vector.broadcast %shift_right_logical3A_309 : i32 to vector<16xi32>
        %shift_right_logical3A_311 = arith.shrui %get3A_306, %shift_right_logical3A_310 : vector<16xi32>
        %and3A_312 = arith.constant 1023 : i32
        %and3A_313 = vector.broadcast %and3A_312 : i32 to vector<16xi32>
        %and3A_314 = arith.andi %shift_right_logical3A_311, %and3A_313 : vector<16xi32>
        %broadcast_in_dim3A_315 = arith.constant true
        %broadcast_in_dim3A_316 = vector.broadcast %broadcast_in_dim3A_315 : i1 to vector<16xi1>
        %unique3A_317, %unique3A_318 = tpu.scan_count mask(%broadcast_in_dim3A_316 : vector<16xi1>) value(%and3A_314 : vector<16xi32>) : vector<16xi1>, vector<16xi32>
        %gather3A_319 = tpu.vector_load_idx %arg20[%and3A_314] : memref<2048xi32, #tpu.memory_space<vmem>>[vector<16xi32>], vector<16xi32>,
        %add3A_320 = arith.addi %gather3A_319, %unique3A_318 : vector<16xi32>
        %sub3A_321 = arith.constant 1 : i32
        %sub3A_322 = vector.broadcast %sub3A_321 : i32 to vector<16xi32>
        %sub3A_323 = arith.subi %add3A_320, %sub3A_322 : vector<16xi32>
        %shift_right_logical3A_324 = arith.constant 2 : i32
        %shift_right_logical3A_325 = vector.broadcast %shift_right_logical3A_324 : i32 to vector<16xi32>
        %shift_right_logical3A_326 = arith.shrui %get3A_308, %shift_right_logical3A_325 : vector<16xi32>
        %gather3A_327 = tpu.vector_load_idx %arg11[%shift_right_logical3A_326] : memref<20000xi32, #tpu.memory_space<vmem>>[vector<16xi32>], vector<16xi32>,
        %mul3A_328 = arith.constant 16 : i32
        %mul3A_329 = arith.muli %scan3A_89, %mul3A_328 : i32
        %add3A_330 = arith.constant 18000 : i32
        %add3A_331 = arith.addi %add3A_330, %mul3A_329 : i32
        %get3A_332 = arith.index_cast %add3A_331 : i32 to index
        %get3A_333 = tpu.vector_load %arg7[%get3A_332] {strides = array<i32>} : memref<20000xi32, #tpu.memory_space<vmem>>, vector<16xi32>,
        %get3A_334 = arith.index_cast %add3A_331 : i32 to index
        %get3A_335 = tpu.vector_load %arg8[%get3A_334] {strides = array<i32>} : memref<20000xi32, #tpu.memory_space<vmem>>, vector<16xi32>,
        %shift_right_logical3A_336 = arith.constant 22 : i32
        %shift_right_logical3A_337 = vector.broadcast %shift_right_logical3A_336 : i32 to vector<16xi32>
        %shift_right_logical3A_338 = arith.shrui %get3A_333, %shift_right_logical3A_337 : vector<16xi32>
        %and3A_339 = arith.constant 1023 : i32
        %and3A_340 = vector.broadcast %and3A_339 : i32 to vector<16xi32>
        %and3A_341 = arith.andi %shift_right_logical3A_338, %and3A_340 : vector<16xi32>
        %broadcast_in_dim3A_342 = arith.constant true
        %broadcast_in_dim3A_343 = vector.broadcast %broadcast_in_dim3A_342 : i1 to vector<16xi1>
        %unique3A_344, %unique3A_345 = tpu.scan_count mask(%broadcast_in_dim3A_343 : vector<16xi1>) value(%and3A_341 : vector<16xi32>) : vector<16xi1>, vector<16xi32>
        %gather3A_346 = tpu.vector_load_idx %arg21[%and3A_341] : memref<2048xi32, #tpu.memory_space<vmem>>[vector<16xi32>], vector<16xi32>,
        %add3A_347 = arith.addi %gather3A_346, %unique3A_345 : vector<16xi32>
        %sub3A_348 = arith.constant 1 : i32
        %sub3A_349 = vector.broadcast %sub3A_348 : i32 to vector<16xi32>
        %sub3A_350 = arith.subi %add3A_347, %sub3A_349 : vector<16xi32>
        %shift_right_logical3A_351 = arith.constant 2 : i32
        %shift_right_logical3A_352 = vector.broadcast %shift_right_logical3A_351 : i32 to vector<16xi32>
        %shift_right_logical3A_353 = arith.shrui %get3A_335, %shift_right_logical3A_352 : vector<16xi32>
        %gather3A_354 = tpu.vector_load_idx %arg11[%shift_right_logical3A_353] : memref<20000xi32, #tpu.memory_space<vmem>>[vector<16xi32>], vector<16xi32>,
        tpu.vector_store_idx %arg12[%and3A_101], %broadcast_in_dim3A_3 {add = true} : memref<2048xi32, #tpu.memory_space<vmem>>[vector<16xi32>], vector<16xi32>,
        %and3A_355 = arith.constant 3 : i32
        %and3A_356 = vector.broadcast %and3A_355 : i32 to vector<16xi32>
        %and3A_357 = arith.andi %get3A_97, %and3A_356 : vector<16xi32>
        tpu.vector_store_idx %arg9[%sub3A_107], %and3A_357 : memref<20000xi32, #tpu.memory_space<vmem>>[vector<16xi32>], vector<16xi32>,
        tpu.vector_store_idx %arg10[%sub3A_107], %gather3A_111 : memref<20000xi32, #tpu.memory_space<vmem>>[vector<16xi32>], vector<16xi32>,
        tpu.vector_store_idx %arg13[%and3A_125], %broadcast_in_dim3A_3 {add = true} : memref<2048xi32, #tpu.memory_space<vmem>>[vector<16xi32>], vector<16xi32>,
        %and3A_358 = arith.constant 3 : i32
        %and3A_359 = vector.broadcast %and3A_358 : i32 to vector<16xi32>
        %and3A_360 = arith.andi %get3A_119, %and3A_359 : vector<16xi32>
        tpu.vector_store_idx %arg9[%sub3A_134], %and3A_360 : memref<20000xi32, #tpu.memory_space<vmem>>[vector<16xi32>], vector<16xi32>,
        tpu.vector_store_idx %arg10[%sub3A_134], %gather3A_138 : memref<20000xi32, #tpu.memory_space<vmem>>[vector<16xi32>], vector<16xi32>,
        tpu.vector_store_idx %arg14[%and3A_152], %broadcast_in_dim3A_3 {add = true} : memref<2048xi32, #tpu.memory_space<vmem>>[vector<16xi32>], vector<16xi32>,
        %and3A_361 = arith.constant 3 : i32
        %and3A_362 = vector.broadcast %and3A_361 : i32 to vector<16xi32>
        %and3A_363 = arith.andi %get3A_146, %and3A_362 : vector<16xi32>
        tpu.vector_store_idx %arg9[%sub3A_161], %and3A_363 : memref<20000xi32, #tpu.memory_space<vmem>>[vector<16xi32>], vector<16xi32>,
        tpu.vector_store_idx %arg10[%sub3A_161], %gather3A_165 : memref<20000xi32, #tpu.memory_space<vmem>>[vector<16xi32>], vector<16xi32>,
        tpu.vector_store_idx %arg15[%and3A_179], %broadcast_in_dim3A_3 {add = true} : memref<2048xi32, #tpu.memory_space<vmem>>[vector<16xi32>], vector<16xi32>,
        %and3A_364 = arith.constant 3 : i32
        %and3A_365 = vector.broadcast %and3A_364 : i32 to vector<16xi32>
        %and3A_366 = arith.andi %get3A_173, %and3A_365 : vector<16xi32>
        tpu.vector_store_idx %arg9[%sub3A_188], %and3A_366 : memref<20000xi32, #tpu.memory_space<vmem>>[vector<16xi32>], vector<16xi32>,
        tpu.vector_store_idx %arg10[%sub3A_188], %gather3A_192 : memref<20000xi32, #tpu.memory_space<vmem>>[vector<16xi32>], vector<16xi32>,
        tpu.vector_store_idx %arg16[%and3A_206], %broadcast_in_dim3A_3 {add = true} : memref<2048xi32, #tpu.memory_space<vmem>>[vector<16xi32>], vector<16xi32>,
        %and3A_367 = arith.constant 3 : i32
        %and3A_368 = vector.broadcast %and3A_367 : i32 to vector<16xi32>
        %and3A_369 = arith.andi %get3A_200, %and3A_368 : vector<16xi32>
        tpu.vector_store_idx %arg9[%sub3A_215], %and3A_369 : memref<20000xi32, #tpu.memory_space<vmem>>[vector<16xi32>], vector<16xi32>,
        tpu.vector_store_idx %arg10[%sub3A_215], %gather3A_219 : memref<20000xi32, #tpu.memory_space<vmem>>[vector<16xi32>], vector<16xi32>,
        tpu.vector_store_idx %arg17[%and3A_233], %broadcast_in_dim3A_3 {add = true} : memref<2048xi32, #tpu.memory_space<vmem>>[vector<16xi32>], vector<16xi32>,
        %and3A_370 = arith.constant 3 : i32
        %and3A_371 = vector.broadcast %and3A_370 : i32 to vector<16xi32>
        %and3A_372 = arith.andi %get3A_227, %and3A_371 : vector<16xi32>
        tpu.vector_store_idx %arg9[%sub3A_242], %and3A_372 : memref<20000xi32, #tpu.memory_space<vmem>>[vector<16xi32>], vector<16xi32>,
        tpu.vector_store_idx %arg10[%sub3A_242], %gather3A_246 : memref<20000xi32, #tpu.memory_space<vmem>>[vector<16xi32>], vector<16xi32>,
        tpu.vector_store_idx %arg18[%and3A_260], %broadcast_in_dim3A_3 {add = true} : memref<2048xi32, #tpu.memory_space<vmem>>[vector<16xi32>], vector<16xi32>,
        %and3A_373 = arith.constant 3 : i32
        %and3A_374 = vector.broadcast %and3A_373 : i32 to vector<16xi32>
        %and3A_375 = arith.andi %get3A_254, %and3A_374 : vector<16xi32>
        tpu.vector_store_idx %arg9[%sub3A_269], %and3A_375 : memref<20000xi32, #tpu.memory_space<vmem>>[vector<16xi32>], vector<16xi32>,
        tpu.vector_store_idx %arg10[%sub3A_269], %gather3A_273 : memref<20000xi32, #tpu.memory_space<vmem>>[vector<16xi32>], vector<16xi32>,
        tpu.vector_store_idx %arg19[%and3A_287], %broadcast_in_dim3A_3 {add = true} : memref<2048xi32, #tpu.memory_space<vmem>>[vector<16xi32>], vector<16xi32>,
        %and3A_376 = arith.constant 3 : i32
        %and3A_377 = vector.broadcast %and3A_376 : i32 to vector<16xi32>
        %and3A_378 = arith.andi %get3A_281, %and3A_377 : vector<16xi32>
        tpu.vector_store_idx %arg9[%sub3A_296], %and3A_378 : memref<20000xi32, #tpu.memory_space<vmem>>[vector<16xi32>], vector<16xi32>,
        tpu.vector_store_idx %arg10[%sub3A_296], %gather3A_300 : memref<20000xi32, #tpu.memory_space<vmem>>[vector<16xi32>], vector<16xi32>,
        tpu.vector_store_idx %arg20[%and3A_314], %broadcast_in_dim3A_3 {add = true} : memref<2048xi32, #tpu.memory_space<vmem>>[vector<16xi32>], vector<16xi32>,
        %and3A_379 = arith.constant 3 : i32
        %and3A_380 = vector.broadcast %and3A_379 : i32 to vector<16xi32>
        %and3A_381 = arith.andi %get3A_308, %and3A_380 : vector<16xi32>
        tpu.vector_store_idx %arg9[%sub3A_323], %and3A_381 : memref<20000xi32, #tpu.memory_space<vmem>>[vector<16xi32>], vector<16xi32>,
        tpu.vector_store_idx %arg10[%sub3A_323], %gather3A_327 : memref<20000xi32, #tpu.memory_space<vmem>>[vector<16xi32>], vector<16xi32>,
        tpu.vector_store_idx %arg21[%and3A_341], %broadcast_in_dim3A_3 {add = true} : memref<2048xi32, #tpu.memory_space<vmem>>[vector<16xi32>], vector<16xi32>,
        %and3A_382 = arith.constant 3 : i32
        %and3A_383 = vector.broadcast %and3A_382 : i32 to vector<16xi32>
        %and3A_384 = arith.andi %get3A_335, %and3A_383 : vector<16xi32>
        tpu.vector_store_idx %arg9[%sub3A_350], %and3A_384 : memref<20000xi32, #tpu.memory_space<vmem>>[vector<16xi32>], vector<16xi32>,
        tpu.vector_store_idx %arg10[%sub3A_350], %gather3A_354 : memref<20000xi32, #tpu.memory_space<vmem>>[vector<16xi32>], vector<16xi32>,
        %scan3A_385 = arith.constant 0 : i32
        scf.yield %scan3A_385 : i32
      }
      %scan3A_88 = arith.constant 125 : i32
      "tpu.region"() ({
        %run_scoped3A = tpu.sem_alloc : memref<!tpu.dma_semaphore, #tpu.memory_space<semaphore_mem>>
        %dma_start3A = arith.constant 0 : i32
        %dma_start3A_89 = tpu.memref_slice %arg5[%add3A, %dma_start3A] : memref<16x20000xi32, #tpu.memory_space<hbm>> -> memref<1x20000xi32, #tpu.memory_space<hbm>>
        %dma_start3A_90 = tpu.memref_squeeze %dma_start3A_89 : memref<1x20000xi32, #tpu.memory_space<hbm>> -> memref<20000xi32, #tpu.memory_space<hbm>>
        %dma_start3A_91 = arith.constant 0 : i32
        %dma_start3A_92 = tpu.memref_slice %arg5[%add3A, %dma_start3A_91] : memref<16x20000xi32, #tpu.memory_space<hbm>> -> memref<1x20000xi32, #tpu.memory_space<hbm>>
        %dma_start3A_93 = tpu.memref_squeeze %dma_start3A_92 : memref<1x20000xi32, #tpu.memory_space<hbm>> -> memref<20000xi32, #tpu.memory_space<hbm>>
        tpu.enqueue_dma source(%arg9 : memref<20000xi32, #tpu.memory_space<vmem>>) target(%dma_start3A_93 : memref<20000xi32, #tpu.memory_space<hbm>>) target_semaphore(%run_scoped3A : memref<!tpu.dma_semaphore, #tpu.memory_space<semaphore_mem>>)
        %dma_wait3A = arith.constant 0 : i32
        %dma_wait3A_94 = tpu.memref_slice %arg5[%add3A, %dma_wait3A] : memref<16x20000xi32, #tpu.memory_space<hbm>> -> memref<1x20000xi32, #tpu.memory_space<hbm>>
        %dma_wait3A_95 = tpu.memref_squeeze %dma_wait3A_94 : memref<1x20000xi32, #tpu.memory_space<hbm>> -> memref<20000xi32, #tpu.memory_space<hbm>>
        %dma_wait3A_96 = arith.constant 0 : i32
        %dma_wait3A_97 = tpu.memref_slice %arg5[%add3A, %dma_wait3A_96] : memref<16x20000xi32, #tpu.memory_space<hbm>> -> memref<1x20000xi32, #tpu.memory_space<hbm>>
        %dma_wait3A_98 = tpu.memref_squeeze %dma_wait3A_97 : memref<1x20000xi32, #tpu.memory_space<hbm>> -> memref<20000xi32, #tpu.memory_space<hbm>>
        tpu.wait_dma2 semaphore(%run_scoped3A : memref<!tpu.dma_semaphore, #tpu.memory_space<semaphore_mem>>) src(%arg9 : memref<20000xi32, #tpu.memory_space<vmem>>) dst(%dma_wait3A_98 : memref<20000xi32, #tpu.memory_space<hbm>>)
        tpu.yield
      }) : () -> ()
      "tpu.region"() ({
        %run_scoped3A = tpu.sem_alloc : memref<!tpu.dma_semaphore, #tpu.memory_space<semaphore_mem>>
        %dma_start3A = arith.constant 0 : i32
        %dma_start3A_89 = tpu.memref_slice %arg6[%add3A, %dma_start3A] : memref<16x20000xi32, #tpu.memory_space<hbm>> -> memref<1x20000xi32, #tpu.memory_space<hbm>>
        %dma_start3A_90 = tpu.memref_squeeze %dma_start3A_89 : memref<1x20000xi32, #tpu.memory_space<hbm>> -> memref<20000xi32, #tpu.memory_space<hbm>>
        %dma_start3A_91 = arith.constant 0 : i32
        %dma_start3A_92 = tpu.memref_slice %arg6[%add3A, %dma_start3A_91] : memref<16x20000xi32, #tpu.memory_space<hbm>> -> memref<1x20000xi32, #tpu.memory_space<hbm>>
        %dma_start3A_93 = tpu.memref_squeeze %dma_start3A_92 : memref<1x20000xi32, #tpu.memory_space<hbm>> -> memref<20000xi32, #tpu.memory_space<hbm>>
        tpu.enqueue_dma source(%arg10 : memref<20000xi32, #tpu.memory_space<vmem>>) target(%dma_start3A_93 : memref<20000xi32, #tpu.memory_space<hbm>>) target_semaphore(%run_scoped3A : memref<!tpu.dma_semaphore, #tpu.memory_space<semaphore_mem>>)
        %dma_wait3A = arith.constant 0 : i32
        %dma_wait3A_94 = tpu.memref_slice %arg6[%add3A, %dma_wait3A] : memref<16x20000xi32, #tpu.memory_space<hbm>> -> memref<1x20000xi32, #tpu.memory_space<hbm>>
        %dma_wait3A_95 = tpu.memref_squeeze %dma_wait3A_94 : memref<1x20000xi32, #tpu.memory_space<hbm>> -> memref<20000xi32, #tpu.memory_space<hbm>>
        %dma_wait3A_96 = arith.constant 0 : i32
        %dma_wait3A_97 = tpu.memref_slice %arg6[%add3A, %dma_wait3A_96] : memref<16x20000xi32, #tpu.memory_space<hbm>> -> memref<1x20000xi32, #tpu.memory_space<hbm>>
        %dma_wait3A_98 = tpu.memref_squeeze %dma_wait3A_97 : memref<1x20000xi32, #tpu.memory_space<hbm>> -> memref<20000xi32, #tpu.memory_space<hbm>>
        tpu.wait_dma2 semaphore(%run_scoped3A : memref<!tpu.dma_semaphore, #tpu.memory_space<semaphore_mem>>) src(%arg10 : memref<20000xi32, #tpu.memory_space<vmem>>) dst(%dma_wait3A_98 : memref<20000xi32, #tpu.memory_space<hbm>>)
        tpu.yield
      }) : () -> ()
    } else {
    }
    return
  }
}

module attributes {stable_mosaic.version = 14 : i64} {
  func.func @_prep_body(%arg0: memref<4x16x20000xf32, #tpu.memory_space<vmem>>, %arg1: memref<2x16x20000xf32, #tpu.memory_space<vmem>>, %arg2: memref<16x1xf32, #tpu.memory_space<vmem>>, %arg3: memref<16x20000xi32, #tpu.memory_space<vmem>>, %arg4: memref<16x20000xi32, #tpu.memory_space<vmem>>, %arg5: memref<16x20000xi32, #tpu.memory_space<vmem>>) attributes {dimension_semantics = [], scalar_prefetch = 0 : i64, scratch_operands = 0 : i64, tpu.core_type = #tpu.core_type<tc>} {
    %get3A = arith.constant 0 : index
    %get3A_0 = arith.constant 0 : index
    %get3A_1 = arith.constant 0 : index
    %get3A_2 = vector.load %arg0[%get3A, %get3A_0, %get3A_1] : memref<4x16x20000xf32, #tpu.memory_space<vmem>>, vector<1x16x20000xf32>
    %get3A_3 = vector.shape_cast %get3A_2 : vector<1x16x20000xf32> to vector<16x20000xf32>
    %broadcast_in_dim3A = arith.constant 0 : i32
    %broadcast_in_dim3A_4 = vector.broadcast %broadcast_in_dim3A : i32 to vector<16x20000xi32>
    %get3A_5 = arith.constant 1 : index
    %get3A_6 = arith.constant 0 : index
    %get3A_7 = arith.constant 0 : index
    %get3A_8 = vector.load %arg0[%get3A_5, %get3A_6, %get3A_7] : memref<4x16x20000xf32, #tpu.memory_space<vmem>>, vector<1x16x20000xf32>
    %get3A_9 = vector.shape_cast %get3A_8 : vector<1x16x20000xf32> to vector<16x20000xf32>
    %gt3A = arith.cmpf ogt, %get3A_9, %get3A_3 : vector<16x20000xf32>
    %jit3A = arith.constant 1 : i32
    %broadcast_in_dim3A_10 = vector.broadcast %jit3A : i32 to vector<16x20000xi32>
    %select_n3A = arith.select %gt3A, %broadcast_in_dim3A_10, %broadcast_in_dim3A_4 : vector<16x20000xi1>, vector<16x20000xi32>
    %select_n3A_11 = arith.select %gt3A, %get3A_9, %get3A_3 : vector<16x20000xi1>, vector<16x20000xf32>
    %get3A_12 = arith.constant 2 : index
    %get3A_13 = arith.constant 0 : index
    %get3A_14 = arith.constant 0 : index
    %get3A_15 = vector.load %arg0[%get3A_12, %get3A_13, %get3A_14] : memref<4x16x20000xf32, #tpu.memory_space<vmem>>, vector<1x16x20000xf32>
    %get3A_16 = vector.shape_cast %get3A_15 : vector<1x16x20000xf32> to vector<16x20000xf32>
    %gt3A_17 = arith.cmpf ogt, %get3A_16, %select_n3A_11 : vector<16x20000xf32>
    %jit3A_18 = arith.constant 2 : i32
    %broadcast_in_dim3A_19 = vector.broadcast %jit3A_18 : i32 to vector<16x20000xi32>
    %select_n3A_20 = arith.select %gt3A_17, %broadcast_in_dim3A_19, %select_n3A : vector<16x20000xi1>, vector<16x20000xi32>
    %select_n3A_21 = arith.select %gt3A_17, %get3A_16, %select_n3A_11 : vector<16x20000xi1>, vector<16x20000xf32>
    %get3A_22 = arith.constant 3 : index
    %get3A_23 = arith.constant 0 : index
    %get3A_24 = arith.constant 0 : index
    %get3A_25 = vector.load %arg0[%get3A_22, %get3A_23, %get3A_24] : memref<4x16x20000xf32, #tpu.memory_space<vmem>>, vector<1x16x20000xf32>
    %get3A_26 = vector.shape_cast %get3A_25 : vector<1x16x20000xf32> to vector<16x20000xf32>
    %gt3A_27 = arith.cmpf ogt, %get3A_26, %select_n3A_21 : vector<16x20000xf32>
    %jit3A_28 = arith.constant 3 : i32
    %broadcast_in_dim3A_29 = vector.broadcast %jit3A_28 : i32 to vector<16x20000xi32>
    %select_n3A_30 = arith.select %gt3A_27, %broadcast_in_dim3A_29, %select_n3A_20 : vector<16x20000xi1>, vector<16x20000xi32>
    %eq3A = arith.constant 0 : i32
    %eq3A_31 = vector.broadcast %eq3A : i32 to vector<16x20000xi32>
    %eq3A_32 = arith.cmpi eq, %select_n3A_30, %eq3A_31 : vector<16x20000xi32>
    %get3A_33 = arith.constant 0 : index
    %get3A_34 = arith.constant 0 : index
    %get3A_35 = arith.constant 0 : index
    %get3A_36 = vector.load %arg1[%get3A_33, %get3A_34, %get3A_35] : memref<2x16x20000xf32, #tpu.memory_space<vmem>>, vector<1x16x20000xf32>
    %get3A_37 = vector.shape_cast %get3A_36 : vector<1x16x20000xf32> to vector<16x20000xf32>
    %jit3A_38 = arith.constant 0.000000e+00 : f32
    %broadcast_in_dim3A_39 = vector.broadcast %jit3A_38 : f32 to vector<16x20000xf32>
    %select_n3A_40 = arith.select %eq3A_32, %broadcast_in_dim3A_39, %get3A_37 : vector<16x20000xi1>, vector<16x20000xf32>
    %get3A_41 = arith.constant 1 : index
    %get3A_42 = arith.constant 0 : index
    %get3A_43 = arith.constant 0 : index
    %get3A_44 = vector.load %arg1[%get3A_41, %get3A_42, %get3A_43] : memref<2x16x20000xf32, #tpu.memory_space<vmem>>, vector<1x16x20000xf32>
    %get3A_45 = vector.shape_cast %get3A_44 : vector<1x16x20000xf32> to vector<16x20000xf32>
    %abs3A = math.absf %get3A_45 : vector<16x20000xf32>
    %jit3A_46 = arith.constant 0.000000e+00 : f32
    %broadcast_in_dim3A_47 = vector.broadcast %jit3A_46 : f32 to vector<16x20000xf32>
    %select_n3A_48 = arith.select %eq3A_32, %broadcast_in_dim3A_47, %abs3A : vector<16x20000xi1>, vector<16x20000xf32>
    %reduce_sum3A = arith.constant dense<0.000000e+00> : vector<16xf32>
    %reduce_sum3A_49 = vector.multi_reduction <add>, %select_n3A_48, %reduce_sum3A [1] : vector<16x20000xf32> to vector<16xf32>
    %broadcast_in_dim3A_50 = vector.shape_cast %reduce_sum3A_49 : vector<16xf32> to vector<16x1xf32>
    %add3A = arith.constant 9.99999993E-9 : f32
    %add3A_51 = vector.broadcast %add3A : f32 to vector<16x1xf32>
    %add3A_52 = arith.addf %broadcast_in_dim3A_50, %add3A_51 : vector<16x1xf32>
    %div3A = vector.broadcast %add3A_52 : vector<16x1xf32> to vector<16x20000xf32>
    %div3A_53 = arith.divf %select_n3A_48, %div3A : vector<16x20000xf32>
    %get3A_54 = arith.constant 0 : index
    %get3A_55 = arith.constant 0 : index
    %get3A_56 = vector.load %arg2[%get3A_54, %get3A_55] : memref<16x1xf32, #tpu.memory_space<vmem>>, vector<16x1xf32>
    %mul3A = vector.broadcast %get3A_56 : vector<16x1xf32> to vector<16x20000xf32>
    %mul3A_57 = arith.mulf %div3A_53, %mul3A : vector<16x20000xf32>
    %convert_element_type3A = arith.fptosi %mul3A_57 : vector<16x20000xf32> to vector<16x20000xi32>
    %swap3A = arith.constant 0 : index
    %swap3A_58 = arith.constant 0 : index
    %swap3A_59 = vector.load %arg5[%swap3A, %swap3A_58] : memref<16x20000xi32, #tpu.memory_space<vmem>>, vector<16x20000xi32>
    tpu.vector_store %arg5[%swap3A, %swap3A_58], %convert_element_type3A {strides = array<i32>} : memref<16x20000xi32, #tpu.memory_space<vmem>>, vector<16x20000xi32>,
    %bitcast_convert_type3A = tpu.bitcast %select_n3A_40 : vector<16x20000xf32> -> vector<16x20000xi32>
    %ge3A = arith.constant 0 : i32
    %ge3A_60 = vector.broadcast %ge3A : i32 to vector<16x20000xi32>
    %ge3A_61 = arith.cmpi sge, %bitcast_convert_type3A, %ge3A_60 : vector<16x20000xi32>
    %or3A = arith.constant -2147483648 : i32
    %or3A_62 = vector.broadcast %or3A : i32 to vector<16x20000xi32>
    %or3A_63 = arith.ori %bitcast_convert_type3A, %or3A_62 : vector<16x20000xi32>
    %not3A = arith.constant dense<-1> : vector<16x20000xi32>
    %not3A_64 = arith.xori %bitcast_convert_type3A, %not3A : vector<16x20000xi32>
    %select_n3A_65 = arith.select %ge3A_61, %or3A_63, %not3A_64 : vector<16x20000xi1>, vector<16x20000xi32>
    %swap3A_66 = arith.constant 0 : index
    %swap3A_67 = arith.constant 0 : index
    %swap3A_68 = vector.load %arg3[%swap3A_66, %swap3A_67] : memref<16x20000xi32, #tpu.memory_space<vmem>>, vector<16x20000xi32>
    tpu.vector_store %arg3[%swap3A_66, %swap3A_67], %select_n3A_65 {strides = array<i32>} : memref<16x20000xi32, #tpu.memory_space<vmem>>, vector<16x20000xi32>,
    %iota3A = tpu.iota {dimensions = array<i32: 1>} : vector<16x20000xi32>
    %shift_left3A = arith.constant 2 : i32
    %shift_left3A_69 = vector.broadcast %shift_left3A : i32 to vector<16x20000xi32>
    %shift_left3A_70 = arith.shli %iota3A, %shift_left3A_69 : vector<16x20000xi32>
    %or3A_71 = arith.ori %shift_left3A_70, %select_n3A_30 : vector<16x20000xi32>
    %swap3A_72 = arith.constant 0 : index
    %swap3A_73 = arith.constant 0 : index
    %swap3A_74 = vector.load %arg4[%swap3A_72, %swap3A_73] : memref<16x20000xi32, #tpu.memory_space<vmem>>, vector<16x20000xi32>
    tpu.vector_store %arg4[%swap3A_72, %swap3A_73], %or3A_71 {strides = array<i32>} : memref<16x20000xi32, #tpu.memory_space<vmem>>, vector<16x20000xi32>,
    return
  }
}

</mosaic_0001>

<sc_bundles>
// kernel: kernel.4.cloned.1.call-start
scs
__scs_entry_jumppad:
0x0: {  	(pc) =	sbr.rel $0x88, $3  }
0x1: {  	(tag) =	ssettag $0x0;
	lr =	simm.s32 $0x1  }
0x2: {  	[smem:$0x3F9E] =	sst lr;
	_ =	strace $0xD0000000  }
0x3: {  	_ = 	snop  }
0x4: {  	_ = 	snop  }
0x5: {  	_ = 	snop  }
0x6: {  	_ = 	snop  }
0x7: {  	_ = 	snop  }
__scs_overlays_trampoline_lowered:
0x8: {  	[smem:$0x3FAD] =	sst s0  }
0x9: {  	[smem:$0x3FAE] =	sst s1  }
0xa: {  	[smem:$0x3FAF] =	sst s2  }
0xb: {  	[smem:$0x3FB0] =	sst s3  }
0xc: {  	[smem:$0x3FB1] =	sst s4  }
0xd: {  	[smem:$0x3FB2] =	sst s5  }
0xe: {  	[smem:$0x3FB3] =	sst s6  }
0xf: {  	[smem:$0x3FB4] =	sst s7  }
0x10: {  	[smem:$0x3FB5] =	sst s8  }
0x11: {  	[smem:$0x3FB6] =	sst s9;
	s0 =	simm.s32 @!p0 $0x0  }
0x12: {  	s1 =	sld [smem:$0x3F9C];
	s0 =	simm.s32 @p0 $0x1  }
0x13: {  	[smem:$0x3FB7] =	sst s0;
	s0 =	simm.s32 @!p1 $0x0  }
0x14: {  	s2 =	sld [smem:$0x3F9B];
	s0 =	simm.s32 @p1 $0x1  }
0x15: {  	[smem:$0x3FB8] =	sst s0;
	s0 =	simm.s32 @!p2 $0x0  }
0x16: {  	s3 =	sld [smem:$0x3FDB];
	s0 =	simm.s32 @p2 $0x1  }
0x17: {  	s4 =	simm.s32 $0x1BF5;
	[smem:$0x3FBA] =	sst s0  }
0x18: {  	s0 =	sld [smem:$0x3F9D];
	_ =	swait.ge [sflag:s4], $0x0  }
0x19: {  	s7 =	sld [smem:$0x3F9E]  }
0x1a: {  	s8 =	sadd.s32 $0xFFFFE003, lr  }
0x1b: {  	s9 =	sadd.s32 $0xFFFFFEF7, lr;
	s5 =	simm.s32 $0xFFFFFFFF;
	p2 =	slt.u32 s8, $0xFFFFF086  }
0x1c: {  	p1 =	slt.u32 s9, $0xF7A;
	s5 =	simm.s32 @!p2 $0x0  }
0x1d: {  	s5 =	simm.s32 @p1 $0x1;
	p0 =	seq.s32 s7, s2  }
0x1e: {  	s7 =	smul.u32 @!p0 $0xF7A, s2;
	p2 =	seq.s32 @!p0 s5, $0x0  }
0x1f: {  	s9 =	smul.u32 $0xF7A, s1;
	s8 =	simm.s32 @!p0 $0x1BF5;
	p2 =	por !p2, p0  }
0x20: {  	[sflag:s8] =	ssyncset.s32 @!p0 $0xFFFFF086;
	s6 =	sadd.s32 @!p0 s3, s7;
	s7 =	simm.s32 @!p0 $0x108  }
0x21: {  	s3 =	sadd.s32 s3, s9;
	s6 =	sadd.s32 @!p0 $0x88, s6;
	s7 =	simm.s32 @p2 $0x1082  }
0x22: {  	[simem:s7], [sflag:s8] =	dma.local @!p0 [hbm:s6], $0xF7A  }
0x23: {  	s9 =	sor.u32 $0xD0000000, s2;
	s6 =	simm.s32 $0x108;
	_ =	swait.ge @!p0 [sflag:s8], $0x0  }
0x24: {  	s3 =	sadd.s32 $0x88, s3;
	s6 =	simm.s32 @!p1 $0x1082;
	[sflag:s4] =	ssyncset.s32 $0xFFFFF086  }
0x25: {  	[simem:s6], [sflag:s4] =	dma.local [hbm:s3], $0xF7A  }
0x26: {  	[smem:$0x3F9E] =	sst s1;
	(tag) =	ssettag s2;
	_ =	strace s9  }
0x27: {  	s1 =	sld [smem:$0x3FAE]  }
0x28: {  	s2 =	sld [smem:$0x3FAF]  }
0x29: {  	s4 =	sld [smem:$0x3FB1]  }
0x2a: {  	p0 =	seq.s32 s5, $0x0;
	s5 =	sld [smem:$0x3FB2]  }
0x2b: {  	s6 =	sld [smem:$0x3FB3]  }
0x2c: {  	s7 =	sld [smem:$0x3FB4]  }
0x2d: {  	s3 =	simm.s32 $0x108;
	s8 =	sld [smem:$0x3FB5]  }
0x2e: {  	s3 =	simm.s32 @!p0 $0x1082;
	s9 =	sld [smem:$0x3FB6]  }
0x2f: {  	lr =	sadd.s32 s0, s3;
	s0 =	sld [smem:$0x3FAD]  }
0x30: {  	s3 =	sld [smem:$0x3FB0]  }
0x31: {  	[smem:$0x3FB9] =	sst s10  }
0x32: {  	s10 =	sld [smem:$0x3FB7];
	_ =	sdelay $0x3  }
0x33: {  	p0 =	seq.s32 s10, $0x1;
	s10 =	sld [smem:$0x3FB9];
	_ =	sdelay $0x3  }
0x34: {  	[smem:$0x3FB9] =	sst s10  }
0x35: {  	s10 =	sld [smem:$0x3FB8];
	_ =	sdelay $0x3  }
0x36: {  	p1 =	seq.s32 s10, $0x1;
	s10 =	sld [smem:$0x3FB9];
	_ =	sdelay $0x3  }
0x37: {  	[smem:$0x3FB9] =	sst s10  }
0x38: {  	s10 =	sld [smem:$0x3FBA]  }
0x39: {  	_ = 	snop;
	(pc) =	sbr.ind lr, $3  }
0x3a: {  	_ = 	snop  }
0x3b: {  	_ = 	snop  }
0x3c: {  	p2 =	seq.s32 s10, $0x1;
	s10 =	sld [smem:$0x3FB9]  }
0x3d: {  	_ =	shalt  }
0x3e: {  	_ =	shalt  }
0x3f: {  	_ =	shalt  }
0x40: {  	_ =	shalt  }
0x41: {  	_ =	shalt  }
0x42: {  	_ =	shalt  }
0x43: {  	_ =	shalt  }
0x44: {  	_ =	shalt  }
0x45: {  	_ =	shalt  }
0x46: {  	_ =	shalt  }
0x47: {  	_ =	shalt  }
0x48: {  	_ =	shalt  }
0x49: {  	_ =	shalt  }
0x4a: {  	_ =	shalt  }
0x4b: {  	_ =	shalt  }
0x4c: {  	_ =	shalt  }
0x4d: {  	_ =	shalt  }
0x4e: {  	_ =	shalt  }
0x4f: {  	_ =	shalt  }
0x50: {  	_ =	shalt  }
0x51: {  	_ =	shalt  }
0x52: {  	_ =	shalt  }
0x53: {  	_ =	shalt  }
0x54: {  	_ =	shalt  }
0x55: {  	_ =	shalt  }
0x56: {  	_ =	shalt  }
0x57: {  	_ =	shalt  }
0x58: {  	_ =	shalt  }
0x59: {  	_ =	shalt  }
0x5a: {  	_ =	shalt  }
0x5b: {  	_ =	shalt  }
0x5c: {  	_ =	shalt  }
0x5d: {  	_ =	shalt  }
0x5e: {  	_ =	shalt  }
0x5f: {  	_ =	shalt  }
0x60: {  	_ =	shalt  }
0x61: {  	_ =	shalt  }
0x62: {  	_ =	shalt  }
0x63: {  	_ =	shalt  }
0x64: {  	_ =	shalt  }
0x65: {  	_ =	shalt  }
0x66: {  	_ =	shalt  }
0x67: {  	_ =	shalt  }
0x68: {  	_ =	shalt  }
0x69: {  	_ =	shalt  }
0x6a: {  	_ =	shalt  }
0x6b: {  	_ =	shalt  }
0x6c: {  	_ =	shalt  }
0x6d: {  	_ =	shalt  }
0x6e: {  	_ =	shalt  }
0x6f: {  	_ =	shalt  }
0x70: {  	_ =	shalt  }
0x71: {  	_ =	shalt  }
0x72: {  	_ =	shalt  }
0x73: {  	_ =	shalt  }
0x74: {  	_ =	shalt  }
0x75: {  	_ =	shalt  }
0x76: {  	_ =	shalt  }
0x77: {  	_ =	shalt  }
0x78: {  	_ =	shalt  }
0x79: {  	_ =	shalt  }
0x7a: {  	_ =	shalt  }
0x7b: {  	_ =	shalt  }
0x7c: {  	_ =	shalt  }
0x7d: {  	_ =	shalt  }
0x7e: {  	_ =	shalt  }
0x7f: {  	_ =	shalt  }
0x80: {  	_ =	shalt  }
0x81: {  	_ =	shalt  }
0x82: {  	_ =	shalt  }
0x83: {  	_ =	shalt  }
0x84: {  	_ =	shalt  }
0x85: {  	_ =	shalt  }
0x86: {  	_ =	shalt  }
0x87: {  	_ =	shalt  }
.Lfunc_end0:
.L_simem_size_0:
called_computation_lowered:
.L_overlay_start_0:
0x88: {  	s2 =	sld [smem:$0x3FD9]  }
0x89: {  	s3 =	sld [smem:$0x3FFE];
	_ =	sdelay $0x1  }
0x8a: {  	s1 =	srdreg.scid  }
0x8b: {  	s0 =	sand.u32 $0x1, s1  }
0x8c: {  	s14 =	sshll.u32 s0, $0xA;
	s2 =	sadd.s32 s3, s2  }
0x8d: {  	s2 =	sadd.s32 s2, s14  }
0x8e: {  	[smem:$0x3FC5] =	sst s2  }
0x8f: {  	_ = 	snop  }
0x90: {  	s2 =	sld [smem:$0x3FD0];
	_ =	sdelay $0x2  }
0x91: {  	s15 =	simm.s32 $0xA;
	s4 =	simm.s32 $0x10  }
0x92: {  	[smem:s4], [sflag:s15] =	dma.local [hbm:s2], $0x1  }
0x93: {  	_ =	swait.eq [sflag:s15], $0x1  }
0x94: {  	[sflag:s15] =	ssyncset.done $0x0  }
0x95: {  	s16 =	sld [smem:$0x10];
	[sflag:s15] =	ssyncadd.s32 $0xFFFFFFFF  }
0x96: {  	s17 =	sld [smem:$0x11];
	(tm) =	ssettm $0x1  }
0x97: {  	s18 =	sld [smem:$0x3FFB];
	_ =	sdelay $0x3  }
0x98: {  	_ =	strace s18  }
0x99: {  	s4 =	sld [smem:$0x3FFC];
	_ =	sdelay $0x3  }
0x9a: {  	_ =	strace s4  }
0x9b: {  	s4 =	sld [smem:$0x3FFD];
	_ =	sdelay $0x3  }
0x9c: {  	_ =	strace s4  }
0x9d: {  	_ =	strace $0x8FFFFFFF  }
0x9e: {  	s19 =	sld [smem:$0x3FDB];
	_ =	sdelay $0x1  }
0x9f: {  	s5 =	simm.s32 $_scs_section_size  }
0xa0: {  	s6 =	simm.s32 $_size__tile_overlayer_lowered;
	s7 =	simm.s32 $_tile_overlayer_lowered  }
0xa1: {  	s22 =	simm.s32 $0x1BFF;
	s21 =	sshll.u32 s7, $0x1;
	s4 =	sadd.s32 s5, s19  }
0xa2: {  	s8 =	simm.s32 $0x0;
	s20 =	sshll.u32 s6, $0x1;
	s6 =	sadd.s32 s21, s4  }
0xa3: {  	[timem:s8], [sflag:s22] =	dma.local [hbm:s6], s20  }
0xa4: {  	_ =	swait.ge [sflag:s22], s20  }
0xa5: {  	s5 =	ssub.s32 $0x0, s20;
	[sflag:s22] =	ssyncset.done $0x0  }
0xa6: {  	[sflag:s22] =	ssyncadd.s32 s5;
	_ =	sdelay $0x1  }
0xa7: {  	s23 =	simm.s32 $0x1B8B  }
0xa8: {  	_ =	swait.ge [sflag:s23], $0x1  }
0xa9: {  	[sflag:s23] =	ssyncset.done $0x0  }
0xaa: {  	s25 =	simm.s32 $0x1B8E;
	s24 =	sld [smem:$0x3FFE];
	[sflag:s23] =	ssyncadd.s32 $0xFFFFFFFF  }
0xab: {  	s26 =	simm.s32 $execute0_lowered;
	[smem:$0x3FD2] =	sst s25  }
0xac: {  	s6 =	sshll.u32 s26, $0x1;
	_ =	strace $0x80000046;
	[dreg:$0x1] =	wrdreg $0xFFFFFFFF  }
0xad: {  	s28 =	simm.s32 $_size_execute0_lowered;
	s4 =	sadd.s32 s4, s6;
	[dreg:$0x0] =	wrdreg $0x0  }
0xae: {  	s6 =	sshll.u32 s28, $0x1;
	[dreg:$0x2] =	wrdreg s4  }
0xaf: {  	[dreg:$0x3] =	wrdreg s6  }
0xb0: {  	[dreg:$0x4] =	wrdreg $0xC0  }
0xb1: {  	_ =	task [dreg:s8], $0x5FFFF  }
0xb2: {  	[dreg:$0x1] =	wrdreg $0xFFFFFFFF  }
0xb3: {  	[dreg:$0x0] =	wrdreg $0x60  }
0xb4: {  	[dreg:$0x2] =	wrdreg s24  }
0xb5: {  	[dreg:$0x3] =	wrdreg s16  }
0xb6: {  	[dreg:$0x4] =	wrdreg s17  }
0xb7: {  	[dreg:$0x5] =	wrdreg $0x9  }
0xb8: {  	_ =	task.clear_ibuf [dreg:s8], $0x6FFFF;
	_ =	strace $0x90000046  }
0xb9: {  	s29 =	simm.s32 $0x9;
	_ =	strace $0x80000048  }
0xba: {  	_ =	swait.ge [sflag:s29], $0x1  }
0xbb: {  	[sflag:s29] =	ssyncadd.s32 $0xFFFFFFFF  }
0xbc: {  	_ =	strace $0x90000048  }
0xbd: {  	_ =	sfence  }
0xbe: {  	s30 =	sld [smem:$0x0];
	_ =	sdelay $0x2  }
0xbf: {  	s31 =	sshll.u32 s1, $0xD;
	s1 =	sshrl.u32 s1, $0x2  }
0xc0: {  	s3 =	sand.u32 $0x4000, s31;
	s1 =	sadd.s32 s1, s30  }
0xc1: {  	s0 =	sor.u32 s3, s0;
	s1 =	sshll.u32 s1, $0x11  }
0xc2: {  	s0 =	sor.u32 s1, s0  }
0xc3: {  	s0 =	sadd.s32 $0x8F2B, s0  }
0xc4: {  	[sflag:s0] =	ssyncadd.remote.s32 $0x1  }
0xc5: {  	_ =	sfence.sel $0xFFFF  }
0xc6: {  	[dreg:$0x0] =	wrdreg $0xFFFFFFFF;
	(pc) =	sbr.abs _section_cstart, $3  }
0xc7: {  	[dreg:$0x1] =	wrdreg $0xFFFFFFFF  }
0xc8: {  	_ =	task.clear_ibuf [dreg:s8], $0x2FFFF;
	_ =	strace $0x9FFFFFFF  }
0xc9: {  	(tm) =	ssettm $0x7FFFFFFF  }
tec
execute0_lowered:
.L_overlay_start_1:
0x0: {  	(tag) =	ssettag $0x1  }
0x1: {  	s1 =	stileid.u32  }
0x2: {  	p0 =	sgt.u32 s1, $0x7  }
.Ltmp0:
0x3: {  	_ = 	snop;
	(pc) =	sbr.rel @p0 .LBB2_27-.Ltmp0, $4  }
0x4: {  	s3 =	rddreg [dreg:$0x0]  }
0x5: {  	s5 =	rddreg [dreg:$0x1];
	s2 =	simm.s32 $0x0  }
0x6: {  	[smem:$0x7FF] =	sst s2  }
0x7: {  	s6 =	rddreg [dreg:$0x2];
	_ =	strace $0x80000047  }
0x8: {  	s4 =	srdreg.scid  }
0x9: {  	s8 =	sshll.u32 s1, $0x7;
	s9 =	sadd.s32 $0x1000, s3;
	s11 =	simm.s32 $0x1  }
0xa: {  	s12 =	simm.s32 $0x4E80;
	s13 =	simm.s32 $0x13A00;
	s14 =	simm.s32 $0x18880  }
0xb: {  	s15 =	simm.s32 $0x19080;
	s16 =	simm.s32 $0x19880;
	s17 =	simm.s32 $0x1A080  }
0xc: {  	s18 =	simm.s32 $0x1A880;
	s19 =	simm.s32 $0x1B080;
	s4 =	sand.u32 $0x1, s4  }
0xd: {  	s20 =	simm.s32 $0x1B880;
	s21 =	simm.s32 $0x1C080;
	s7 =	smul.u32 $0x27400, s4  }
0xe: {  	s22 =	simm.s32 $0x1C880;
	s23 =	simm.s32 $0x1D080;
	s10 =	ssub.s32 $0x2, s4  }
0xf: {  	s24 =	simm.s32 $0x9D00;
	s31 =	sshrl.u32 s10, $0x1;
	s7 =	sadd.s32 s8, s7  }
0x10: {  	s25 =	simm.s32 $0xEB80;
	s8 =	ssub.s32 s10, s31;
	s7 =	sshrl.u32 s7, $0x3  }
0x11: {  	s10 =	simm.s32 $0x400;
	s8 =	smax.u32 s8, $0x1;
	s30 =	sadd.s32 s7, s3  }
0x12: {  	s5 =	sadd.s32 s5, s7;
	s6 =	sadd.s32 s6, s7;
	s7 =	sadd.s32 s9, s7  }
0x13: {  	v0 =	vimm.s32 $0x0;
	v1 =	vimm.s32 $0x1;
	s9 =	simm.s32 $0x80;
	s3 =	sadd.s32 $0xAE00, s30;
	s4 =	sadd.s32 $0x14C00, s30  }
.LBB2_2:
0x14: {  	s28 =	simm.s32 $0x0  }
0x15: {  	[tilespmem:s28], [sflag:$0x1] =	stream.strided.gather [hbm4b:s7+s9], $0x4E80, s10, s9, $0x38;
	[tilespmem:$0x1D880] =	vst v63  }
0x16: {  	_ =	swait.ge [sflag:s11], $0x4E80  }
0x17: {  	[sflag:s11] =	ssyncset.done $0x0  }
0x18: {  	[sflag:s11] =	ssyncadd.s32 $0xFFFFB180  }
0x19: {  	[tilespmem:s12], [sflag:$0x1] =	stream.strided.gather [hbm4b:s3+s9], $0x4E80, s10, s9, $0x38;
	[tilespmem:$0x1D880] =	vst v63  }
0x1a: {  	_ =	swait.ge [sflag:s11], $0x4E80  }
0x1b: {  	[sflag:s11] =	ssyncset.done $0x0  }
0x1c: {  	[sflag:s11] =	ssyncadd.s32 $0xFFFFB180  }
0x1d: {  	[tilespmem:s13], [sflag:$0x1] =	stream.strided.gather [hbm4b:s4+s9], $0x4E80, s10, s9, $0x38;
	[tilespmem:$0x1D880] =	vst v63  }
0x1e: {  	_ =	swait.ge [sflag:s11], $0x4E80  }
0x1f: {  	[sflag:s11] =	ssyncset.done $0x0  }
0x20: {  	s26 =	simm.s32 $0x0;
	s29 =	simm.s32 $0x40;
	[sflag:s11] =	ssyncadd.s32 $0xFFFFB180  }
.LBB2_3:
0x21: {  	p0 =	sne.s32 s29, $0x1FC0;
	[tilespmem:s26+$0x1D080] =	vst v0  }
0x22: {  	[tilespmem:s26+$0x18880] =	vst v0  }
0x23: {  	[tilespmem:s26+$0x19080] =	vst v0  }
0x24: {  	[tilespmem:s26+$0x19880] =	vst v0  }
0x25: {  	[tilespmem:s26+$0x1A080] =	vst v0  }
.Ltmp1:
0x26: {  	[tilespmem:s26+$0x1A880] =	vst v0;
	(pc) =	sbr.rel @p0 .LBB2_3-.Ltmp1, $4  }
0x27: {  	[tilespmem:s26+$0x1B080] =	vst v0  }
0x28: {  	[tilespmem:s26+$0x1B880] =	vst v0  }
0x29: {  	[tilespmem:s26+$0x1C080] =	vst v0  }
0x2a: {  	[tilespmem:s26+$0x1C880] =	vst v0;
	s26 =	sshra.s32 s29, $0x2;
	s29 =	sadd.s32 $0x40, s29  }
0x2b: {  	[tilespmem:s26+$0x1D080] =	vst v0  }
0x2c: {  	[tilespmem:s26+$0x18880] =	vst v0  }
0x2d: {  	[tilespmem:s26+$0x19080] =	vst v0  }
0x2e: {  	[tilespmem:s26+$0x19880] =	vst v0  }
0x2f: {  	[tilespmem:s26+$0x1A080] =	vst v0  }
0x30: {  	[tilespmem:s26+$0x1A880] =	vst v0  }
0x31: {  	[tilespmem:s26+$0x1B080] =	vst v0  }
0x32: {  	[tilespmem:s26+$0x1B880] =	vst v0  }
0x33: {  	[tilespmem:s26+$0x1C080] =	vst v0  }
0x34: {  	[tilespmem:s26+$0x1C880] =	vst v0  }
0x35: {  	v2 =	vld [tilespmem:s28+$0x0]  }
0x36: {  	v3 =	vld [tilespmem:s28+$0x7D0]  }
0x37: {  	v4 =	vld [tilespmem:s28+$0xFA0]  }
0x38: {  	v5 =	vld [tilespmem:s28+$0x1770]  }
0x39: {  	v6 =	vld [tilespmem:s28+$0x1F40]  }
0x3a: {  	v7 =	vld [tilespmem:s28+$0x2710];
	v2 =	vand.u32 $0x7FF, v2  }
0x3b: {  	v8 =	vld [tilespmem:s28+$0x2EE0];
	v3 =	vand.u32 $0x7FF, v3  }
0x3c: {  	s31 =	sand.u32 $0x7F0, s28;
	v9 =	vld [tilespmem:s28+$0x36B0];
	v4 =	vand.u32 $0x7FF, v4  }
0x3d: {  	v10 =	vld [tilespmem:s31+$0x3E80];
	v5 =	vand.u32 $0x7FF, v5  }
0x3e: {  	v11 =	vld [tilespmem:s28+$0x4650];
	v6 =	vand.u32 $0x7FF, v6  }
0x3f: {  	[tilespmem:v2+s14+$0x0] =	vst.idx.add.s32.msk $0xffff, v1;
	v2 =	vand.u32 $0x7FF, v7  }
0x40: {  	[tilespmem:v3+s15+$0x0] =	vst.idx.add.s32.msk $0xffff, v1;
	v3 =	vand.u32 $0x7FF, v8  }
0x41: {  	v62 =	vand.u32 $0x7FF, v9;
	[tilespmem:v4+s16+$0x0] =	vst.idx.add.s32.msk $0xffff, v1  }
0x42: {  	v63 =	vand.u32 $0x7FF, v10;
	[tilespmem:v5+s17+$0x0] =	vst.idx.add.s32.msk $0xffff, v1  }
0x43: {  	[tilespmem:v6+s18+$0x0] =	vst.idx.add.s32.msk $0xffff, v1  }
0x44: {  	[tilespmem:v2+s19+$0x0] =	vst.idx.add.s32.msk $0xffff, v1;
	v2 =	vand.u32 $0x7FF, v11  }
0x45: {  	[tilespmem:v3+s20+$0x0] =	vst.idx.add.s32.msk $0xffff, v1  }
0x46: {  	[tilespmem:v62+s21+$0x0] =	vst.idx.add.s32.msk $0xffff, v1  }
0x47: {  	s29 =	simm.s32 $0x10;
	[tilespmem:v63+s22+$0x0] =	vst.idx.add.s32.msk $0xffff, v1  }
.LBB2_5:
0x48: {  	p0 =	sne.s32 s29, $0x7C0  }
0x49: {  	[tilespmem:v2+s23+$0x0] =	vst.idx.add.s32.msk $0xffff, v1;
	s28 =	sadd.s32 $0x10, s28;
	s26 =	smov.u32 s29;
	s29 =	sadd.s32 $0x10, s29  }
0x4a: {  	v2 =	vld [tilespmem:s28+$0x0]  }
0x4b: {  	v3 =	vld [tilespmem:s28+$0x7D0]  }
0x4c: {  	v4 =	vld [tilespmem:s28+$0xFA0]  }
0x4d: {  	v5 =	vld [tilespmem:s28+$0x1770]  }
0x4e: {  	v6 =	vld [tilespmem:s28+$0x1F40]  }
0x4f: {  	v7 =	vld [tilespmem:s28+$0x2710];
	v2 =	vand.u32 $0x7FF, v2  }
0x50: {  	v8 =	vld [tilespmem:s28+$0x2EE0];
	v3 =	vand.u32 $0x7FF, v3  }
0x51: {  	s26 =	sand.u32 $0x7F0, s26;
	v9 =	vld [tilespmem:s28+$0x36B0];
	v4 =	vand.u32 $0x7FF, v4  }
0x52: {  	v10 =	vld [tilespmem:s26+$0x3E80];
	v5 =	vand.u32 $0x7FF, v5  }
0x53: {  	v11 =	vld [tilespmem:s28+$0x4650];
	v6 =	vand.u32 $0x7FF, v6  }
0x54: {  	[tilespmem:v2+s14+$0x0] =	vst.idx.add.s32.msk $0xffff, v1;
	v7 =	vand.u32 $0x7FF, v7  }
0x55: {  	[tilespmem:v3+s15+$0x0] =	vst.idx.add.s32.msk $0xffff, v1;
	v3 =	vand.u32 $0x7FF, v8  }
0x56: {  	[tilespmem:v4+s16+$0x0] =	vst.idx.add.s32.msk $0xffff, v1;
	v4 =	vand.u32 $0x7FF, v9  }
0x57: {  	[tilespmem:v5+s17+$0x0] =	vst.idx.add.s32.msk $0xffff, v1;
	v5 =	vand.u32 $0x7FF, v10  }
.Ltmp2:
0x58: {  	[tilespmem:v6+s18+$0x0] =	vst.idx.add.s32.msk $0xffff, v1;
	v2 =	vand.u32 $0x7FF, v11;
	(pc) =	sbr.rel @p0 .LBB2_5-.Ltmp2, $4  }
0x59: {  	[tilespmem:v7+s19+$0x0] =	vst.idx.add.s32.msk $0xffff, v1  }
0x5a: {  	[tilespmem:v3+s20+$0x0] =	vst.idx.add.s32.msk $0xffff, v1  }
0x5b: {  	[tilespmem:v4+s21+$0x0] =	vst.idx.add.s32.msk $0xffff, v1  }
0x5c: {  	s26 =	simm.s32 $0x0;
	[tilespmem:v5+s22+$0x0] =	vst.idx.add.s32.msk $0xffff, v1  }
0x5d: {  	_ =	sdelay $0x3  }
0x5e: {  	[tilespmem:v2+s23+$0x0] =	vst.idx.add.s32.msk $0xffff, v1;
	s29 =	simm.s32 $0x0  }
0x5f: {  	v2 =	vld [tilespmem:s29+$0x18880]  }
0x60: {  	v3 =	vld [tilespmem:s29+$0x19080]  }
0x61: {  	v4 =	vld [tilespmem:s29+$0x19880]  }
0x62: {  	v5 =	vld [tilespmem:s29+$0x1A080]  }
0x63: {  	v6 =	vld [tilespmem:s29+$0x1A880]  }
0x64: {  	v7 =	vld [tilespmem:s29+$0x1B080]  }
0x65: {  	v8 =	vld [tilespmem:s29+$0x1B880];
	v9 =	vadd.s32 v2, v3  }
0x66: {  	v10 =	vld [tilespmem:s29+$0x1C080];
	v9 =	vadd.s32 v4, v9  }
0x67: {  	v11 =	vld [tilespmem:s29+$0x1C880];
	v9 =	vadd.s32 v5, v9  }
0x68: {  	v12 =	vld [tilespmem:s29+$0x1D080];
	v9 =	vadd.s32 v6, v9  }
0x69: {  	v9 =	vadd.s32 v7, v9  }
0x6a: {  	v9 =	vadd.s32 v8, v9  }
0x6b: {  	v9 =	vadd.s32 v10, v9  }
0x6c: {  	v9 =	vadd.s32 v11, v9  }
0x6d: {  	v9 =	vadd.s32 v12, v9  }
0x6e: {  	(xrf0) =	vadd.scan.msk.s32 $0xffff, v9;
	_ =	sdelay $0x5  }
0x6f: {  	v12, _, _ =	vpop (xrf0)  }
0x70: {  	v9 =	vsub.s32 v12, v9  }
0x71: {  	(v2sf) =	vpush v12, $0xF;
	v9 =	vadd.s32 s26, v9  }
0x72: {  	s28 =	simm.s32 $0x10;
	[tilespmem:s29+$0x18880] =	vst v9;
	v9 =	vadd.s32 v2, v9  }
0x73: {  	v2 =	vld [tilespmem:s28+$0x18880];
	[tilespmem:s29+$0x19080] =	vst v9;
	v9 =	vadd.s32 v3, v9  }
0x74: {  	v3 =	vld [tilespmem:s28+$0x19080];
	[tilespmem:s29+$0x19880] =	vst v9;
	v9 =	vadd.s32 v4, v9  }
0x75: {  	v4 =	vld [tilespmem:s28+$0x19880];
	[tilespmem:s29+$0x1A080] =	vst v9;
	v9 =	vadd.s32 v5, v9  }
0x76: {  	v5 =	vld [tilespmem:s28+$0x1A080];
	[tilespmem:s29+$0x1A880] =	vst v9;
	v9 =	vadd.s32 v6, v9  }
0x77: {  	v6 =	vld [tilespmem:s28+$0x1A880];
	[tilespmem:s29+$0x1B080] =	vst v9;
	v9 =	vadd.s32 v7, v9  }
0x78: {  	v7 =	vld [tilespmem:s28+$0x1B080];
	[tilespmem:s29+$0x1B880] =	vst v9  }
0x79: {  	v9 =	vadd.s32 v8, v9;
	v8 =	vld [tilespmem:s28+$0x1B880];
	v13 =	vadd.s32 v2, v3  }
0x7a: {  	[tilespmem:s29+$0x1C080] =	vst v9;
	v10 =	vadd.s32 v10, v9;
	v13 =	vadd.s32 v4, v13  }
0x7b: {  	v9 =	vld [tilespmem:s28+$0x1C080];
	[tilespmem:s29+$0x1C880] =	vst v10;
	v11 =	vadd.s32 v11, v10;
	v13 =	vadd.s32 v5, v13  }
0x7c: {  	v10 =	vld [tilespmem:s28+$0x1C880];
	[tilespmem:s29+$0x1D080] =	vst v11;
	v13 =	vadd.s32 v6, v13  }
0x7d: {  	v11 =	vld [tilespmem:s28+$0x1D080];
	v13 =	vadd.s32 v7, v13  }
0x7e: {  	s30 =	simm.s32 $0x80;
	s29 =	simm.s32 $0x0;
	v12 =	vadd.s32 v8, v13  }
.LBB2_7:
0x7f: {  	p0 =	sne.s32 s30, $0x1FC0  }
0x80: {  	v12 =	vadd.s32 v9, v12;
	s31 =	spop (v2sf);
	s0 =	smov.u32 s30;
	s30 =	sadd.s32 $0x40, s30  }
0x81: {  	v12 =	vadd.s32 v10, v12;
	s29 =	sadd.s32 s29, s31  }
0x82: {  	v11 =	vadd.s32 v11, v12  }
0x83: {  	(xrf0) =	vadd.scan.msk.s32 $0xffff, v11;
	_ =	sdelay $0x5  }
0x84: {  	v12, _, _ =	vpop (xrf0)  }
0x85: {  	v11 =	vsub.s32 v12, v11;
	(v2sf) =	vpush v12, $0xF  }
0x86: {  	v11 =	vadd.s32 s29, v11  }
0x87: {  	s0 =	sshra.s32 s0, $0x2;
	[tilespmem:s28+$0x18880] =	vst v11;
	v11 =	vadd.s32 v2, v11  }
0x88: {  	v2 =	vld [tilespmem:s0+$0x18880];
	[tilespmem:s28+$0x19080] =	vst v11;
	v11 =	vadd.s32 v3, v11  }
0x89: {  	v3 =	vld [tilespmem:s0+$0x19080];
	[tilespmem:s28+$0x19880] =	vst v11;
	v11 =	vadd.s32 v4, v11  }
0x8a: {  	v4 =	vld [tilespmem:s0+$0x19880];
	[tilespmem:s28+$0x1A080] =	vst v11;
	v11 =	vadd.s32 v5, v11  }
0x8b: {  	v5 =	vld [tilespmem:s0+$0x1A080];
	[tilespmem:s28+$0x1A880] =	vst v11;
	v11 =	vadd.s32 v6, v11  }
0x8c: {  	v6 =	vld [tilespmem:s0+$0x1A880];
	[tilespmem:s28+$0x1B080] =	vst v11;
	v11 =	vadd.s32 v7, v11  }
0x8d: {  	v7 =	vld [tilespmem:s0+$0x1B080];
	[tilespmem:s28+$0x1B880] =	vst v11;
	v11 =	vadd.s32 v8, v11  }
0x8e: {  	v8 =	vld [tilespmem:s0+$0x1B880];
	v12 =	vadd.s32 v2, v3;
	[tilespmem:s28+$0x1C080] =	vst v11;
	v11 =	vadd.s32 v9, v11  }
.Ltmp3:
0x8f: {  	v9 =	vld [tilespmem:s0+$0x1C080];
	v12 =	vadd.s32 v4, v12;
	[tilespmem:s28+$0x1C880] =	vst v11;
	v11 =	vadd.s32 v10, v11;
	(pc) =	sbr.rel @p0 .LBB2_7-.Ltmp3, $4  }
0x90: {  	v10 =	vld [tilespmem:s0+$0x1C880];
	v12 =	vadd.s32 v5, v12;
	[tilespmem:s28+$0x1D080] =	vst v11;
	s28 =	smov.u32 s0  }
0x91: {  	v11 =	vld [tilespmem:s28+$0x1D080];
	v12 =	vadd.s32 v6, v12  }
0x92: {  	v12 =	vadd.s32 v7, v12  }
0x93: {  	v12 =	vadd.s32 v8, v12  }
0x94: {  	v12 =	vadd.s32 v9, v12  }
0x95: {  	v12 =	vadd.s32 v10, v12  }
0x96: {  	v11 =	vadd.s32 v11, v12  }
0x97: {  	(xrf0) =	vadd.scan.msk.s32 $0xffff, v11;
	_ =	sdelay $0x5  }
0x98: {  	s0 =	spop (v2sf);
	v55, _, _ =	vpop (xrf0)  }
0x99: {  	s0 =	sadd.s32 s29, s0;
	v11 =	vsub.s32 v55, v11  }
0x9a: {  	v11 =	vadd.s32 s0, v11  }
0x9b: {  	[tilespmem:s28+$0x18880] =	vst v11;
	v2 =	vadd.s32 v2, v11  }
0x9c: {  	[tilespmem:s28+$0x19080] =	vst v2;
	v2 =	vadd.s32 v3, v2  }
0x9d: {  	[tilespmem:s28+$0x19880] =	vst v2;
	v2 =	vadd.s32 v4, v2  }
0x9e: {  	[tilespmem:s28+$0x1A080] =	vst v2;
	v2 =	vadd.s32 v5, v2  }
0x9f: {  	[tilespmem:s28+$0x1A880] =	vst v2;
	v2 =	vadd.s32 v6, v2  }
0xa0: {  	[tilespmem:s28+$0x1B080] =	vst v2;
	v2 =	vadd.s32 v7, v2  }
0xa1: {  	[tilespmem:s28+$0x1B880] =	vst v2;
	v2 =	vadd.s32 v8, v2  }
0xa2: {  	[tilespmem:s28+$0x1C080] =	vst v2;
	v2 =	vadd.s32 v9, v2  }
0xa3: {  	[tilespmem:s28+$0x1C880] =	vst v2;
	v2 =	vadd.s32 v10, v2  }
0xa4: {  	[tilespmem:s28+$0x1D080] =	vst v2  }
0xa5: {  	s28 =	simm.s32 $0x4E80;
	v7 =	vld [tilespmem:s26+$0x0]  }
0xa6: {  	v2 =	vld [tilespmem:s28+$0x4650]  }
0xa7: {  	v8 =	vld [tilespmem:s28+$0x36B0]  }
0xa8: {  	v9 =	vld [tilespmem:s26+$0x7D0]  }
0xa9: {  	v10 =	vld [tilespmem:s28+$0x2EE0]  }
0xaa: {  	v11 =	vld [tilespmem:s28+$0x2710]  }
0xab: {  	v13 =	vld [tilespmem:s26+$0xFA0]  }
0xac: {  	v14 =	vld [tilespmem:s28+$0x1F40]  }
0xad: {  	v15 =	vld [tilespmem:s28+$0x1770]  }
0xae: {  	v17 =	vld [tilespmem:s26+$0x1770];
	v16 =	vand.u32 $0x7FF, v7  }
0xaf: {  	v18 =	vld [tilespmem:s26+$0x36B0];
	(xrf1) =	vunique.msk.u32 $0xffff, v16  }
0xb0: {  	v19 =	vld [tilespmem:s26+$0x2EE0]  }
0xb1: {  	v21 =	vld [tilespmem:s26+$0x1F40];
	v20 =	vand.u32 $0x7FF, v9  }
0xb2: {  	s30 =	sand.u32 $0x7F0, s26;
	v22 =	vld [tilespmem:s26+$0x2710];
	(xrf1) =	vunique.msk.u32 $0xffff, v20  }
0xb3: {  	v4 =	vld [tilespmem:s30+$0x3E80]  }
0xb4: {  	v25 =	vld [tilespmem:s28+$0xFA0];
	v24 =	vand.u32 $0x7FF, v13  }
0xb5: {  	v3 =	vld [tilespmem:s26+$0x4650];
	(xrf1) =	vunique.msk.u32 $0xffff, v24  }
0xb6: {  	v29 =	vld [tilespmem:s28+$0x7D0]  }
0xb7: {  	v30 =	vld [tilespmem:s28+$0x0];
	v26 =	vand.u32 $0x7FF, v17;
	v27 =	vand.u32 $0x7FF, v21  }
0xb8: {  	v6 =	vld [tilespmem:s30+$0x8D00];
	(xrf1) =	vunique.msk.u32 $0xffff, v26  }
0xb9: {  	v31 =	vand.u32 $0x7FF, v4;
	v23 =	vld.idx.msk [tilespmem:v16+s14+$0x0], $0xffff  }
0xba: {  	v33 =	vand.u32 $0x7FF, v18;
	v28 =	vld.idx.msk [tilespmem:v20+s15+$0x0], $0xffff  }
0xbb: {  	v5 =	vand.u32 $0x7FF, v3;
	v32 =	vld.idx.msk [tilespmem:v24+s16+$0x0], $0xffff;
	(xrf1) =	vunique.msk.u32 $0xffff, v27  }
0xbc: {  	v34 =	vand.u32 $0x7FF, v19;
	v35 =	vld.idx.msk [tilespmem:v27+s18+$0x0], $0xffff  }
0xbd: {  	v36 =	vand.u32 $0x7FF, v22;
	v38 =	vld.idx.msk [tilespmem:v26+s17+$0x0], $0xffff;
	_, v37, _ =	vpop (xrf1);
	(xrf1) =	vunique.msk.u32 $0xffff, v31  }
0xbe: {  	v56 =	vld.idx.msk [tilespmem:v31+s22+$0x0], $0xffff;
	v23 =	vadd.s32 v37, v23;
	(xrf1) =	vunique.msk.u32 $0xffff, v36  }
0xbf: {  	v39 =	vld.idx.msk [tilespmem:v33+s21+$0x0], $0xffff;
	v23 =	vadd.s32 $0xFFFFFFFF, v23  }
0xc0: {  	v41 =	vld.idx.msk [tilespmem:v5+s23+$0x0], $0xffff;
	_, v40, _ =	vpop (xrf1)  }
0xc1: {  	v57 =	vld.idx.msk [tilespmem:v34+s20+$0x0], $0xffff;
	(xrf1) =	vunique.msk.u32 $0xffff, v34;
	v28 =	vadd.s32 v40, v28  }
0xc2: {  	v42 =	vld.idx.msk [tilespmem:v36+s19+$0x0], $0xffff;
	v28 =	vadd.s32 $0xFFFFFFFF, v28  }
0xc3: {  	[tilespmem:v16+s14+$0x0] =	vst.idx.add.s32.msk $0xffff, v1;
	_, v58, _ =	vpop (xrf1)  }
0xc4: {  	v16 =	vadd.s32 v58, v32;
	[tilespmem:v23+s24+$0x0] =	vst.idx.msk $0xffff, v7  }
0xc5: {  	(xrf1) =	vunique.msk.u32 $0xffff, v33;
	v7 =	vadd.s32 $0xFFFFFFFF, v16;
	[tilespmem:v23+s25+$0x0] =	vst.idx.msk $0xffff, v30  }
0xc6: {  	_, v59, _ =	vpop (xrf1);
	[tilespmem:v20+s15+$0x0] =	vst.idx.add.s32.msk $0xffff, v1  }
0xc7: {  	v16 =	vadd.s32 v59, v38;
	[tilespmem:v28+s24+$0x0] =	vst.idx.msk $0xffff, v9  }
0xc8: {  	v9 =	vadd.s32 $0xFFFFFFFF, v16;
	[tilespmem:v28+s25+$0x0] =	vst.idx.msk $0xffff, v29  }
0xc9: {  	_, v60, _ =	vpop (xrf1);
	[tilespmem:v24+s16+$0x0] =	vst.idx.add.s32.msk $0xffff, v1  }
0xca: {  	v16 =	vadd.s32 v60, v35;
	[tilespmem:v7+s24+$0x0] =	vst.idx.msk $0xffff, v13  }
0xcb: {  	(xrf1) =	vunique.msk.u32 $0xffff, v5;
	v61 =	vadd.s32 $0xFFFFFFFF, v16;
	_, v62, _ =	vpop (xrf1);
	[tilespmem:v7+s25+$0x0] =	vst.idx.msk $0xffff, v25  }
0xcc: {  	_, v7, _ =	vpop (xrf1);
	[tilespmem:v26+s17+$0x0] =	vst.idx.add.s32.msk $0xffff, v1  }
0xcd: {  	(v2sf) =	vpush v55, $0xF;
	v7 =	vadd.s32 v7, v42;
	[tilespmem:v9+s24+$0x0] =	vst.idx.msk $0xffff, v17  }
0xce: {  	v7 =	vadd.s32 $0xFFFFFFFF, v7;
	[tilespmem:v9+s25+$0x0] =	vst.idx.msk $0xffff, v15  }
0xcf: {  	_, v9, _ =	vpop (xrf1);
	[tilespmem:v27+s18+$0x0] =	vst.idx.add.s32.msk $0xffff, v1  }
0xd0: {  	v9 =	vadd.s32 v9, v57;
	[tilespmem:v61+s24+$0x0] =	vst.idx.msk $0xffff, v21  }
0xd1: {  	v9 =	vadd.s32 $0xFFFFFFFF, v9;
	[tilespmem:v61+s25+$0x0] =	vst.idx.msk $0xffff, v14  }
0xd2: {  	[tilespmem:v36+s19+$0x0] =	vst.idx.add.s32.msk $0xffff, v1  }
0xd3: {  	_, v63, _ =	vpop (xrf1);
	[tilespmem:v7+s24+$0x0] =	vst.idx.msk $0xffff, v22  }
0xd4: {  	v12 =	vadd.s32 v63, v39;
	[tilespmem:v7+s25+$0x0] =	vst.idx.msk $0xffff, v11  }
0xd5: {  	v12 =	vadd.s32 $0xFFFFFFFF, v12;
	[tilespmem:v34+s20+$0x0] =	vst.idx.add.s32.msk $0xffff, v1  }
0xd6: {  	[tilespmem:v9+s24+$0x0] =	vst.idx.msk $0xffff, v19  }
0xd7: {  	[tilespmem:v9+s25+$0x0] =	vst.idx.msk $0xffff, v10;
	v9 =	vadd.s32 v62, v56  }
0xd8: {  	v11 =	vadd.s32 $0xFFFFFFFF, v9  }
0xd9: {  	_, v7, _ =	vpop (xrf1);
	[tilespmem:v33+s21+$0x0] =	vst.idx.add.s32.msk $0xffff, v1  }
0xda: {  	v7 =	vadd.s32 v7, v41;
	[tilespmem:v12+s24+$0x0] =	vst.idx.msk $0xffff, v18  }
0xdb: {  	[tilespmem:v12+s25+$0x0] =	vst.idx.msk $0xffff, v8;
	v8 =	vadd.s32 $0xFFFFFFFF, v7  }
0xdc: {  	s29 =	simm.s32 $0x10;
	s31 =	spop (v2sf);
	[tilespmem:v31+s22+$0x0] =	vst.idx.add.s32.msk $0xffff, v1  }
.LBB2_9:
0xdd: {  	p0 =	sne.s32 s29, $0x7C0;
	[tilespmem:v11+s24+$0x0] =	vst.idx.msk $0xffff, v4;
	s28 =	sadd.s32 $0x10, s28;
	s26 =	sadd.s32 $0x10, s26  }
0xde: {  	s0 =	smov.u32 s29;
	s29 =	sadd.s32 $0x10, s29;
	[tilespmem:v11+s25+$0x0] =	vst.idx.msk $0xffff, v6  }
0xdf: {  	[tilespmem:v5+s23+$0x0] =	vst.idx.add.s32.msk $0xffff, v1  }
0xe0: {  	[tilespmem:v8+s24+$0x0] =	vst.idx.msk $0xffff, v3  }
0xe1: {  	[tilespmem:v8+s25+$0x0] =	vst.idx.msk $0xffff, v2  }
0xe2: {  	v11 =	vld [tilespmem:s26+$0x0]  }
0xe3: {  	v2 =	vld [tilespmem:s28+$0x4650]  }
0xe4: {  	v7 =	vld [tilespmem:s28+$0x36B0]  }
0xe5: {  	v12 =	vld [tilespmem:s26+$0x7D0]  }
0xe6: {  	v8 =	vld [tilespmem:s28+$0x2EE0]  }
0xe7: {  	v13 =	vand.u32 $0x7FF, v11;
	v9 =	vld [tilespmem:s28+$0x2710]  }
0xe8: {  	v14 =	vld [tilespmem:s26+$0xFA0];
	(xrf1) =	vunique.msk.u32 $0xffff, v13  }
0xe9: {  	v15 =	vld [tilespmem:s28+$0x1F40]  }
0xea: {  	v16 =	vand.u32 $0x7FF, v12;
	v17 =	vld [tilespmem:s28+$0x1770]  }
0xeb: {  	v18 =	vld [tilespmem:s26+$0x1770];
	(xrf1) =	vunique.msk.u32 $0xffff, v16  }
0xec: {  	v10 =	vld [tilespmem:s26+$0x36B0]  }
0xed: {  	v19 =	vand.u32 $0x7FF, v14;
	v20 =	vld [tilespmem:s26+$0x2EE0]  }
0xee: {  	v21 =	vld [tilespmem:s26+$0x1F40];
	(xrf1) =	vunique.msk.u32 $0xffff, v19  }
0xef: {  	v22 =	vld [tilespmem:s26+$0x2710]  }
0xf0: {  	s0 =	sand.u32 $0x7F0, s0;
	v5 =	vld.idx.msk [tilespmem:v13+s14+$0x0], $0xffff;
	v23 =	vand.u32 $0x7FF, v18  }
0xf1: {  	v4 =	vld [tilespmem:s0+$0x3E80];
	(xrf1) =	vunique.msk.u32 $0xffff, v23  }
0xf2: {  	v24 =	vld [tilespmem:s28+$0xFA0]  }
0xf3: {  	v25 =	vand.u32 $0x7FF, v21;
	v3 =	vld [tilespmem:s26+$0x4650]  }
0xf4: {  	v26 =	vld.idx.msk [tilespmem:v16+s15+$0x0], $0xffff;
	(xrf1) =	vunique.msk.u32 $0xffff, v25  }
0xf5: {  	v27 =	vld [tilespmem:s28+$0x7D0]  }
0xf6: {  	v29 =	vand.u32 $0x7FF, v22;
	v28 =	vld [tilespmem:s28+$0x0];
	v30 =	vand.u32 $0x7FF, v4;
	_, v6, _ =	vpop (xrf1)  }
0xf7: {  	v33 =	vand.u32 $0x7FF, v10;
	v32 =	vand.u32 $0x7FF, v20;
	v5 =	vadd.s32 v6, v5;
	v31 =	vld.idx.msk [tilespmem:v19+s16+$0x0], $0xffff;
	(xrf1) =	vunique.msk.u32 $0xffff, v30  }
0xf8: {  	v34 =	vadd.s32 $0xFFFFFFFF, v5;
	v6 =	vld [tilespmem:s0+$0x8D00];
	v5 =	vand.u32 $0x7FF, v3;
	(xrf1) =	vunique.msk.u32 $0xffff, v29  }
0xf9: {  	v35 =	vld.idx.msk [tilespmem:v25+s18+$0x0], $0xffff;
	_, v36, _ =	vpop (xrf1);
	(xrf1) =	vunique.msk.u32 $0xffff, v32  }
0xfa: {  	v26 =	vadd.s32 v36, v26;
	v36 =	vld.idx.msk [tilespmem:v23+s17+$0x0], $0xffff;
	(xrf1) =	vunique.msk.u32 $0xffff, v33  }
0xfb: {  	v26 =	vadd.s32 $0xFFFFFFFF, v26;
	v37 =	vld.idx.msk [tilespmem:v30+s22+$0x0], $0xffff;
	(xrf1) =	vunique.msk.u32 $0xffff, v5  }
0xfc: {  	v38 =	vld.idx.msk [tilespmem:v33+s21+$0x0], $0xffff;
	_, v39, _ =	vpop (xrf1)  }
0xfd: {  	v31 =	vadd.s32 v39, v31;
	v39 =	vld.idx.msk [tilespmem:v5+s23+$0x0], $0xffff  }
0xfe: {  	v31 =	vadd.s32 $0xFFFFFFFF, v31;
	v40 =	vld.idx.msk [tilespmem:v32+s20+$0x0], $0xffff  }
0xff: {  	v41 =	vld.idx.msk [tilespmem:v29+s19+$0x0], $0xffff;
	_, v42, _ =	vpop (xrf1)  }
0x100: {  	v36 =	vadd.s32 v42, v36;
	[tilespmem:v13+s14+$0x0] =	vst.idx.add.s32.msk $0xffff, v1  }
0x101: {  	v13 =	vadd.s32 $0xFFFFFFFF, v36;
	[tilespmem:v34+s24+$0x0] =	vst.idx.msk $0xffff, v11  }
0x102: {  	[tilespmem:v34+s25+$0x0] =	vst.idx.msk $0xffff, v28;
	_, v11, _ =	vpop (xrf1)  }
0x103: {  	v11 =	vadd.s32 v11, v35;
	[tilespmem:v16+s15+$0x0] =	vst.idx.add.s32.msk $0xffff, v1  }
0x104: {  	v11 =	vadd.s32 $0xFFFFFFFF, v11;
	[tilespmem:v26+s24+$0x0] =	vst.idx.msk $0xffff, v12  }
0x105: {  	[tilespmem:v26+s25+$0x0] =	vst.idx.msk $0xffff, v27;
	_, v12, _ =	vpop (xrf1)  }
0x106: {  	v12 =	vadd.s32 v12, v37;
	[tilespmem:v19+s16+$0x0] =	vst.idx.add.s32.msk $0xffff, v1;
	_, v16, _ =	vpop (xrf1)  }
0x107: {  	v16 =	vadd.s32 v16, v41;
	[tilespmem:v31+s24+$0x0] =	vst.idx.msk $0xffff, v14;
	_, v14, _ =	vpop (xrf1)  }
0x108: {  	v14 =	vadd.s32 v14, v40;
	[tilespmem:v31+s25+$0x0] =	vst.idx.msk $0xffff, v24;
	_, v19, _ =	vpop (xrf1)  }
0x109: {  	v19 =	vadd.s32 v19, v38;
	[tilespmem:v23+s17+$0x0] =	vst.idx.add.s32.msk $0xffff, v1;
	_, v23, _ =	vpop (xrf1)  }
0x10a: {  	v16 =	vadd.s32 $0xFFFFFFFF, v16;
	v23 =	vadd.s32 v23, v39;
	[tilespmem:v13+s24+$0x0] =	vst.idx.msk $0xffff, v18  }
0x10b: {  	v14 =	vadd.s32 $0xFFFFFFFF, v14;
	[tilespmem:v13+s25+$0x0] =	vst.idx.msk $0xffff, v17  }
0x10c: {  	[tilespmem:v25+s18+$0x0] =	vst.idx.add.s32.msk $0xffff, v1  }
0x10d: {  	[tilespmem:v11+s24+$0x0] =	vst.idx.msk $0xffff, v21  }
0x10e: {  	[tilespmem:v11+s25+$0x0] =	vst.idx.msk $0xffff, v15  }
0x10f: {  	v13 =	vadd.s32 $0xFFFFFFFF, v19;
	[tilespmem:v29+s19+$0x0] =	vst.idx.add.s32.msk $0xffff, v1  }
0x110: {  	v11 =	vadd.s32 $0xFFFFFFFF, v12;
	[tilespmem:v16+s24+$0x0] =	vst.idx.msk $0xffff, v22  }
0x111: {  	[tilespmem:v16+s25+$0x0] =	vst.idx.msk $0xffff, v9  }
0x112: {  	[tilespmem:v32+s20+$0x0] =	vst.idx.add.s32.msk $0xffff, v1  }
0x113: {  	[tilespmem:v14+s24+$0x0] =	vst.idx.msk $0xffff, v20  }
.Ltmp4:
0x114: {  	[tilespmem:v14+s25+$0x0] =	vst.idx.msk $0xffff, v8;
	(pc) =	sbr.rel @p0 .LBB2_9-.Ltmp4, $4  }
0x115: {  	[tilespmem:v33+s21+$0x0] =	vst.idx.add.s32.msk $0xffff, v1  }
0x116: {  	v8 =	vadd.s32 $0xFFFFFFFF, v23;
	[tilespmem:v13+s24+$0x0] =	vst.idx.msk $0xffff, v10  }
0x117: {  	[tilespmem:v13+s25+$0x0] =	vst.idx.msk $0xffff, v7  }
0x118: {  	s30 =	simm.s32 $0x0;
	[tilespmem:v30+s22+$0x0] =	vst.idx.add.s32.msk $0xffff, v1  }
0x119: {  	_ =	sdelay $0x3  }
0x11a: {  	[tilespmem:v11+s24+$0x0] =	vst.idx.msk $0xffff, v4  }
0x11b: {  	[tilespmem:v11+s25+$0x0] =	vst.idx.msk $0xffff, v6  }
0x11c: {  	[tilespmem:v5+s23+$0x0] =	vst.idx.add.s32.msk $0xffff, v1  }
0x11d: {  	[tilespmem:v8+s24+$0x0] =	vst.idx.msk $0xffff, v3  }
0x11e: {  	s26 =	simm.s32 $0x0;
	s28 =	simm.s32 $0x40;
	[tilespmem:v8+s25+$0x0] =	vst.idx.msk $0xffff, v2  }
.LBB2_11:
0x11f: {  	p0 =	sne.s32 s28, $0x1FC0;
	[tilespmem:s26+$0x1D080] =	vst v0  }
0x120: {  	[tilespmem:s26+$0x18880] =	vst v0  }
0x121: {  	[tilespmem:s26+$0x19080] =	vst v0  }
0x122: {  	[tilespmem:s26+$0x19880] =	vst v0  }
0x123: {  	[tilespmem:s26+$0x1A080] =	vst v0  }
.Ltmp5:
0x124: {  	[tilespmem:s26+$0x1A880] =	vst v0;
	(pc) =	sbr.rel @p0 .LBB2_11-.Ltmp5, $4  }
0x125: {  	[tilespmem:s26+$0x1B080] =	vst v0  }
0x126: {  	[tilespmem:s26+$0x1B880] =	vst v0  }
0x127: {  	[tilespmem:s26+$0x1C080] =	vst v0  }
0x128: {  	[tilespmem:s26+$0x1C880] =	vst v0;
	s26 =	sshra.s32 s28, $0x2;
	s28 =	sadd.s32 $0x40, s28  }
0x129: {  	[tilespmem:s26+$0x1D080] =	vst v0  }
0x12a: {  	[tilespmem:s26+$0x18880] =	vst v0  }
0x12b: {  	[tilespmem:s26+$0x19080] =	vst v0  }
0x12c: {  	[tilespmem:s26+$0x19880] =	vst v0  }
0x12d: {  	[tilespmem:s26+$0x1A080] =	vst v0  }
0x12e: {  	[tilespmem:s26+$0x1A880] =	vst v0  }
0x12f: {  	[tilespmem:s26+$0x1B080] =	vst v0  }
0x130: {  	[tilespmem:s26+$0x1B880] =	vst v0  }
0x131: {  	[tilespmem:s26+$0x1C080] =	vst v0  }
0x132: {  	[tilespmem:s26+$0x1C880] =	vst v0;
	s26 =	simm.s32 $0x9D00  }
0x133: {  	v2 =	vld [tilespmem:s26+$0x0]  }
0x134: {  	v3 =	vld [tilespmem:s26+$0x7D0]  }
0x135: {  	v4 =	vld [tilespmem:s26+$0xFA0]  }
0x136: {  	v5 =	vld [tilespmem:s26+$0x1770]  }
0x137: {  	v6 =	vld [tilespmem:s26+$0x1F40]  }
0x138: {  	v7 =	vld [tilespmem:s26+$0x2710];
	v2 =	vshrl.u32 v2, $0xB  }
0x139: {  	v3 =	vshrl.u32 v3, $0xB;
	v2 =	vand.u32 $0x7FF, v2  }
0x13a: {  	v8 =	vld [tilespmem:s26+$0x2EE0];
	v4 =	vshrl.u32 v4, $0xB;
	v3 =	vand.u32 $0x7FF, v3  }
0x13b: {  	s0 =	sand.u32 $0x7F0, s30;
	v9 =	vld [tilespmem:s26+$0x36B0];
	v5 =	vshrl.u32 v5, $0xB;
	v4 =	vand.u32 $0x7FF, v4  }
0x13c: {  	v10 =	vld [tilespmem:s0+$0xDB80];
	v6 =	vshrl.u32 v6, $0xB;
	v5 =	vand.u32 $0x7FF, v5  }
0x13d: {  	v11 =	vld [tilespmem:s26+$0x4650];
	v7 =	vshrl.u32 v7, $0xB;
	v6 =	vand.u32 $0x7FF, v6  }
0x13e: {  	[tilespmem:v2+s14+$0x0] =	vst.idx.add.s32.msk $0xffff, v1;
	v2 =	vand.u32 $0x7FF, v7  }
0x13f: {  	v8 =	vshrl.u32 v8, $0xB;
	[tilespmem:v3+s15+$0x0] =	vst.idx.add.s32.msk $0xffff, v1  }
0x140: {  	v60 =	vshrl.u32 v9, $0xB;
	v3 =	vand.u32 $0x7FF, v8;
	[tilespmem:v4+s16+$0x0] =	vst.idx.add.s32.msk $0xffff, v1  }
0x141: {  	v61 =	vshrl.u32 v10, $0xB;
	v62 =	vand.u32 $0x7FF, v60;
	[tilespmem:v5+s17+$0x0] =	vst.idx.add.s32.msk $0xffff, v1  }
0x142: {  	v63 =	vand.u32 $0x7FF, v61;
	[tilespmem:v6+s18+$0x0] =	vst.idx.add.s32.msk $0xffff, v1  }
0x143: {  	[tilespmem:v2+s19+$0x0] =	vst.idx.add.s32.msk $0xffff, v1;
	v2 =	vshrl.u32 v11, $0xB  }
0x144: {  	v2 =	vand.u32 $0x7FF, v2  }
0x145: {  	[tilespmem:v3+s20+$0x0] =	vst.idx.add.s32.msk $0xffff, v1  }
0x146: {  	[tilespmem:v62+s21+$0x0] =	vst.idx.add.s32.msk $0xffff, v1  }
0x147: {  	s29 =	simm.s32 $0x10;
	[tilespmem:v63+s22+$0x0] =	vst.idx.add.s32.msk $0xffff, v1  }
.LBB2_13:
0x148: {  	p0 =	sne.s32 s29, $0x7C0  }
0x149: {  	[tilespmem:v2+s23+$0x0] =	vst.idx.add.s32.msk $0xffff, v1;
	s26 =	sadd.s32 $0x10, s26;
	s0 =	smov.u32 s29;
	s29 =	sadd.s32 $0x10, s29  }
0x14a: {  	v2 =	vld [tilespmem:s26+$0x0]  }
0x14b: {  	v3 =	vld [tilespmem:s26+$0x7D0]  }
0x14c: {  	v4 =	vld [tilespmem:s26+$0xFA0]  }
0x14d: {  	v5 =	vld [tilespmem:s26+$0x1770]  }
0x14e: {  	v6 =	vld [tilespmem:s26+$0x1F40]  }
0x14f: {  	v2 =	vshrl.u32 v2, $0xB;
	v7 =	vld [tilespmem:s26+$0x2710]  }
0x150: {  	v3 =	vshrl.u32 v3, $0xB;
	v8 =	vld [tilespmem:s26+$0x2EE0];
	v2 =	vand.u32 $0x7FF, v2  }
0x151: {  	s0 =	sand.u32 $0x7F0, s0;
	v4 =	vshrl.u32 v4, $0xB;
	v9 =	vld [tilespmem:s26+$0x36B0];
	v3 =	vand.u32 $0x7FF, v3  }
0x152: {  	v5 =	vshrl.u32 v5, $0xB;
	v10 =	vld [tilespmem:s0+$0xDB80];
	v4 =	vand.u32 $0x7FF, v4  }
0x153: {  	v6 =	vshrl.u32 v6, $0xB;
	v11 =	vld [tilespmem:s26+$0x4650];
	v5 =	vand.u32 $0x7FF, v5  }
0x154: {  	v7 =	vshrl.u32 v7, $0xB;
	v6 =	vand.u32 $0x7FF, v6  }
0x155: {  	v8 =	vshrl.u32 v8, $0xB;
	[tilespmem:v2+s14+$0x0] =	vst.idx.add.s32.msk $0xffff, v1;
	v7 =	vand.u32 $0x7FF, v7  }
0x156: {  	v2 =	vshrl.u32 v9, $0xB;
	[tilespmem:v3+s15+$0x0] =	vst.idx.add.s32.msk $0xffff, v1;
	v3 =	vand.u32 $0x7FF, v8  }
0x157: {  	v8 =	vshrl.u32 v10, $0xB;
	[tilespmem:v4+s16+$0x0] =	vst.idx.add.s32.msk $0xffff, v1;
	v4 =	vand.u32 $0x7FF, v2  }
0x158: {  	v2 =	vshrl.u32 v11, $0xB;
	[tilespmem:v5+s17+$0x0] =	vst.idx.add.s32.msk $0xffff, v1;
	v5 =	vand.u32 $0x7FF, v8  }
.Ltmp6:
0x159: {  	[tilespmem:v6+s18+$0x0] =	vst.idx.add.s32.msk $0xffff, v1;
	v2 =	vand.u32 $0x7FF, v2;
	(pc) =	sbr.rel @p0 .LBB2_13-.Ltmp6, $4  }
0x15a: {  	[tilespmem:v7+s19+$0x0] =	vst.idx.add.s32.msk $0xffff, v1  }
0x15b: {  	[tilespmem:v3+s20+$0x0] =	vst.idx.add.s32.msk $0xffff, v1  }
0x15c: {  	[tilespmem:v4+s21+$0x0] =	vst.idx.add.s32.msk $0xffff, v1  }
0x15d: {  	s28 =	simm.s32 $0x0;
	[tilespmem:v5+s22+$0x0] =	vst.idx.add.s32.msk $0xffff, v1  }
0x15e: {  	_ =	sdelay $0x3  }
0x15f: {  	[tilespmem:v2+s23+$0x0] =	vst.idx.add.s32.msk $0xffff, v1;
	s0 =	simm.s32 $0x0  }
0x160: {  	v2 =	vld [tilespmem:s0+$0x18880]  }
0x161: {  	v3 =	vld [tilespmem:s0+$0x19080]  }
0x162: {  	v4 =	vld [tilespmem:s0+$0x19880]  }
0x163: {  	v5 =	vld [tilespmem:s0+$0x1A080]  }
0x164: {  	v6 =	vld [tilespmem:s0+$0x1A880]  }
0x165: {  	v7 =	vld [tilespmem:s0+$0x1B080]  }
0x166: {  	v8 =	vld [tilespmem:s0+$0x1B880];
	v9 =	vadd.s32 v2, v3  }
0x167: {  	v10 =	vld [tilespmem:s0+$0x1C080];
	v9 =	vadd.s32 v4, v9  }
0x168: {  	v11 =	vld [tilespmem:s0+$0x1C880];
	v9 =	vadd.s32 v5, v9  }
0x169: {  	v12 =	vld [tilespmem:s0+$0x1D080];
	v9 =	vadd.s32 v6, v9  }
0x16a: {  	v9 =	vadd.s32 v7, v9  }
0x16b: {  	v9 =	vadd.s32 v8, v9  }
0x16c: {  	v9 =	vadd.s32 v10, v9  }
0x16d: {  	v9 =	vadd.s32 v11, v9  }
0x16e: {  	v9 =	vadd.s32 v12, v9  }
0x16f: {  	(xrf0) =	vadd.scan.msk.s32 $0xffff, v9;
	_ =	sdelay $0x5  }
0x170: {  	v12, _, _ =	vpop (xrf0)  }
0x171: {  	v9 =	vsub.s32 v12, v9  }
0x172: {  	(v2sf) =	vpush v12, $0xF;
	v9 =	vadd.s32 s28, v9  }
0x173: {  	s26 =	simm.s32 $0x10;
	[tilespmem:s0+$0x18880] =	vst v9;
	v9 =	vadd.s32 v2, v9  }
0x174: {  	v2 =	vld [tilespmem:s26+$0x18880];
	[tilespmem:s0+$0x19080] =	vst v9;
	v9 =	vadd.s32 v3, v9  }
0x175: {  	v3 =	vld [tilespmem:s26+$0x19080];
	[tilespmem:s0+$0x19880] =	vst v9;
	v9 =	vadd.s32 v4, v9  }
0x176: {  	v4 =	vld [tilespmem:s26+$0x19880];
	[tilespmem:s0+$0x1A080] =	vst v9;
	v9 =	vadd.s32 v5, v9  }
0x177: {  	v5 =	vld [tilespmem:s26+$0x1A080];
	[tilespmem:s0+$0x1A880] =	vst v9;
	v9 =	vadd.s32 v6, v9  }
0x178: {  	v6 =	vld [tilespmem:s26+$0x1A880];
	[tilespmem:s0+$0x1B080] =	vst v9;
	v9 =	vadd.s32 v7, v9  }
0x179: {  	v7 =	vld [tilespmem:s26+$0x1B080];
	[tilespmem:s0+$0x1B880] =	vst v9  }
0x17a: {  	v9 =	vadd.s32 v8, v9;
	v8 =	vld [tilespmem:s26+$0x1B880];
	v13 =	vadd.s32 v2, v3  }
0x17b: {  	[tilespmem:s0+$0x1C080] =	vst v9;
	v10 =	vadd.s32 v10, v9;
	v13 =	vadd.s32 v4, v13  }
0x17c: {  	v9 =	vld [tilespmem:s26+$0x1C080];
	[tilespmem:s0+$0x1C880] =	vst v10;
	v11 =	vadd.s32 v11, v10;
	v13 =	vadd.s32 v5, v13  }
0x17d: {  	v10 =	vld [tilespmem:s26+$0x1C880];
	[tilespmem:s0+$0x1D080] =	vst v11;
	v13 =	vadd.s32 v6, v13  }
0x17e: {  	v11 =	vld [tilespmem:s26+$0x1D080];
	v13 =	vadd.s32 v7, v13  }
0x17f: {  	s30 =	simm.s32 $0x80;
	s29 =	simm.s32 $0x0;
	v12 =	vadd.s32 v8, v13  }
.LBB2_15:
0x180: {  	p0 =	sne.s32 s30, $0x1FC0  }
0x181: {  	v12 =	vadd.s32 v9, v12;
	s0 =	spop (v2sf);
	s31 =	smov.u32 s30;
	s30 =	sadd.s32 $0x40, s30  }
0x182: {  	v12 =	vadd.s32 v10, v12;
	s29 =	sadd.s32 s29, s0  }
0x183: {  	v11 =	vadd.s32 v11, v12  }
0x184: {  	(xrf0) =	vadd.scan.msk.s32 $0xffff, v11;
	_ =	sdelay $0x5  }
0x185: {  	v12, _, _ =	vpop (xrf0)  }
0x186: {  	v11 =	vsub.s32 v12, v11;
	(v2sf) =	vpush v12, $0xF  }
0x187: {  	v11 =	vadd.s32 s29, v11  }
0x188: {  	s0 =	sshra.s32 s31, $0x2;
	[tilespmem:s26+$0x18880] =	vst v11;
	v11 =	vadd.s32 v2, v11  }
0x189: {  	v2 =	vld [tilespmem:s0+$0x18880];
	[tilespmem:s26+$0x19080] =	vst v11;
	v11 =	vadd.s32 v3, v11  }
0x18a: {  	v3 =	vld [tilespmem:s0+$0x19080];
	[tilespmem:s26+$0x19880] =	vst v11;
	v11 =	vadd.s32 v4, v11  }
0x18b: {  	v4 =	vld [tilespmem:s0+$0x19880];
	[tilespmem:s26+$0x1A080] =	vst v11;
	v11 =	vadd.s32 v5, v11  }
0x18c: {  	v5 =	vld [tilespmem:s0+$0x1A080];
	[tilespmem:s26+$0x1A880] =	vst v11;
	v11 =	vadd.s32 v6, v11  }
0x18d: {  	v6 =	vld [tilespmem:s0+$0x1A880];
	[tilespmem:s26+$0x1B080] =	vst v11;
	v11 =	vadd.s32 v7, v11  }
0x18e: {  	v7 =	vld [tilespmem:s0+$0x1B080];
	[tilespmem:s26+$0x1B880] =	vst v11;
	v11 =	vadd.s32 v8, v11  }
0x18f: {  	v8 =	vld [tilespmem:s0+$0x1B880];
	v12 =	vadd.s32 v2, v3;
	[tilespmem:s26+$0x1C080] =	vst v11;
	v11 =	vadd.s32 v9, v11  }
.Ltmp7:
0x190: {  	v9 =	vld [tilespmem:s0+$0x1C080];
	v12 =	vadd.s32 v4, v12;
	[tilespmem:s26+$0x1C880] =	vst v11;
	v11 =	vadd.s32 v10, v11;
	(pc) =	sbr.rel @p0 .LBB2_15-.Ltmp7, $4  }
0x191: {  	v10 =	vld [tilespmem:s0+$0x1C880];
	v12 =	vadd.s32 v5, v12;
	[tilespmem:s26+$0x1D080] =	vst v11;
	s26 =	smov.u32 s0  }
0x192: {  	v11 =	vld [tilespmem:s26+$0x1D080];
	v12 =	vadd.s32 v6, v12  }
0x193: {  	v12 =	vadd.s32 v7, v12  }
0x194: {  	v12 =	vadd.s32 v8, v12  }
0x195: {  	v12 =	vadd.s32 v9, v12  }
0x196: {  	v12 =	vadd.s32 v10, v12  }
0x197: {  	v11 =	vadd.s32 v11, v12  }
0x198: {  	(xrf0) =	vadd.scan.msk.s32 $0xffff, v11;
	_ =	sdelay $0x5  }
0x199: {  	s0 =	spop (v2sf);
	v56, _, _ =	vpop (xrf0)  }
0x19a: {  	s0 =	sadd.s32 s29, s0;
	v11 =	vsub.s32 v56, v11  }
0x19b: {  	v11 =	vadd.s32 s0, v11  }
0x19c: {  	[tilespmem:s26+$0x18880] =	vst v11;
	v2 =	vadd.s32 v2, v11  }
0x19d: {  	[tilespmem:s26+$0x19080] =	vst v2;
	v2 =	vadd.s32 v3, v2  }
0x19e: {  	[tilespmem:s26+$0x19880] =	vst v2;
	v2 =	vadd.s32 v4, v2  }
0x19f: {  	[tilespmem:s26+$0x1A080] =	vst v2;
	v2 =	vadd.s32 v5, v2  }
0x1a0: {  	[tilespmem:s26+$0x1A880] =	vst v2;
	v2 =	vadd.s32 v6, v2  }
0x1a1: {  	[tilespmem:s26+$0x1B080] =	vst v2;
	v2 =	vadd.s32 v7, v2  }
0x1a2: {  	[tilespmem:s26+$0x1B880] =	vst v2;
	v2 =	vadd.s32 v8, v2  }
0x1a3: {  	[tilespmem:s26+$0x1C080] =	vst v2;
	v2 =	vadd.s32 v9, v2  }
0x1a4: {  	[tilespmem:s26+$0x1C880] =	vst v2;
	v2 =	vadd.s32 v10, v2  }
0x1a5: {  	[tilespmem:s26+$0x1D080] =	vst v2;
	s26 =	simm.s32 $0xEB80  }
0x1a6: {  	v2 =	vld [tilespmem:s26+$0x4650]  }
0x1a7: {  	s29 =	simm.s32 $0x9D00;
	v7 =	vld [tilespmem:s26+$0x36B0]  }
0x1a8: {  	v8 =	vld [tilespmem:s29+$0x7D0]  }
0x1a9: {  	v9 =	vld [tilespmem:s29+$0x0]  }
0x1aa: {  	v10 =	vld [tilespmem:s26+$0x2EE0]  }
0x1ab: {  	v11 =	vld [tilespmem:s29+$0xFA0]  }
0x1ac: {  	v13 =	vld [tilespmem:s26+$0x2710]  }
0x1ad: {  	v14 =	vld [tilespmem:s26+$0x1F40];
	v3 =	vshrl.u32 v8, $0xB  }
0x1ae: {  	v16 =	vld [tilespmem:s29+$0x1770];
	v4 =	vshrl.u32 v9, $0xB;
	v15 =	vand.u32 $0x7FF, v3  }
0x1af: {  	v18 =	vld [tilespmem:s26+$0x1770];
	v17 =	vand.u32 $0x7FF, v4;
	(xrf1) =	vunique.msk.u32 $0xffff, v15  }
0x1b0: {  	v19 =	vld [tilespmem:s29+$0x36B0];
	(xrf1) =	vunique.msk.u32 $0xffff, v17  }
0x1b1: {  	v20 =	vld [tilespmem:s29+$0x1F40]  }
0x1b2: {  	v21 =	vld [tilespmem:s29+$0x2EE0]  }
0x1b3: {  	v22 =	vld [tilespmem:s29+$0x2710]  }
0x1b4: {  	v25 =	vld [tilespmem:s26+$0xFA0];
	v3 =	vshrl.u32 v11, $0xB  }
0x1b5: {  	v29 =	vld [tilespmem:s26+$0x7D0];
	v23 =	vand.u32 $0x7FF, v3  }
0x1b6: {  	s31 =	sand.u32 $0x7F0, s28;
	v30 =	vld [tilespmem:s26+$0x0];
	v6 =	vshrl.u32 v20, $0xB;
	(xrf1) =	vunique.msk.u32 $0xffff, v23  }
0x1b7: {  	v5 =	vshrl.u32 v16, $0xB;
	v4 =	vld [tilespmem:s31+$0xDB80];
	v27 =	vand.u32 $0x7FF, v6  }
0x1b8: {  	v34 =	vshrl.u32 v21, $0xB;
	v26 =	vand.u32 $0x7FF, v5;
	v6 =	vshrl.u32 v19, $0xB;
	v3 =	vld [tilespmem:s29+$0x4650]  }
0x1b9: {  	v34 =	vand.u32 $0x7FF, v34;
	v33 =	vand.u32 $0x7FF, v6;
	v6 =	vld [tilespmem:s31+$0x12A00];
	(xrf1) =	vunique.msk.u32 $0xffff, v26  }
0x1ba: {  	v5 =	vshrl.u32 v22, $0xB;
	v24 =	vld.idx.msk [tilespmem:v17+s14+$0x0], $0xffff  }
0x1bb: {  	v31 =	vand.u32 $0x7FF, v5;
	v28 =	vld.idx.msk [tilespmem:v15+s15+$0x0], $0xffff  }
0x1bc: {  	(xrf1) =	vunique.msk.u32 $0xffff, v27;
	v35 =	vshrl.u32 v4, $0xB;
	v36 =	vld.idx.msk [tilespmem:v27+s18+$0x0], $0xffff  }
0x1bd: {  	v38 =	vld.idx.msk [tilespmem:v26+s17+$0x0], $0xffff;
	v5 =	vshrl.u32 v3, $0xB;
	v35 =	vand.u32 $0x7FF, v35;
	_, v37, _ =	vpop (xrf1)  }
0x1be: {  	v58 =	vld.idx.msk [tilespmem:v34+s20+$0x0], $0xffff;
	v5 =	vand.u32 $0x7FF, v5;
	(xrf1) =	vunique.msk.u32 $0xffff, v35;
	_, v39, _ =	vpop (xrf1)  }
0x1bf: {  	v32 =	vld.idx.msk [tilespmem:v23+s16+$0x0], $0xffff;
	(xrf1) =	vunique.msk.u32 $0xffff, v31;
	v24 =	vadd.s32 v39, v24  }
0x1c0: {  	v57 =	vld.idx.msk [tilespmem:v31+s19+$0x0], $0xffff;
	v24 =	vadd.s32 $0xFFFFFFFF, v24  }
0x1c1: {  	v40 =	vld.idx.msk [tilespmem:v33+s21+$0x0], $0xffff  }
0x1c2: {  	v42 =	vld.idx.msk [tilespmem:v35+s22+$0x0], $0xffff;
	v28 =	vadd.s32 v37, v28;
	(xrf1) =	vunique.msk.u32 $0xffff, v34  }
0x1c3: {  	v41 =	vld.idx.msk [tilespmem:v5+s23+$0x0], $0xffff;
	v28 =	vadd.s32 $0xFFFFFFFF, v28  }
0x1c4: {  	s28 =	simm.s32 $0x0;
	[tilespmem:v17+s14+$0x0] =	vst.idx.add.s32.msk $0xffff, v1;
	_, v59, _ =	vpop (xrf1)  }
0x1c5: {  	(xrf1) =	vunique.msk.u32 $0xffff, v33;
	v17 =	vadd.s32 v59, v32;
	[tilespmem:v24+s28+$0x0] =	vst.idx.msk $0xffff, v9  }
0x1c6: {  	v9 =	vadd.s32 $0xFFFFFFFF, v17;
	[tilespmem:v24+s12+$0x0] =	vst.idx.msk $0xffff, v30  }
0x1c7: {  	_, v60, _ =	vpop (xrf1);
	[tilespmem:v15+s15+$0x0] =	vst.idx.add.s32.msk $0xffff, v1  }
0x1c8: {  	v61 =	vadd.s32 v60, v38;
	[tilespmem:v28+s28+$0x0] =	vst.idx.msk $0xffff, v8  }
0x1c9: {  	v8 =	vadd.s32 $0xFFFFFFFF, v61;
	[tilespmem:v28+s12+$0x0] =	vst.idx.msk $0xffff, v29  }
0x1ca: {  	_, v62, _ =	vpop (xrf1);
	[tilespmem:v23+s16+$0x0] =	vst.idx.add.s32.msk $0xffff, v1  }
0x1cb: {  	(xrf1) =	vunique.msk.u32 $0xffff, v5;
	v15 =	vadd.s32 v62, v36;
	[tilespmem:v9+s28+$0x0] =	vst.idx.msk $0xffff, v11  }
0x1cc: {  	v11 =	vadd.s32 $0xFFFFFFFF, v15;
	_, v63, _ =	vpop (xrf1);
	[tilespmem:v9+s12+$0x0] =	vst.idx.msk $0xffff, v25  }
0x1cd: {  	(v2sf) =	vpush v56, $0xF;
	_, v9, _ =	vpop (xrf1);
	[tilespmem:v26+s17+$0x0] =	vst.idx.add.s32.msk $0xffff, v1  }
0x1ce: {  	v9 =	vadd.s32 v9, v57;
	[tilespmem:v8+s28+$0x0] =	vst.idx.msk $0xffff, v16  }
0x1cf: {  	v9 =	vadd.s32 $0xFFFFFFFF, v9;
	[tilespmem:v8+s12+$0x0] =	vst.idx.msk $0xffff, v18  }
0x1d0: {  	_, v8, _ =	vpop (xrf1);
	[tilespmem:v27+s18+$0x0] =	vst.idx.add.s32.msk $0xffff, v1  }
0x1d1: {  	v8 =	vadd.s32 v8, v58;
	[tilespmem:v11+s28+$0x0] =	vst.idx.msk $0xffff, v20  }
0x1d2: {  	v8 =	vadd.s32 $0xFFFFFFFF, v8;
	[tilespmem:v11+s12+$0x0] =	vst.idx.msk $0xffff, v14  }
0x1d3: {  	_, v11, _ =	vpop (xrf1);
	[tilespmem:v31+s19+$0x0] =	vst.idx.add.s32.msk $0xffff, v1  }
0x1d4: {  	v11 =	vadd.s32 v11, v40;
	[tilespmem:v9+s28+$0x0] =	vst.idx.msk $0xffff, v22  }
0x1d5: {  	v11 =	vadd.s32 $0xFFFFFFFF, v11;
	[tilespmem:v9+s12+$0x0] =	vst.idx.msk $0xffff, v13  }
0x1d6: {  	[tilespmem:v34+s20+$0x0] =	vst.idx.add.s32.msk $0xffff, v1  }
0x1d7: {  	v9 =	vadd.s32 v63, v42;
	[tilespmem:v8+s28+$0x0] =	vst.idx.msk $0xffff, v21  }
0x1d8: {  	v9 =	vadd.s32 $0xFFFFFFFF, v9;
	[tilespmem:v8+s12+$0x0] =	vst.idx.msk $0xffff, v10  }
0x1d9: {  	_, v8, _ =	vpop (xrf1);
	[tilespmem:v33+s21+$0x0] =	vst.idx.add.s32.msk $0xffff, v1  }
0x1da: {  	v8 =	vadd.s32 v8, v41;
	[tilespmem:v11+s28+$0x0] =	vst.idx.msk $0xffff, v19  }
0x1db: {  	v8 =	vadd.s32 $0xFFFFFFFF, v8;
	[tilespmem:v11+s12+$0x0] =	vst.idx.msk $0xffff, v7  }
0x1dc: {  	s30 =	simm.s32 $0x10;
	s31 =	spop (v2sf);
	[tilespmem:v35+s22+$0x0] =	vst.idx.add.s32.msk $0xffff, v1  }
.LBB2_17:
0x1dd: {  	p0 =	sne.s32 s30, $0x7C0;
	[tilespmem:v9+s28+$0x0] =	vst.idx.msk $0xffff, v4;
	s26 =	sadd.s32 $0x10, s26;
	s29 =	sadd.s32 $0x10, s29  }
0x1de: {  	s0 =	smov.u32 s30;
	s30 =	sadd.s32 $0x10, s30;
	[tilespmem:v9+s12+$0x0] =	vst.idx.msk $0xffff, v6  }
0x1df: {  	[tilespmem:v5+s23+$0x0] =	vst.idx.add.s32.msk $0xffff, v1  }
0x1e0: {  	[tilespmem:v8+s28+$0x0] =	vst.idx.msk $0xffff, v3  }
0x1e1: {  	[tilespmem:v8+s12+$0x0] =	vst.idx.msk $0xffff, v2  }
0x1e2: {  	v2 =	vld [tilespmem:s26+$0x4650]  }
0x1e3: {  	v7 =	vld [tilespmem:s26+$0x36B0]  }
0x1e4: {  	v12 =	vld [tilespmem:s29+$0x7D0]  }
0x1e5: {  	v13 =	vld [tilespmem:s29+$0x0]  }
0x1e6: {  	v8 =	vld [tilespmem:s26+$0x2EE0]  }
0x1e7: {  	v14 =	vld [tilespmem:s29+$0xFA0]  }
0x1e8: {  	v9 =	vld [tilespmem:s26+$0x2710]  }
0x1e9: {  	v3 =	vshrl.u32 v12, $0xB;
	v11 =	vld [tilespmem:s26+$0x1F40]  }
0x1ea: {  	v4 =	vshrl.u32 v13, $0xB;
	v15 =	vand.u32 $0x7FF, v3;
	v16 =	vld [tilespmem:s29+$0x1770]  }
0x1eb: {  	v17 =	vand.u32 $0x7FF, v4;
	v18 =	vld [tilespmem:s26+$0x1770];
	(xrf1) =	vunique.msk.u32 $0xffff, v15  }
0x1ec: {  	v3 =	vshrl.u32 v14, $0xB;
	v10 =	vld [tilespmem:s29+$0x36B0];
	(xrf1) =	vunique.msk.u32 $0xffff, v17  }
0x1ed: {  	v19 =	vand.u32 $0x7FF, v3;
	v20 =	vld [tilespmem:s29+$0x1F40]  }
0x1ee: {  	v21 =	vld [tilespmem:s29+$0x2EE0];
	(xrf1) =	vunique.msk.u32 $0xffff, v19  }
0x1ef: {  	s0 =	sand.u32 $0x7F0, s0;
	v3 =	vshrl.u32 v16, $0xB;
	v22 =	vld [tilespmem:s29+$0x2710]  }
0x1f0: {  	v23 =	vand.u32 $0x7FF, v3;
	v4 =	vld [tilespmem:s0+$0xDB80]  }
0x1f1: {  	v24 =	vld.idx.msk [tilespmem:v17+s14+$0x0], $0xffff;
	v5 =	vshrl.u32 v10, $0xB;
	(xrf1) =	vunique.msk.u32 $0xffff, v23  }
0x1f2: {  	v6 =	vshrl.u32 v20, $0xB;
	v3 =	vld [tilespmem:s29+$0x4650]  }
0x1f3: {  	v25 =	vld [tilespmem:s26+$0xFA0];
	v26 =	vand.u32 $0x7FF, v6;
	v6 =	vshrl.u32 v21, $0xB  }
0x1f4: {  	v27 =	vld.idx.msk [tilespmem:v15+s15+$0x0], $0xffff;
	v28 =	vshrl.u32 v22, $0xB;
	(xrf1) =	vunique.msk.u32 $0xffff, v26  }
0x1f5: {  	v29 =	vld [tilespmem:s26+$0x7D0];
	v30 =	vshrl.u32 v4, $0xB  }
0x1f6: {  	v28 =	vand.u32 $0x7FF, v28;
	v31 =	vld [tilespmem:s26+$0x0];
	v30 =	vand.u32 $0x7FF, v30  }
0x1f7: {  	v34 =	vand.u32 $0x7FF, v5;
	v33 =	vand.u32 $0x7FF, v6;
	v32 =	vld.idx.msk [tilespmem:v19+s16+$0x0], $0xffff;
	v5 =	vshrl.u32 v3, $0xB;
	(xrf1) =	vunique.msk.u32 $0xffff, v30  }
0x1f8: {  	v6 =	vld [tilespmem:s0+$0x12A00];
	v5 =	vand.u32 $0x7FF, v5;
	(xrf1) =	vunique.msk.u32 $0xffff, v28  }
0x1f9: {  	v35 =	vld.idx.msk [tilespmem:v26+s18+$0x0], $0xffff;
	_, v36, _ =	vpop (xrf1);
	(xrf1) =	vunique.msk.u32 $0xffff, v33  }
0x1fa: {  	v27 =	vadd.s32 v36, v27;
	v36 =	vld.idx.msk [tilespmem:v23+s17+$0x0], $0xffff;
	_, v37, _ =	vpop (xrf1);
	(xrf1) =	vunique.msk.u32 $0xffff, v34  }
0x1fb: {  	v24 =	vadd.s32 v37, v24;
	v27 =	vadd.s32 $0xFFFFFFFF, v27;
	v37 =	vld.idx.msk [tilespmem:v28+s19+$0x0], $0xffff;
	(xrf1) =	vunique.msk.u32 $0xffff, v5  }
0x1fc: {  	v24 =	vadd.s32 $0xFFFFFFFF, v24;
	v38 =	vld.idx.msk [tilespmem:v34+s21+$0x0], $0xffff;
	_, v39, _ =	vpop (xrf1)  }
0x1fd: {  	v32 =	vadd.s32 v39, v32;
	v39 =	vld.idx.msk [tilespmem:v5+s23+$0x0], $0xffff  }
0x1fe: {  	v32 =	vadd.s32 $0xFFFFFFFF, v32;
	v40 =	vld.idx.msk [tilespmem:v33+s20+$0x0], $0xffff  }
0x1ff: {  	v41 =	vld.idx.msk [tilespmem:v30+s22+$0x0], $0xffff;
	_, v42, _ =	vpop (xrf1)  }
0x200: {  	v36 =	vadd.s32 v42, v36;
	[tilespmem:v17+s14+$0x0] =	vst.idx.add.s32.msk $0xffff, v1  }
0x201: {  	v17 =	vadd.s32 $0xFFFFFFFF, v36;
	[tilespmem:v24+s28+$0x0] =	vst.idx.msk $0xffff, v13  }
0x202: {  	[tilespmem:v24+s12+$0x0] =	vst.idx.msk $0xffff, v31;
	_, v13, _ =	vpop (xrf1)  }
0x203: {  	v13 =	vadd.s32 v13, v35;
	[tilespmem:v15+s15+$0x0] =	vst.idx.add.s32.msk $0xffff, v1  }
0x204: {  	v13 =	vadd.s32 $0xFFFFFFFF, v13;
	[tilespmem:v27+s28+$0x0] =	vst.idx.msk $0xffff, v12  }
0x205: {  	[tilespmem:v27+s12+$0x0] =	vst.idx.msk $0xffff, v29;
	_, v12, _ =	vpop (xrf1)  }
0x206: {  	v12 =	vadd.s32 v12, v41;
	[tilespmem:v19+s16+$0x0] =	vst.idx.add.s32.msk $0xffff, v1;
	_, v15, _ =	vpop (xrf1)  }
0x207: {  	v15 =	vadd.s32 v15, v37;
	[tilespmem:v32+s28+$0x0] =	vst.idx.msk $0xffff, v14;
	_, v14, _ =	vpop (xrf1)  }
0x208: {  	v15 =	vadd.s32 $0xFFFFFFFF, v15;
	v14 =	vadd.s32 v14, v40;
	[tilespmem:v32+s12+$0x0] =	vst.idx.msk $0xffff, v25;
	_, v19, _ =	vpop (xrf1)  }
0x209: {  	v19 =	vadd.s32 v19, v38;
	[tilespmem:v23+s17+$0x0] =	vst.idx.add.s32.msk $0xffff, v1;
	_, v23, _ =	vpop (xrf1)  }
0x20a: {  	v23 =	vadd.s32 v23, v39;
	[tilespmem:v17+s28+$0x0] =	vst.idx.msk $0xffff, v16  }
0x20b: {  	v14 =	vadd.s32 $0xFFFFFFFF, v14;
	[tilespmem:v17+s12+$0x0] =	vst.idx.msk $0xffff, v18  }
0x20c: {  	[tilespmem:v26+s18+$0x0] =	vst.idx.add.s32.msk $0xffff, v1  }
0x20d: {  	[tilespmem:v13+s28+$0x0] =	vst.idx.msk $0xffff, v20  }
0x20e: {  	[tilespmem:v13+s12+$0x0] =	vst.idx.msk $0xffff, v11  }
0x20f: {  	v11 =	vadd.s32 $0xFFFFFFFF, v19;
	[tilespmem:v28+s19+$0x0] =	vst.idx.add.s32.msk $0xffff, v1  }
0x210: {  	[tilespmem:v15+s28+$0x0] =	vst.idx.msk $0xffff, v22  }
0x211: {  	[tilespmem:v15+s12+$0x0] =	vst.idx.msk $0xffff, v9  }
0x212: {  	[tilespmem:v33+s20+$0x0] =	vst.idx.add.s32.msk $0xffff, v1  }
0x213: {  	v9 =	vadd.s32 $0xFFFFFFFF, v12;
	[tilespmem:v14+s28+$0x0] =	vst.idx.msk $0xffff, v21  }
.Ltmp8:
0x214: {  	[tilespmem:v14+s12+$0x0] =	vst.idx.msk $0xffff, v8;
	(pc) =	sbr.rel @p0 .LBB2_17-.Ltmp8, $4  }
0x215: {  	[tilespmem:v34+s21+$0x0] =	vst.idx.add.s32.msk $0xffff, v1  }
0x216: {  	v8 =	vadd.s32 $0xFFFFFFFF, v23;
	[tilespmem:v11+s28+$0x0] =	vst.idx.msk $0xffff, v10  }
0x217: {  	[tilespmem:v11+s12+$0x0] =	vst.idx.msk $0xffff, v7  }
0x218: {  	[tilespmem:v30+s22+$0x0] =	vst.idx.add.s32.msk $0xffff, v1  }
0x219: {  	_ =	sdelay $0x3  }
0x21a: {  	[tilespmem:v9+s28+$0x0] =	vst.idx.msk $0xffff, v4  }
0x21b: {  	[tilespmem:v9+s12+$0x0] =	vst.idx.msk $0xffff, v6  }
0x21c: {  	[tilespmem:v5+s23+$0x0] =	vst.idx.add.s32.msk $0xffff, v1  }
0x21d: {  	[tilespmem:v8+s28+$0x0] =	vst.idx.msk $0xffff, v3  }
0x21e: {  	s26 =	simm.s32 $0x0;
	s29 =	simm.s32 $0x40;
	[tilespmem:v8+s12+$0x0] =	vst.idx.msk $0xffff, v2  }
.LBB2_19:
0x21f: {  	p0 =	sne.s32 s29, $0x1FC0;
	[tilespmem:s26+$0x1D080] =	vst v0  }
0x220: {  	[tilespmem:s26+$0x18880] =	vst v0  }
0x221: {  	[tilespmem:s26+$0x19080] =	vst v0  }
0x222: {  	[tilespmem:s26+$0x19880] =	vst v0  }
0x223: {  	[tilespmem:s26+$0x1A080] =	vst v0  }
.Ltmp9:
0x224: {  	[tilespmem:s26+$0x1A880] =	vst v0;
	(pc) =	sbr.rel @p0 .LBB2_19-.Ltmp9, $4  }
0x225: {  	[tilespmem:s26+$0x1B080] =	vst v0  }
0x226: {  	[tilespmem:s26+$0x1B880] =	vst v0  }
0x227: {  	[tilespmem:s26+$0x1C080] =	vst v0  }
0x228: {  	[tilespmem:s26+$0x1C880] =	vst v0;
	s26 =	sshra.s32 s29, $0x2;
	s29 =	sadd.s32 $0x40, s29  }
0x229: {  	[tilespmem:s26+$0x1D080] =	vst v0  }
0x22a: {  	[tilespmem:s26+$0x18880] =	vst v0  }
0x22b: {  	[tilespmem:s26+$0x19080] =	vst v0  }
0x22c: {  	[tilespmem:s26+$0x19880] =	vst v0  }
0x22d: {  	[tilespmem:s26+$0x1A080] =	vst v0  }
0x22e: {  	[tilespmem:s26+$0x1A880] =	vst v0  }
0x22f: {  	[tilespmem:s26+$0x1B080] =	vst v0  }
0x230: {  	[tilespmem:s26+$0x1B880] =	vst v0  }
0x231: {  	[tilespmem:s26+$0x1C080] =	vst v0  }
0x232: {  	[tilespmem:s26+$0x1C880] =	vst v0  }
0x233: {  	v2 =	vld [tilespmem:s28+$0x0]  }
0x234: {  	v3 =	vld [tilespmem:s28+$0x7D0]  }
0x235: {  	v4 =	vld [tilespmem:s28+$0xFA0]  }
0x236: {  	v5 =	vld [tilespmem:s28+$0x1770]  }
0x237: {  	v6 =	vld [tilespmem:s28+$0x1F40]  }
0x238: {  	v7 =	vld [tilespmem:s28+$0x2710];
	v2 =	vshrl.u32 v2, $0x16  }
0x239: {  	v8 =	vld [tilespmem:s28+$0x2EE0];
	v3 =	vshrl.u32 v3, $0x16  }
0x23a: {  	s0 =	sand.u32 $0x7F0, s28;
	v9 =	vld [tilespmem:s28+$0x36B0];
	v4 =	vshrl.u32 v4, $0x16  }
0x23b: {  	v10 =	vld [tilespmem:s0+$0x3E80];
	v5 =	vshrl.u32 v5, $0x16  }
0x23c: {  	v11 =	vld [tilespmem:s28+$0x4650];
	v6 =	vshrl.u32 v6, $0x16  }
0x23d: {  	v7 =	vshrl.u32 v7, $0x16;
	[tilespmem:v2+s14+$0x0] =	vst.idx.add.s32.msk $0xffff, v1  }
0x23e: {  	v2 =	vshrl.u32 v8, $0x16;
	[tilespmem:v3+s15+$0x0] =	vst.idx.add.s32.msk $0xffff, v1  }
0x23f: {  	[tilespmem:v4+s16+$0x0] =	vst.idx.add.s32.msk $0xffff, v1  }
0x240: {  	v3 =	vshrl.u32 v9, $0x16;
	[tilespmem:v5+s17+$0x0] =	vst.idx.add.s32.msk $0xffff, v1  }
0x241: {  	v63 =	vshrl.u32 v10, $0x16;
	[tilespmem:v6+s18+$0x0] =	vst.idx.add.s32.msk $0xffff, v1  }
0x242: {  	[tilespmem:v7+s19+$0x0] =	vst.idx.add.s32.msk $0xffff, v1  }
0x243: {  	[tilespmem:v2+s20+$0x0] =	vst.idx.add.s32.msk $0xffff, v1;
	v2 =	vshrl.u32 v11, $0x16;
	_ =	sdelay $0x1  }
0x244: {  	[tilespmem:v3+s21+$0x0] =	vst.idx.add.s32.msk $0xffff, v1  }
0x245: {  	s29 =	simm.s32 $0x10;
	[tilespmem:v63+s22+$0x0] =	vst.idx.add.s32.msk $0xffff, v1  }
.LBB2_21:
0x246: {  	p0 =	sne.s32 s29, $0x7C0  }
0x247: {  	[tilespmem:v2+s23+$0x0] =	vst.idx.add.s32.msk $0xffff, v1;
	s28 =	sadd.s32 $0x10, s28;
	s0 =	smov.u32 s29;
	s29 =	sadd.s32 $0x10, s29  }
0x248: {  	v2 =	vld [tilespmem:s28+$0x0]  }
0x249: {  	v3 =	vld [tilespmem:s28+$0x7D0]  }
0x24a: {  	v4 =	vld [tilespmem:s28+$0xFA0]  }
0x24b: {  	v5 =	vld [tilespmem:s28+$0x1770]  }
0x24c: {  	v6 =	vld [tilespmem:s28+$0x1F40]  }
0x24d: {  	v2 =	vshrl.u32 v2, $0x16;
	v7 =	vld [tilespmem:s28+$0x2710]  }
0x24e: {  	v3 =	vshrl.u32 v3, $0x16;
	v8 =	vld [tilespmem:s28+$0x2EE0]  }
0x24f: {  	s0 =	sand.u32 $0x7F0, s0;
	v4 =	vshrl.u32 v4, $0x16;
	v9 =	vld [tilespmem:s28+$0x36B0]  }
0x250: {  	v5 =	vshrl.u32 v5, $0x16;
	v10 =	vld [tilespmem:s0+$0x3E80]  }
0x251: {  	v6 =	vshrl.u32 v6, $0x16;
	v11 =	vld [tilespmem:s28+$0x4650]  }
0x252: {  	v7 =	vshrl.u32 v7, $0x16;
	[tilespmem:v2+s14+$0x0] =	vst.idx.add.s32.msk $0xffff, v1  }
0x253: {  	v8 =	vshrl.u32 v8, $0x16;
	[tilespmem:v3+s15+$0x0] =	vst.idx.add.s32.msk $0xffff, v1  }
0x254: {  	v3 =	vshrl.u32 v9, $0x16;
	[tilespmem:v4+s16+$0x0] =	vst.idx.add.s32.msk $0xffff, v1  }
0x255: {  	v4 =	vshrl.u32 v10, $0x16;
	[tilespmem:v5+s17+$0x0] =	vst.idx.add.s32.msk $0xffff, v1  }
.Ltmp10:
0x256: {  	v2 =	vshrl.u32 v11, $0x16;
	[tilespmem:v6+s18+$0x0] =	vst.idx.add.s32.msk $0xffff, v1;
	(pc) =	sbr.rel @p0 .LBB2_21-.Ltmp10, $4  }
0x257: {  	[tilespmem:v7+s19+$0x0] =	vst.idx.add.s32.msk $0xffff, v1  }
0x258: {  	[tilespmem:v8+s20+$0x0] =	vst.idx.add.s32.msk $0xffff, v1  }
0x259: {  	[tilespmem:v3+s21+$0x0] =	vst.idx.add.s32.msk $0xffff, v1  }
0x25a: {  	s26 =	simm.s32 $0x0;
	[tilespmem:v4+s22+$0x0] =	vst.idx.add.s32.msk $0xffff, v1  }
0x25b: {  	_ =	sdelay $0x3  }
0x25c: {  	[tilespmem:v2+s23+$0x0] =	vst.idx.add.s32.msk $0xffff, v1;
	s0 =	simm.s32 $0x0  }
0x25d: {  	v2 =	vld [tilespmem:s0+$0x18880]  }
0x25e: {  	v3 =	vld [tilespmem:s0+$0x19080]  }
0x25f: {  	v4 =	vld [tilespmem:s0+$0x19880]  }
0x260: {  	v5 =	vld [tilespmem:s0+$0x1A080]  }
0x261: {  	v6 =	vld [tilespmem:s0+$0x1A880]  }
0x262: {  	v7 =	vld [tilespmem:s0+$0x1B080]  }
0x263: {  	v8 =	vld [tilespmem:s0+$0x1B880];
	v9 =	vadd.s32 v2, v3  }
0x264: {  	v10 =	vld [tilespmem:s0+$0x1C080];
	v9 =	vadd.s32 v4, v9  }
0x265: {  	v11 =	vld [tilespmem:s0+$0x1C880];
	v9 =	vadd.s32 v5, v9  }
0x266: {  	v12 =	vld [tilespmem:s0+$0x1D080];
	v9 =	vadd.s32 v6, v9  }
0x267: {  	v9 =	vadd.s32 v7, v9  }
0x268: {  	v9 =	vadd.s32 v8, v9  }
0x269: {  	v9 =	vadd.s32 v10, v9  }
0x26a: {  	v9 =	vadd.s32 v11, v9  }
0x26b: {  	v9 =	vadd.s32 v12, v9  }
0x26c: {  	(xrf0) =	vadd.scan.msk.s32 $0xffff, v9;
	_ =	sdelay $0x5  }
0x26d: {  	v12, _, _ =	vpop (xrf0)  }
0x26e: {  	v9 =	vsub.s32 v12, v9  }
0x26f: {  	(v2sf) =	vpush v12, $0xF;
	v9 =	vadd.s32 s26, v9  }
0x270: {  	s28 =	simm.s32 $0x10;
	[tilespmem:s0+$0x18880] =	vst v9;
	v9 =	vadd.s32 v2, v9  }
0x271: {  	v2 =	vld [tilespmem:s28+$0x18880];
	[tilespmem:s0+$0x19080] =	vst v9;
	v9 =	vadd.s32 v3, v9  }
0x272: {  	v3 =	vld [tilespmem:s28+$0x19080];
	[tilespmem:s0+$0x19880] =	vst v9;
	v9 =	vadd.s32 v4, v9  }
0x273: {  	v4 =	vld [tilespmem:s28+$0x19880];
	[tilespmem:s0+$0x1A080] =	vst v9;
	v9 =	vadd.s32 v5, v9  }
0x274: {  	v5 =	vld [tilespmem:s28+$0x1A080];
	[tilespmem:s0+$0x1A880] =	vst v9;
	v9 =	vadd.s32 v6, v9  }
0x275: {  	v6 =	vld [tilespmem:s28+$0x1A880];
	[tilespmem:s0+$0x1B080] =	vst v9;
	v9 =	vadd.s32 v7, v9  }
0x276: {  	v7 =	vld [tilespmem:s28+$0x1B080];
	[tilespmem:s0+$0x1B880] =	vst v9  }
0x277: {  	v9 =	vadd.s32 v8, v9;
	v8 =	vld [tilespmem:s28+$0x1B880];
	v13 =	vadd.s32 v2, v3  }
0x278: {  	[tilespmem:s0+$0x1C080] =	vst v9;
	v10 =	vadd.s32 v10, v9;
	v13 =	vadd.s32 v4, v13  }
0x279: {  	v9 =	vld [tilespmem:s28+$0x1C080];
	[tilespmem:s0+$0x1C880] =	vst v10;
	v11 =	vadd.s32 v11, v10;
	v13 =	vadd.s32 v5, v13  }
0x27a: {  	v10 =	vld [tilespmem:s28+$0x1C880];
	[tilespmem:s0+$0x1D080] =	vst v11;
	v13 =	vadd.s32 v6, v13  }
0x27b: {  	v11 =	vld [tilespmem:s28+$0x1D080];
	v13 =	vadd.s32 v7, v13  }
0x27c: {  	s30 =	simm.s32 $0x80;
	s29 =	simm.s32 $0x0;
	v12 =	vadd.s32 v8, v13  }
.LBB2_23:
0x27d: {  	p0 =	sne.s32 s30, $0x1FC0  }
0x27e: {  	v12 =	vadd.s32 v9, v12;
	s0 =	spop (v2sf);
	s31 =	smov.u32 s30;
	s30 =	sadd.s32 $0x40, s30  }
0x27f: {  	v12 =	vadd.s32 v10, v12;
	s29 =	sadd.s32 s29, s0  }
0x280: {  	v11 =	vadd.s32 v11, v12  }
0x281: {  	(xrf0) =	vadd.scan.msk.s32 $0xffff, v11;
	_ =	sdelay $0x5  }
0x282: {  	v12, _, _ =	vpop (xrf0)  }
0x283: {  	v11 =	vsub.s32 v12, v11;
	(v2sf) =	vpush v12, $0xF  }
0x284: {  	v11 =	vadd.s32 s29, v11  }
0x285: {  	s0 =	sshra.s32 s31, $0x2;
	[tilespmem:s28+$0x18880] =	vst v11;
	v11 =	vadd.s32 v2, v11  }
0x286: {  	v2 =	vld [tilespmem:s0+$0x18880];
	[tilespmem:s28+$0x19080] =	vst v11;
	v11 =	vadd.s32 v3, v11  }
0x287: {  	v3 =	vld [tilespmem:s0+$0x19080];
	[tilespmem:s28+$0x19880] =	vst v11;
	v11 =	vadd.s32 v4, v11  }
0x288: {  	v4 =	vld [tilespmem:s0+$0x19880];
	[tilespmem:s28+$0x1A080] =	vst v11;
	v11 =	vadd.s32 v5, v11  }
0x289: {  	v5 =	vld [tilespmem:s0+$0x1A080];
	[tilespmem:s28+$0x1A880] =	vst v11;
	v11 =	vadd.s32 v6, v11  }
0x28a: {  	v6 =	vld [tilespmem:s0+$0x1A880];
	[tilespmem:s28+$0x1B080] =	vst v11;
	v11 =	vadd.s32 v7, v11  }
0x28b: {  	v7 =	vld [tilespmem:s0+$0x1B080];
	[tilespmem:s28+$0x1B880] =	vst v11;
	v11 =	vadd.s32 v8, v11  }
0x28c: {  	v8 =	vld [tilespmem:s0+$0x1B880];
	v12 =	vadd.s32 v2, v3;
	[tilespmem:s28+$0x1C080] =	vst v11;
	v11 =	vadd.s32 v9, v11  }
.Ltmp11:
0x28d: {  	v9 =	vld [tilespmem:s0+$0x1C080];
	v12 =	vadd.s32 v4, v12;
	[tilespmem:s28+$0x1C880] =	vst v11;
	v11 =	vadd.s32 v10, v11;
	(pc) =	sbr.rel @p0 .LBB2_23-.Ltmp11, $4  }
0x28e: {  	v10 =	vld [tilespmem:s0+$0x1C880];
	v12 =	vadd.s32 v5, v12;
	[tilespmem:s28+$0x1D080] =	vst v11;
	s28 =	smov.u32 s0  }
0x28f: {  	v11 =	vld [tilespmem:s28+$0x1D080];
	v12 =	vadd.s32 v6, v12  }
0x290: {  	v12 =	vadd.s32 v7, v12  }
0x291: {  	v12 =	vadd.s32 v8, v12  }
0x292: {  	v12 =	vadd.s32 v9, v12  }
0x293: {  	v12 =	vadd.s32 v10, v12  }
0x294: {  	v11 =	vadd.s32 v11, v12  }
0x295: {  	(xrf0) =	vadd.scan.msk.s32 $0xffff, v11;
	_ =	sdelay $0x5  }
0x296: {  	s0 =	spop (v2sf);
	v52, _, _ =	vpop (xrf0)  }
0x297: {  	s0 =	sadd.s32 s29, s0;
	v11 =	vsub.s32 v52, v11  }
0x298: {  	v11 =	vadd.s32 s0, v11  }
0x299: {  	[tilespmem:s28+$0x18880] =	vst v11;
	v2 =	vadd.s32 v2, v11  }
0x29a: {  	[tilespmem:s28+$0x19080] =	vst v2;
	v2 =	vadd.s32 v3, v2  }
0x29b: {  	[tilespmem:s28+$0x19880] =	vst v2;
	v2 =	vadd.s32 v4, v2  }
0x29c: {  	[tilespmem:s28+$0x1A080] =	vst v2;
	v2 =	vadd.s32 v5, v2  }
0x29d: {  	[tilespmem:s28+$0x1A880] =	vst v2;
	v2 =	vadd.s32 v6, v2  }
0x29e: {  	[tilespmem:s28+$0x1B080] =	vst v2;
	v2 =	vadd.s32 v7, v2  }
0x29f: {  	[tilespmem:s28+$0x1B880] =	vst v2;
	v2 =	vadd.s32 v8, v2  }
0x2a0: {  	[tilespmem:s28+$0x1C080] =	vst v2;
	v2 =	vadd.s32 v9, v2  }
0x2a1: {  	[tilespmem:s28+$0x1C880] =	vst v2;
	v2 =	vadd.s32 v10, v2  }
0x2a2: {  	[tilespmem:s28+$0x1D080] =	vst v2;
	s28 =	simm.s32 $0x4E80  }
0x2a3: {  	v6 =	vld [tilespmem:s28+$0x1770]  }
0x2a4: {  	v2 =	vld [tilespmem:s28+$0x4650]  }
0x2a5: {  	v4 =	vld [tilespmem:s26+$0x4650]  }
0x2a6: {  	v5 =	vld [tilespmem:s26+$0x2EE0]  }
0x2a7: {  	v8 =	vld [tilespmem:s28+$0x2710]  }
0x2a8: {  	v7 =	vld [tilespmem:s26+$0x1770]  }
0x2a9: {  	v9 =	vld [tilespmem:s28+$0x36B0]  }
0x2aa: {  	v10 =	vld [tilespmem:s28+$0x1F40]  }
0x2ab: {  	v11 =	vld [tilespmem:s28+$0xFA0]  }
0x2ac: {  	v13 =	vld [tilespmem:s26+$0x0]  }
0x2ad: {  	v14 =	vld [tilespmem:s26+$0x2710]  }
0x2ae: {  	v16 =	vld [tilespmem:s26+$0x7D0]  }
0x2af: {  	v19 =	vld [tilespmem:s26+$0x36B0]  }
0x2b0: {  	v20 =	vld [tilespmem:s28+$0x2EE0]  }
0x2b1: {  	v21 =	vld [tilespmem:s26+$0xFA0]  }
0x2b2: {  	v24 =	vld [tilespmem:s26+$0x1F40];
	v3 =	vshrl.u32 v2, $0x2  }
0x2b3: {  	v25 =	vld [tilespmem:s28+$0x0];
	v15 =	vshrl.u32 v9, $0x2  }
0x2b4: {  	s30 =	sand.u32 $0x7F0, s26;
	v28 =	vld [tilespmem:s28+$0x7D0];
	v17 =	vshrl.u32 v10, $0x2  }
0x2b5: {  	v30 =	vld [tilespmem:s30+$0x8D00];
	v18 =	vshrl.u32 v11, $0x2  }
0x2b6: {  	v31 =	vld [tilespmem:s30+$0x3E80];
	v13 =	vshrl.u32 v13, $0x16  }
0x2b7: {  	v16 =	vshrl.u32 v16, $0x16;
	(xrf1) =	vunique.msk.u32 $0xffff, v13;
	v3 =	vld.idx.msk [tilespmem:v3+s13+$0x0], $0xffff  }
0x2b8: {  	v23 =	vshrl.u32 v20, $0x2;
	v15 =	vld.idx.msk [tilespmem:v15+s13+$0x0], $0xffff  }
0x2b9: {  	v27 =	vshrl.u32 v8, $0x2;
	v17 =	vld.idx.msk [tilespmem:v17+s13+$0x0], $0xffff  }
0x2ba: {  	v21 =	vshrl.u32 v21, $0x16;
	(xrf1) =	vunique.msk.u32 $0xffff, v16;
	v18 =	vld.idx.msk [tilespmem:v18+s13+$0x0], $0xffff  }
0x2bb: {  	v29 =	vshrl.u32 v7, $0x16;
	v22 =	vld.idx.msk [tilespmem:v13+s14+$0x0], $0xffff  }
0x2bc: {  	v24 =	vshrl.u32 v24, $0x16;
	v26 =	vld.idx.msk [tilespmem:v16+s15+$0x0], $0xffff  }
0x2bd: {  	v7 =	vshrl.u32 v25, $0x2;
	(xrf1) =	vunique.msk.u32 $0xffff, v21;
	v23 =	vld.idx.msk [tilespmem:v23+s13+$0x0], $0xffff  }
0x2be: {  	v32 =	vshrl.u32 v6, $0x2;
	v27 =	vld.idx.msk [tilespmem:v27+s13+$0x0], $0xffff  }
0x2bf: {  	v33 =	vshrl.u32 v28, $0x2;
	v34 =	vld.idx.msk [tilespmem:v21+s16+$0x0], $0xffff  }
0x2c0: {  	v14 =	vshrl.u32 v14, $0x16;
	(xrf1) =	vunique.msk.u32 $0xffff, v29;
	v35 =	vld.idx.msk [tilespmem:v29+s17+$0x0], $0xffff  }
0x2c1: {  	v36 =	vshrl.u32 v5, $0x16;
	v37 =	vld.idx.msk [tilespmem:v24+s18+$0x0], $0xffff  }
0x2c2: {  	v4 =	vshrl.u32 v4, $0x16;
	v39 =	vld.idx.msk [tilespmem:v7+s13+$0x0], $0xffff  }
0x2c3: {  	v19 =	vshrl.u32 v19, $0x16;
	(xrf1) =	vunique.msk.u32 $0xffff, v24;
	v32 =	vld.idx.msk [tilespmem:v32+s13+$0x0], $0xffff  }
0x2c4: {  	v5 =	vshrl.u32 v31, $0x16;
	v33 =	vld.idx.msk [tilespmem:v33+s13+$0x0], $0xffff  }
0x2c5: {  	v38 =	vshrl.u32 v30, $0x2;
	v53 =	vld.idx.msk [tilespmem:v14+s19+$0x0], $0xffff;
	_, v7, _ =	vpop (xrf1);
	(xrf1) =	vunique.msk.u32 $0xffff, v36  }
0x2c6: {  	v54 =	vld.idx.msk [tilespmem:v36+s20+$0x0], $0xffff;
	v7 =	vadd.s32 v7, v22;
	(xrf1) =	vunique.msk.u32 $0xffff, v14  }
0x2c7: {  	v41 =	vld.idx.msk [tilespmem:v4+s23+$0x0], $0xffff;
	v40 =	vadd.s32 $0xFFFFFFFF, v7  }
0x2c8: {  	v56 =	vld.idx.msk [tilespmem:v19+s21+$0x0], $0xffff;
	_, v55, _ =	vpop (xrf1)  }
0x2c9: {  	v42 =	vld.idx.msk [tilespmem:v5+s22+$0x0], $0xffff;
	v26 =	vadd.s32 v55, v26  }
0x2ca: {  	v7 =	vld.idx.msk [tilespmem:v38+s13+$0x0], $0xffff;
	v26 =	vadd.s32 $0xFFFFFFFF, v26  }
0x2cb: {  	v25 =	vand.u32 $0x3, v25;
	(xrf1) =	vunique.msk.u32 $0xffff, v5;
	[tilespmem:v13+s14+$0x0] =	vst.idx.add.s32.msk $0xffff, v1;
	_, v57, _ =	vpop (xrf1)  }
0x2cc: {  	v13 =	vadd.s32 v57, v34;
	(xrf1) =	vunique.msk.u32 $0xffff, v19;
	[tilespmem:v40+s24+$0x0] =	vst.idx.msk $0xffff, v25  }
0x2cd: {  	v13 =	vadd.s32 $0xFFFFFFFF, v13;
	[tilespmem:v40+s25+$0x0] =	vst.idx.msk $0xffff, v39  }
0x2ce: {  	v28 =	vand.u32 $0x3, v28;
	_, v58, _ =	vpop (xrf1);
	[tilespmem:v16+s15+$0x0] =	vst.idx.add.s32.msk $0xffff, v1  }
0x2cf: {  	v59 =	vadd.s32 v58, v35;
	[tilespmem:v26+s24+$0x0] =	vst.idx.msk $0xffff, v28  }
0x2d0: {  	v16 =	vadd.s32 $0xFFFFFFFF, v59;
	[tilespmem:v26+s25+$0x0] =	vst.idx.msk $0xffff, v33  }
0x2d1: {  	v11 =	vand.u32 $0x3, v11;
	_, v60, _ =	vpop (xrf1);
	[tilespmem:v21+s16+$0x0] =	vst.idx.add.s32.msk $0xffff, v1  }
0x2d2: {  	v61 =	vadd.s32 v60, v37;
	[tilespmem:v13+s24+$0x0] =	vst.idx.msk $0xffff, v11  }
0x2d3: {  	v11 =	vadd.s32 $0xFFFFFFFF, v61;
	_, v62, _ =	vpop (xrf1);
	[tilespmem:v13+s25+$0x0] =	vst.idx.msk $0xffff, v18  }
0x2d4: {  	v6 =	vand.u32 $0x3, v6;
	(xrf1) =	vunique.msk.u32 $0xffff, v4;
	_, v63, _ =	vpop (xrf1);
	[tilespmem:v29+s17+$0x0] =	vst.idx.add.s32.msk $0xffff, v1  }
0x2d5: {  	(v2sf) =	vpush v52, $0xF;
	v10 =	vand.u32 $0x3, v10;
	v13 =	vadd.s32 v63, v53;
	[tilespmem:v16+s24+$0x0] =	vst.idx.msk $0xffff, v6  }
0x2d6: {  	v6 =	vadd.s32 $0xFFFFFFFF, v13;
	[tilespmem:v16+s25+$0x0] =	vst.idx.msk $0xffff, v32  }
0x2d7: {  	[tilespmem:v24+s18+$0x0] =	vst.idx.add.s32.msk $0xffff, v1  }
0x2d8: {  	v12 =	vadd.s32 v62, v54;
	[tilespmem:v11+s24+$0x0] =	vst.idx.msk $0xffff, v10  }
0x2d9: {  	v12 =	vadd.s32 $0xFFFFFFFF, v12;
	_, v10, _ =	vpop (xrf1);
	[tilespmem:v11+s25+$0x0] =	vst.idx.msk $0xffff, v17  }
0x2da: {  	v8 =	vand.u32 $0x3, v8;
	_, v11, _ =	vpop (xrf1);
	[tilespmem:v14+s19+$0x0] =	vst.idx.add.s32.msk $0xffff, v1  }
0x2db: {  	v11 =	vadd.s32 v11, v56;
	[tilespmem:v6+s24+$0x0] =	vst.idx.msk $0xffff, v8  }
0x2dc: {  	v11 =	vadd.s32 $0xFFFFFFFF, v11;
	[tilespmem:v6+s25+$0x0] =	vst.idx.msk $0xffff, v27  }
0x2dd: {  	v6 =	vand.u32 $0x3, v20;
	[tilespmem:v36+s20+$0x0] =	vst.idx.add.s32.msk $0xffff, v1  }
0x2de: {  	[tilespmem:v12+s24+$0x0] =	vst.idx.msk $0xffff, v6  }
0x2df: {  	[tilespmem:v12+s25+$0x0] =	vst.idx.msk $0xffff, v23  }
0x2e0: {  	v8 =	vand.u32 $0x3, v9;
	v9 =	vadd.s32 v10, v42;
	[tilespmem:v19+s21+$0x0] =	vst.idx.add.s32.msk $0xffff, v1  }
0x2e1: {  	[tilespmem:v11+s24+$0x0] =	vst.idx.msk $0xffff, v8;
	v8 =	vadd.s32 $0xFFFFFFFF, v9  }
0x2e2: {  	_, v6, _ =	vpop (xrf1)  }
0x2e3: {  	v6 =	vadd.s32 v6, v41  }
0x2e4: {  	s29 =	simm.s32 $0x10;
	s31 =	spop (v2sf);
	v9 =	vand.u32 $0x3, v30;
	v6 =	vadd.s32 $0xFFFFFFFF, v6;
	[tilespmem:v11+s25+$0x0] =	vst.idx.msk $0xffff, v15  }
.LBB2_25:
0x2e5: {  	p0 =	sne.s32 s29, $0x7C0;
	[tilespmem:v5+s22+$0x0] =	vst.idx.add.s32.msk $0xffff, v1;
	s28 =	sadd.s32 $0x10, s28;
	s26 =	sadd.s32 $0x10, s26  }
0x2e6: {  	s30 =	smov.u32 s29;
	s29 =	sadd.s32 $0x10, s29;
	[tilespmem:v8+s24+$0x0] =	vst.idx.msk $0xffff, v9  }
0x2e7: {  	v2 =	vand.u32 $0x3, v2;
	[tilespmem:v8+s25+$0x0] =	vst.idx.msk $0xffff, v7  }
0x2e8: {  	[tilespmem:v4+s23+$0x0] =	vst.idx.add.s32.msk $0xffff, v1  }
0x2e9: {  	[tilespmem:v6+s24+$0x0] =	vst.idx.msk $0xffff, v2  }
0x2ea: {  	[tilespmem:v6+s25+$0x0] =	vst.idx.msk $0xffff, v3  }
0x2eb: {  	v12 =	vld [tilespmem:s28+$0x1770]  }
0x2ec: {  	v2 =	vld [tilespmem:s28+$0x4650]  }
0x2ed: {  	v4 =	vld [tilespmem:s26+$0x4650]  }
0x2ee: {  	v5 =	vld [tilespmem:s26+$0x2EE0]  }
0x2ef: {  	v8 =	vld [tilespmem:s28+$0x2710]  }
0x2f0: {  	v7 =	vld [tilespmem:s26+$0x1770]  }
0x2f1: {  	v6 =	vld [tilespmem:s28+$0x36B0];
	v3 =	vshrl.u32 v2, $0x2  }
0x2f2: {  	v10 =	vld [tilespmem:s28+$0x1F40]  }
0x2f3: {  	v15 =	vld [tilespmem:s28+$0xFA0]  }
0x2f4: {  	v9 =	vld [tilespmem:s26+$0x0]  }
0x2f5: {  	v16 =	vld [tilespmem:s26+$0x2710]  }
0x2f6: {  	v13 =	vshrl.u32 v6, $0x2;
	v3 =	vld.idx.msk [tilespmem:v3+s13+$0x0], $0xffff  }
0x2f7: {  	v14 =	vld [tilespmem:s26+$0x7D0];
	v17 =	vshrl.u32 v10, $0x2  }
0x2f8: {  	v18 =	vshrl.u32 v15, $0x2;
	v19 =	vld [tilespmem:s26+$0x36B0]  }
0x2f9: {  	v20 =	vshrl.u32 v9, $0x16;
	v11 =	vld [tilespmem:s28+$0x2EE0]  }
0x2fa: {  	v21 =	vld [tilespmem:s26+$0xFA0];
	(xrf1) =	vunique.msk.u32 $0xffff, v20  }
0x2fb: {  	v9 =	vld.idx.msk [tilespmem:v13+s13+$0x0], $0xffff  }
0x2fc: {  	v22 =	vshrl.u32 v14, $0x16;
	v13 =	vld.idx.msk [tilespmem:v17+s13+$0x0], $0xffff  }
0x2fd: {  	v17 =	vld.idx.msk [tilespmem:v18+s13+$0x0], $0xffff;
	(xrf1) =	vunique.msk.u32 $0xffff, v22  }
0x2fe: {  	v18 =	vld.idx.msk [tilespmem:v20+s14+$0x0], $0xffff;
	v14 =	vshrl.u32 v11, $0x2  }
0x2ff: {  	v21 =	vshrl.u32 v21, $0x16;
	v23 =	vld [tilespmem:s26+$0x1F40]  }
0x300: {  	v24 =	vld [tilespmem:s28+$0x0];
	(xrf1) =	vunique.msk.u32 $0xffff, v21  }
0x301: {  	v26 =	vshrl.u32 v8, $0x2;
	v25 =	vld.idx.msk [tilespmem:v22+s15+$0x0], $0xffff  }
0x302: {  	s0 =	sand.u32 $0x7F0, s30;
	v28 =	vshrl.u32 v7, $0x16;
	v27 =	vld [tilespmem:s28+$0x7D0]  }
0x303: {  	v29 =	vld.idx.msk [tilespmem:v14+s13+$0x0], $0xffff;
	(xrf1) =	vunique.msk.u32 $0xffff, v28  }
0x304: {  	v23 =	vshrl.u32 v23, $0x16;
	v14 =	vld [tilespmem:s0+$0x8D00]  }
0x305: {  	v7 =	vshrl.u32 v24, $0x2;
	v30 =	vld [tilespmem:s0+$0x3E80];
	(xrf1) =	vunique.msk.u32 $0xffff, v23  }
0x306: {  	v31 =	vshrl.u32 v12, $0x2;
	v26 =	vld.idx.msk [tilespmem:v26+s13+$0x0], $0xffff  }
0x307: {  	v32 =	vshrl.u32 v27, $0x2;
	v33 =	vld.idx.msk [tilespmem:v21+s16+$0x0], $0xffff  }
0x308: {  	v35 =	vshrl.u32 v5, $0x16;
	v16 =	vshrl.u32 v16, $0x16;
	v34 =	vld.idx.msk [tilespmem:v28+s17+$0x0], $0xffff;
	_, v5, _ =	vpop (xrf1)  }
0x309: {  	v5 =	vadd.s32 v5, v18;
	v18 =	vld.idx.msk [tilespmem:v23+s18+$0x0], $0xffff;
	v36 =	vshrl.u32 v14, $0x2;
	(xrf1) =	vunique.msk.u32 $0xffff, v35  }
0x30a: {  	v37 =	vadd.s32 $0xFFFFFFFF, v5;
	v38 =	vld.idx.msk [tilespmem:v7+s13+$0x0], $0xffff;
	(xrf1) =	vunique.msk.u32 $0xffff, v16  }
0x30b: {  	v4 =	vshrl.u32 v4, $0x16;
	v19 =	vshrl.u32 v19, $0x16;
	v5 =	vshrl.u32 v30, $0x16;
	v31 =	vld.idx.msk [tilespmem:v31+s13+$0x0], $0xffff;
	_, v7, _ =	vpop (xrf1)  }
0x30c: {  	v40 =	vadd.s32 v7, v25;
	v25 =	vld.idx.msk [tilespmem:v32+s13+$0x0], $0xffff;
	(xrf1) =	vunique.msk.u32 $0xffff, v5  }
0x30d: {  	v30 =	vadd.s32 $0xFFFFFFFF, v40;
	v32 =	vld.idx.msk [tilespmem:v16+s19+$0x0], $0xffff;
	(xrf1) =	vunique.msk.u32 $0xffff, v19  }
0x30e: {  	v39 =	vld.idx.msk [tilespmem:v35+s20+$0x0], $0xffff;
	_, v7, _ =	vpop (xrf1);
	(xrf1) =	vunique.msk.u32 $0xffff, v4  }
0x30f: {  	v33 =	vadd.s32 v7, v33;
	v7 =	vld.idx.msk [tilespmem:v36+s13+$0x0], $0xffff  }
0x310: {  	v24 =	vand.u32 $0x3, v24;
	v33 =	vadd.s32 $0xFFFFFFFF, v33;
	v36 =	vld.idx.msk [tilespmem:v4+s23+$0x0], $0xffff  }
0x311: {  	v40 =	vld.idx.msk [tilespmem:v19+s21+$0x0], $0xffff;
	_, v41, _ =	vpop (xrf1)  }
0x312: {  	v34 =	vadd.s32 v41, v34;
	v41 =	vld.idx.msk [tilespmem:v5+s22+$0x0], $0xffff  }
0x313: {  	v34 =	vadd.s32 $0xFFFFFFFF, v34;
	[tilespmem:v20+s14+$0x0] =	vst.idx.add.s32.msk $0xffff, v1;
	_, v20, _ =	vpop (xrf1)  }
0x314: {  	v18 =	vadd.s32 v20, v18;
	[tilespmem:v37+s24+$0x0] =	vst.idx.msk $0xffff, v24;
	v24 =	vand.u32 $0x3, v27  }
0x315: {  	[tilespmem:v37+s25+$0x0] =	vst.idx.msk $0xffff, v38  }
0x316: {  	v18 =	vadd.s32 $0xFFFFFFFF, v18;
	[tilespmem:v22+s15+$0x0] =	vst.idx.add.s32.msk $0xffff, v1  }
0x317: {  	v12 =	vand.u32 $0x3, v12;
	[tilespmem:v30+s24+$0x0] =	vst.idx.msk $0xffff, v24;
	_, v20, _ =	vpop (xrf1)  }
0x318: {  	v24 =	vand.u32 $0x3, v15;
	v20 =	vadd.s32 v20, v39;
	[tilespmem:v30+s25+$0x0] =	vst.idx.msk $0xffff, v25;
	_, v22, _ =	vpop (xrf1)  }
0x319: {  	v25 =	vadd.s32 v22, v32;
	[tilespmem:v21+s16+$0x0] =	vst.idx.add.s32.msk $0xffff, v1  }
0x31a: {  	[tilespmem:v33+s24+$0x0] =	vst.idx.msk $0xffff, v24;
	_, v15, _ =	vpop (xrf1)  }
0x31b: {  	v21 =	vadd.s32 $0xFFFFFFFF, v25;
	v15 =	vadd.s32 v15, v41;
	[tilespmem:v33+s25+$0x0] =	vst.idx.msk $0xffff, v17;
	_, v17, _ =	vpop (xrf1)  }
0x31c: {  	v17 =	vadd.s32 v17, v40;
	[tilespmem:v28+s17+$0x0] =	vst.idx.add.s32.msk $0xffff, v1;
	_, v22, _ =	vpop (xrf1)  }
0x31d: {  	v22 =	vadd.s32 v22, v36;
	[tilespmem:v34+s24+$0x0] =	vst.idx.msk $0xffff, v12  }
0x31e: {  	v10 =	vand.u32 $0x3, v10;
	v12 =	vadd.s32 $0xFFFFFFFF, v20;
	[tilespmem:v34+s25+$0x0] =	vst.idx.msk $0xffff, v31  }
0x31f: {  	[tilespmem:v23+s18+$0x0] =	vst.idx.add.s32.msk $0xffff, v1  }
0x320: {  	[tilespmem:v18+s24+$0x0] =	vst.idx.msk $0xffff, v10  }
0x321: {  	v8 =	vand.u32 $0x3, v8;
	[tilespmem:v18+s25+$0x0] =	vst.idx.msk $0xffff, v13  }
0x322: {  	v10 =	vadd.s32 $0xFFFFFFFF, v17;
	[tilespmem:v16+s19+$0x0] =	vst.idx.add.s32.msk $0xffff, v1  }
0x323: {  	[tilespmem:v21+s24+$0x0] =	vst.idx.msk $0xffff, v8  }
0x324: {  	v11 =	vand.u32 $0x3, v11;
	[tilespmem:v21+s25+$0x0] =	vst.idx.msk $0xffff, v26  }
0x325: {  	[tilespmem:v35+s20+$0x0] =	vst.idx.add.s32.msk $0xffff, v1  }
.Ltmp12:
0x326: {  	v8 =	vadd.s32 $0xFFFFFFFF, v15;
	[tilespmem:v12+s24+$0x0] =	vst.idx.msk $0xffff, v11;
	(pc) =	sbr.rel @p0 .LBB2_25-.Ltmp12, $4  }
0x327: {  	v11 =	vand.u32 $0x3, v6;
	[tilespmem:v12+s25+$0x0] =	vst.idx.msk $0xffff, v29  }
0x328: {  	[tilespmem:v19+s21+$0x0] =	vst.idx.add.s32.msk $0xffff, v1  }
0x329: {  	v6 =	vadd.s32 $0xFFFFFFFF, v22;
	[tilespmem:v10+s24+$0x0] =	vst.idx.msk $0xffff, v11  }
0x32a: {  	[tilespmem:v10+s25+$0x0] =	vst.idx.msk $0xffff, v9;
	v9 =	vand.u32 $0x3, v14  }
0x32b: {  	_ =	sdelay $0x3  }
0x32c: {  	[tilespmem:v5+s22+$0x0] =	vst.idx.add.s32.msk $0xffff, v1  }
0x32d: {  	[tilespmem:v8+s24+$0x0] =	vst.idx.msk $0xffff, v9  }
0x32e: {  	[tilespmem:v8+s25+$0x0] =	vst.idx.msk $0xffff, v7  }
0x32f: {  	v2 =	vand.u32 $0x3, v2;
	[tilespmem:v4+s23+$0x0] =	vst.idx.add.s32.msk $0xffff, v1  }
0x330: {  	[tilespmem:v6+s24+$0x0] =	vst.idx.msk $0xffff, v2  }
0x331: {  	[tilespmem:v6+s25+$0x0] =	vst.idx.msk $0xffff, v3  }
0x332: {  	[hbm4b:s5+s9] =	stream.strided.scatter [tilespmem:s24], [sflag:$0x1], $0x4E80, s10, s9, $0x38;
	[tilespmem:$0x1D880] =	vst v63  }
0x333: {  	s2 =	sadd.s32 $0x1, s2;
	_ =	swait.ge [sflag:s11], $0x4E80  }
0x334: {  	p0 =	sne.s32 s2, s8;
	[sflag:s11] =	ssyncset.done $0x0  }
.Ltmp13:
0x335: {  	[sflag:s11] =	ssyncadd.s32 $0xFFFFB180;
	(pc) =	sbr.rel @p0 .LBB2_2-.Ltmp13, $4  }
0x336: {  	[hbm4b:s6+s9] =	stream.strided.scatter [tilespmem:s25], [sflag:$0x1], $0x4E80, s10, s9, $0x38;
	[tilespmem:$0x1D880] =	vst v63  }
0x337: {  	_ =	swait.ge [sflag:s11], $0x4E80  }
0x338: {  	[sflag:s11] =	ssyncset.done $0x0  }
0x339: {  	[sflag:s11] =	ssyncadd.s32 $0xFFFFB180  }
.LBB2_27:
0x33a: {  	_ =	sfence.sel $0x180000  }
0x33b: {  	[bflag:$0x0] =	sbarrier.arrive $0xFFFF  }
0x33c: {  	_ =	strace $0x90000047  }
0x33d: {  	[bflag:$0x2] =	sbarrier.arrive $0xFFFF  }
0x33e: {  	p0 =	sne.s32 s1, $0x0;
	s0 =	rddreg [dreg:$0x3]  }
0x33f: {  	s0 =	sadd.s32 @!p0 $0x100000, s0  }
0x340: {  	[sflag:s0] =	ssyncadd.tile.s32 @!p0 $0x1;
	_ =	shalt  }
.Lfunc_end2:
_tile_overlayer_lowered:
.L_overlay_start_2:
0x341: {  	(tag) =	ssettag $0x2  }
0x342: {  	s0 =	rddreg [dreg:$0x0];
	s2 =	stileid.u32  }
0x343: {  	s1 =	rddreg [dreg:$0x1];
	p0 =	sne.s32 s2, $0x0  }
0x344: {  	s3 =	rddreg [dreg:$0x2];
	[bflag:$0x3] =	sbarrier.arrive $0xFFFF;
	s2 =	simm.s32 @!p0 $0x1C01  }
0x345: {  	[timem:s3], [sflag:s2] =	dma.local @!p0 [hbm:s0], s1  }
0x346: {  	s0 =	simm.s32 @!p0 $0x1  }
0x347: {  	_ =	swait.ge @!p0 [sflag:s0], s1  }
0x348: {  	s1 =	ssub.s32 @!p0 $0x0, s1;
	[sflag:s0] =	ssyncset.done @!p0 $0x0  }
0x349: {  	[sflag:s0] =	ssyncadd.s32 @!p0 s1  }
0x34a: {  	[bflag:$0x3] =	sbarrier.arrive $0xFFFF  }
0x34b: {  	_ =	shalt  }

</sc_bundles>
